<compile_context>
chip_gen: v7x
topology: tpu7x:2x2x1
jax: 0.10.2.dev20260603
libtpu: 0.0.44.dev20260713+nightly
codegen_flags: <defaults>
</compile_context>

<pallas_src>
import functools

import jax
import jax.numpy as jnp
from jax import lax
from jax.experimental import pallas as pl
from jax.experimental.pallas import tpu as pltpu
from jax.experimental.pallas import tpu_sc as plsc

NSC = 2
NSUB = 16
CH = 125
UNROLL = 5


def _make_edge_pass(n_nodes, n_edges, row, n_heads):
    n_tiles = NSC * NSUB
    per_tile = n_edges // n_tiles
    n_chunks = per_tile // CH
    assert per_tile * n_tiles == n_edges and n_chunks * CH == per_tile
    assert n_chunks % 2 == 0 and CH % UNROLL == 0
    n_hvec = row // 16 - 1
    mesh = plsc.VectorSubcoreMesh(core_axis_name="c", subcore_axis_name="s")

    def body(src_hbm, dst_hbm, htab_hbm, adtab_hbm, zeros_hbm, acc_hbm,
             srcall, dstall, srows, drows, orows, accsh, semg0, semg1,
             sems0, sems1):
        cid = lax.axis_index("c")
        sid = lax.axis_index("s")

        @pl.when(sid == 0)
        def _():
            pltpu.sync_copy(zeros_hbm, accsh)

        plsc.subcore_barrier()

        tid = sid * NSC + cid
        sems = (semg0, semg1)
        ssems = (sems0, sems1)

        pltpu.sync_copy(src_hbm.at[tid], srcall)
        pltpu.sync_copy(dst_hbm.at[tid], dstall)

        def fire(c, b):
            sem = sems[b]
            pltpu.async_copy(htab_hbm.at[srcall.at[c]], srows.at[b], sem)
            pltpu.async_copy(adtab_hbm.at[dstall.at[c]], drows.at[b], sem)

        def drain(b):
            sem = sems[b]
            pltpu.make_async_copy(htab_hbm.at[srcall.at[0]], srows.at[b],
                                  sem).wait()
            pltpu.make_async_copy(adtab_hbm.at[dstall.at[0]], drows.at[b],
                                  sem).wait()

        def drain_scatter(b):
            pltpu.make_async_copy(orows.at[b], accsh.at[dstall.at[0]],
                                  ssems[b]).wait()

        def compute_scatter(c, b):
            @pl.when(c >= 2)
            def _():
                drain_scatter(b)

            def edge_body(j, carry2):
                for jj in range(UNROLL):
                    i = j * UNROLL + jj
                    a = srows[b, i, pl.ds(0, 16)]
                    bb = drows[b, i, pl.ds(0, 16)]
                    e = a + bb
                    e = jnp.maximum(e, 0.2 * e)
                    w = jnp.exp(e)
                    orows[b, i, pl.ds(0, 16)] = w
                    for k in range(n_hvec):
                        hv = srows[b, i, pl.ds(16 + 16 * k, 16)]
                        orows[b, i, pl.ds(16 + 16 * k, 16)] = w * hv
                return carry2

            lax.fori_loop(0, CH // UNROLL, edge_body, 0)

            pltpu.async_copy(orows.at[b], accsh.at[dstall.at[c]], ssems[b],
                             add=True)

        fire(0, 0)

        def pair_body(p, carry):
            c0 = 2 * p
            fire(c0 + 1, 1)
            drain(0)
            compute_scatter(c0, 0)

            @pl.when(c0 + 2 < n_chunks)
            def _():
                fire(c0 + 2, 0)

            drain(1)
            compute_scatter(c0 + 1, 1)
            return carry

        lax.fori_loop(0, n_chunks // 2, pair_body, 0)
        drain_scatter(0)
        drain_scatter(1)
        plsc.subcore_barrier()

        @pl.when(sid == 0)
        def _():
            pltpu.sync_copy(accsh, acc_hbm.at[cid])

    return pl.kernel(
        body,
        out_type=jax.ShapeDtypeStruct((NSC, n_nodes, row), jnp.float32),
        mesh=mesh,
        compiler_params=pltpu.CompilerParams(use_tc_tiling_on_sc=False),
        scratch_types=[
            pltpu.VMEM((n_chunks, CH), jnp.int32),
            pltpu.VMEM((n_chunks, CH), jnp.int32),
            pltpu.VMEM((2, CH, row), jnp.float32),
            pltpu.VMEM((2, CH, 16), jnp.float32),
            pltpu.VMEM((2, CH, row), jnp.float32),
            pltpu.VMEM_SHARED((n_nodes, row), jnp.float32),
            pltpu.SemaphoreType.DMA,
            pltpu.SemaphoreType.DMA,
            pltpu.SemaphoreType.DMA,
            pltpu.SemaphoreType.DMA,
        ])


def _pre1_body(x_ref, w_ref, ms_ref, md_ref, rt_ref, p_ref, htab_ref,
               adtab_ref, self_ref):
    h = jnp.dot(x_ref[:], w_ref[:], preferred_element_type=jnp.float32)
    a_s = jnp.dot(h, ms_ref[:], preferred_element_type=jnp.float32)
    a_d = jnp.dot(h, md_ref[:], preferred_element_type=jnp.float32)
    ht = jnp.dot(h, p_ref[:], preferred_element_type=jnp.float32)
    htab_ref[:] = jnp.concatenate([a_s, a_s, ht], axis=1)
    adtab_ref[:] = jnp.concatenate([a_d, a_d], axis=1)
    e = a_s + a_d
    w = jnp.exp(jnp.maximum(e, 0.2 * e))
    wrept = jnp.dot(w, rt_ref[:], preferred_element_type=jnp.float32)
    self_ref[:] = jnp.concatenate([w, w, ht * wrept], axis=1)


def _mid_body(a0_ref, a1_ref, s1_ref, b1_ref, r_ref, p_ref, w2_ref, as2_ref,
              ad2_ref, htab2_ref, adtab2_ref, self2_ref):
    t = a0_ref[:] + a1_ref[:] + s1_ref[:]
    den = t[:, 0:8]
    numt = t[:, 16:80]
    num = jnp.dot(numt, p_ref[:], preferred_element_type=jnp.float32)
    dinv = 1.0 / (den + 1e-16)
    o = num * jnp.dot(dinv, r_ref[:], preferred_element_type=jnp.float32)
    o = o + b1_ref[:]
    hmid = jnp.where(o > 0, o, jnp.exp(jnp.minimum(o, 0.0)) - 1.0)
    h2 = jnp.dot(hmid, w2_ref[:], preferred_element_type=jnp.float32)
    as2 = jnp.sum(h2 * as2_ref[:], axis=1, keepdims=True)
    ad2 = jnp.sum(h2 * ad2_ref[:], axis=1, keepdims=True)
    ones16 = jnp.ones((1, 16), jnp.float32)
    htab2_ref[:] = jnp.concatenate([as2 * ones16, h2], axis=1)
    adtab2_ref[:] = ad2 * ones16
    e2 = as2 + ad2
    w2e = jnp.exp(jnp.maximum(e2, 0.2 * e2))
    self2_ref[:] = jnp.concatenate([w2e * ones16, h2 * w2e], axis=1)


def _fin_body(a0_ref, a1_ref, s2_ref, b2_ref, out_ref):
    t = a0_ref[:] + a1_ref[:] + s2_ref[:]
    den = t[:, 0:1]
    num = t[:, 16:32]
    o = num / (den + 1e-16) + b2_ref[:]
    m = jnp.max(o, axis=1, keepdims=True)
    sh = o - m
    out_ref[:] = sh - jnp.log(jnp.sum(jnp.exp(sh), axis=1, keepdims=True))


def _row_spec(bn, cols):
    return pl.BlockSpec((bn, cols), lambda i: (i, 0))


def _full_spec(rows, cols):
    return pl.BlockSpec((rows, cols), lambda i: (0, 0))


def kernel(x, edge_index, W1, att_src1, att_dst1, bias1, W2, att_src2,
           att_dst2, bias2):
    n, d = x.shape
    n_edges = edge_index.shape[1]
    n_tiles = NSC * NSUB
    n_chunks = n_edges // (n_tiles * CH)
    src = edge_index[0].reshape(n_tiles, n_chunks, CH)
    dst = edge_index[1].reshape(n_tiles, n_chunks, CH)
    bn = 1000
    grid = (n // bn,)

    eye8 = jnp.eye(8, dtype=jnp.float32)
    msrc1 = (att_src1[:, :, None] * eye8[:, None, :]).reshape(64, 8)
    mdst1 = (att_dst1[:, :, None] * eye8[:, None, :]).reshape(64, 8)
    r8 = jnp.repeat(eye8, 8, axis=1)
    rt8 = jnp.tile(eye8, (1, 8))
    j64 = jnp.arange(64)
    p64 = jnp.zeros((64, 64), jnp.float32).at[j64, (j64 % 8) * 8 + j64 // 8].set(1.0)

    htab1, adtab1, self1 = pl.pallas_call(
        _pre1_body,
        grid=grid,
        in_specs=[_row_spec(bn, d), _full_spec(d, 64), _full_spec(64, 8),
                  _full_spec(64, 8), _full_spec(8, 64), _full_spec(64, 64)],
        out_specs=[_row_spec(bn, 80), _row_spec(bn, 16), _row_spec(bn, 80)],
        out_shape=[jax.ShapeDtypeStruct((n, 80), jnp.float32),
                   jax.ShapeDtypeStruct((n, 16), jnp.float32),
                   jax.ShapeDtypeStruct((n, 80), jnp.float32)],
    )(x, W1, msrc1, mdst1, rt8, p64)

    acc1 = _make_edge_pass(n, n_edges, 80, 8)(
        src, dst, htab1, adtab1, jnp.zeros((n, 80), jnp.float32))

    htab2, adtab2, self2 = pl.pallas_call(
        _mid_body,
        grid=grid,
        in_specs=[_row_spec(bn, 80), _row_spec(bn, 80), _row_spec(bn, 80),
                  _full_spec(1, 64), _full_spec(8, 64), _full_spec(64, 64),
                  _full_spec(64, 16), _full_spec(1, 16), _full_spec(1, 16)],
        out_specs=[_row_spec(bn, 32), _row_spec(bn, 16), _row_spec(bn, 32)],
        out_shape=[jax.ShapeDtypeStruct((n, 32), jnp.float32),
                   jax.ShapeDtypeStruct((n, 16), jnp.float32),
                   jax.ShapeDtypeStruct((n, 32), jnp.float32)],
    )(acc1[0], acc1[1], self1, bias1.reshape(1, 64), r8, p64, W2,
      att_src2.reshape(1, 16), att_dst2.reshape(1, 16))

    acc2 = _make_edge_pass(n, n_edges, 32, 1)(
        src, dst, htab2, adtab2, jnp.zeros((n, 32), jnp.float32))

    out = pl.pallas_call(
        _fin_body,
        grid=grid,
        in_specs=[_row_spec(bn, 32), _row_spec(bn, 32), _row_spec(bn, 32),
                  _full_spec(1, 16)],
        out_specs=_row_spec(bn, 16),
        out_shape=jax.ShapeDtypeStruct((n, 16), jnp.float32),
    )(acc2[0], acc2[1], self2, bias2.reshape(1, 16))

    return out

# --- scband reference (transcript-rebuilt; emitter-appended) ---
"""Pipeline reference for scband-gat-net-69363721831028 (READ-ONLY COPY).

The authoritative reference and input builder live on the scoring server;
editing this copy changes nothing except your own understanding.
"""

import jax, jax.numpy as jnp
import numpy as np

N = 10000
E = 320000
D = 128
H1 = 8
C1 = 8
NUM_CLASSES = 16


def setup_inputs(seed: int = 0) -> dict:
    key = jax.random.key(seed)
    ks = jax.random.split(key, 12)
    x = jax.random.normal(ks[0], (N, D), dtype=jnp.float32)
    edge_index = jax.random.randint(ks[1], (2, E), 0, N, dtype=jnp.int32)
    # att1: GATConv(in=128, out=8, heads=8) -> concat output dim 64
    W1 = jax.random.normal(ks[2], (D, H1 * C1), dtype=jnp.float32) * 0.1
    att_src1 = jax.random.normal(ks[3], (H1, C1), dtype=jnp.float32) * 0.1
    att_dst1 = jax.random.normal(ks[4], (H1, C1), dtype=jnp.float32) * 0.1
    bias1 = jnp.zeros((H1 * C1,), dtype=jnp.float32)
    # att2: GATConv(in=64, out=num_classes=16, heads=1)
    W2 = jax.random.normal(ks[5], (H1 * C1, NUM_CLASSES), dtype=jnp.float32) * 0.1
    att_src2 = jax.random.normal(ks[6], (1, NUM_CLASSES), dtype=jnp.float32) * 0.1
    att_dst2 = jax.random.normal(ks[7], (1, NUM_CLASSES), dtype=jnp.float32) * 0.1
    bias2 = jnp.zeros((NUM_CLASSES,), dtype=jnp.float32)
    return {"x": x, "edge_index": edge_index, "W1": W1, "att_src1": att_src1,
            "att_dst1": att_dst1, "bias1": bias1, "W2": W2, "att_src2": att_src2,
            "att_dst2": att_dst2, "bias2": bias2}


def _gat_layer(x, edge_index, W, a_src, a_dst, bias, heads, out_ch):
    n = x.shape[0]
    loop = jnp.arange(n, dtype=edge_index.dtype)
    src = jnp.concatenate([edge_index[0], loop])
    dst = jnp.concatenate([edge_index[1], loop])
    h = (x @ W).reshape(n, heads, out_ch)
    alpha_s = (h * a_src[None]).sum(-1)  # [n, H]
    alpha_d = (h * a_dst[None]).sum(-1)  # [n, H]
    e = jax.nn.leaky_relu(alpha_s[src] + alpha_d[dst], negative_slope=0.2)  # [E', H]
    m = jax.ops.segment_max(e, dst, num_segments=n)
    ex = jnp.exp(e - m[dst])
    den = jax.ops.segment_sum(ex, dst, num_segments=n)
    alpha = ex / (den[dst] + 1e-16)
    out = jax.ops.segment_sum(h[src] * alpha[..., None], dst, num_segments=n)
    return out.reshape(n, heads * out_ch) + bias


def reference(x, edge_index, W1, att_src1, att_dst1, bias1, W2, att_src2, att_dst2, bias2):
    # eval mode: F.dropout and attention dropout are identity
    h = jax.nn.elu(_gat_layer(x, edge_index, W1, att_src1, att_dst1, bias1, H1, C1))
    out = _gat_layer(h, edge_index, W2, att_src2, att_dst2, bias2, 1, NUM_CLASSES)
    return jax.nn.log_softmax(out, axis=1)

if __name__ == "__main__":
    import jax
    _d = setup_inputs()
    print(jax.jit(kernel)(*tuple(_d.values())))

</pallas_src>

<mosaic_0001>
#map = affine_map<(d0, d1) -> (0, 0, 0)>
#map1 = affine_map<(d0, d1) -> (0, 0)>
module attributes {stable_mosaic.version = 14 : i64} {
  func.func @body(%arg0: i32, %arg1: i32, %arg2: memref<32x80x125xi32, #tpu.memory_space<hbm>>, %arg3: memref<32x80x125xi32, #tpu.memory_space<hbm>>, %arg4: memref<10000x80xf32, #tpu.memory_space<hbm>>, %arg5: memref<10000x16xf32, #tpu.memory_space<hbm>>, %arg6: memref<10000x80xf32, #tpu.memory_space<hbm>>, %arg7: memref<2x10000x80xf32, #tpu.memory_space<hbm>>, %arg8: memref<80x125xi32, #tpu.memory_space<vmem>>, %arg9: memref<80x125xi32, #tpu.memory_space<vmem>>, %arg10: memref<2x125x80xf32, #tpu.memory_space<vmem>>, %arg11: memref<2x125x16xf32, #tpu.memory_space<vmem>>, %arg12: memref<2x125x80xf32, #tpu.memory_space<vmem>>, %arg13: memref<10000x80xf32, #tpu.memory_space<vmem_shared>>, %arg14: memref<!tpu.dma_semaphore, #tpu.memory_space<semaphore_mem>>, %arg15: memref<!tpu.dma_semaphore, #tpu.memory_space<semaphore_mem>>, %arg16: memref<!tpu.dma_semaphore, #tpu.memory_space<semaphore_mem>>, %arg17: memref<!tpu.dma_semaphore, #tpu.memory_space<semaphore_mem>>) attributes {dimension_semantics = [#tpu.dimension_semantics<core_parallel>, #tpu.dimension_semantics<subcore_parallel>], iteration_bounds = array<i64: 2, 16>, scalar_prefetch = 0 : i64, scratch_operands = 10 : i64, tpu.core_type = #tpu.core_type<sc_vector_subcore>, window_params = [{transform_indices = #map}, {transform_indices = #map}, {transform_indices = #map1}, {transform_indices = #map1}, {transform_indices = #map1}, {transform_indices = #map}]} {
    %eq3A = arith.constant 0 : i32
    %eq3A_0 = arith.cmpi eq, %arg1, %eq3A : i32
    %convert_element_type3A = arith.extui %eq3A_0 : i1 to i32
    %cond3A = arith.constant 0 : i32
    %cond3A_1 = arith.cmpi ne, %convert_element_type3A, %cond3A : i32
    scf.if %cond3A_1 {
      "tpu.region"() ({
        %run_scoped3A = tpu.sem_alloc : memref<!tpu.dma_semaphore, #tpu.memory_space<semaphore_mem>>
        tpu.enqueue_dma source(%arg6 : memref<10000x80xf32, #tpu.memory_space<hbm>>) target(%arg13 : memref<10000x80xf32, #tpu.memory_space<vmem_shared>>) target_semaphore(%run_scoped3A : memref<!tpu.dma_semaphore, #tpu.memory_space<semaphore_mem>>)
        tpu.wait_dma2 semaphore(%run_scoped3A : memref<!tpu.dma_semaphore, #tpu.memory_space<semaphore_mem>>) src(%arg6 : memref<10000x80xf32, #tpu.memory_space<hbm>>) dst(%arg13 : memref<10000x80xf32, #tpu.memory_space<vmem_shared>>)
        tpu.yield
      }) : () -> ()
    } else {
    }
    %barrier3A = arith.constant 0 : index
    tpu.barrier barrier_id(%barrier3A)
    %mul3A = arith.constant 2 : i32
    %mul3A_2 = arith.muli %arg1, %mul3A : i32
    %add3A = arith.addi %mul3A_2, %arg0 : i32
    "tpu.region"() ({
      %run_scoped3A = tpu.sem_alloc : memref<!tpu.dma_semaphore, #tpu.memory_space<semaphore_mem>>
      %dma_start3A_60 = arith.constant 0 : i32
      %dma_start3A_61 = arith.constant 0 : i32
      %dma_start3A_62 = tpu.memref_slice %arg2[%add3A, %dma_start3A_60, %dma_start3A_61] : memref<32x80x125xi32, #tpu.memory_space<hbm>> -> memref<1x80x125xi32, #tpu.memory_space<hbm>>
      %dma_start3A_63 = tpu.memref_squeeze %dma_start3A_62 : memref<1x80x125xi32, #tpu.memory_space<hbm>> -> memref<80x125xi32, #tpu.memory_space<hbm>>
      %dma_start3A_64 = arith.constant 0 : i32
      %dma_start3A_65 = arith.constant 0 : i32
      %dma_start3A_66 = tpu.memref_slice %arg2[%add3A, %dma_start3A_64, %dma_start3A_65] : memref<32x80x125xi32, #tpu.memory_space<hbm>> -> memref<1x80x125xi32, #tpu.memory_space<hbm>>
      %dma_start3A_67 = tpu.memref_squeeze %dma_start3A_66 : memref<1x80x125xi32, #tpu.memory_space<hbm>> -> memref<80x125xi32, #tpu.memory_space<hbm>>
      tpu.enqueue_dma source(%dma_start3A_67 : memref<80x125xi32, #tpu.memory_space<hbm>>) target(%arg8 : memref<80x125xi32, #tpu.memory_space<vmem>>) target_semaphore(%run_scoped3A : memref<!tpu.dma_semaphore, #tpu.memory_space<semaphore_mem>>)
      %dma_wait3A_68 = arith.constant 0 : i32
      %dma_wait3A_69 = arith.constant 0 : i32
      %dma_wait3A_70 = tpu.memref_slice %arg2[%add3A, %dma_wait3A_68, %dma_wait3A_69] : memref<32x80x125xi32, #tpu.memory_space<hbm>> -> memref<1x80x125xi32, #tpu.memory_space<hbm>>
      %dma_wait3A_71 = tpu.memref_squeeze %dma_wait3A_70 : memref<1x80x125xi32, #tpu.memory_space<hbm>> -> memref<80x125xi32, #tpu.memory_space<hbm>>
      %dma_wait3A_72 = arith.constant 0 : i32
      %dma_wait3A_73 = arith.constant 0 : i32
      %dma_wait3A_74 = tpu.memref_slice %arg2[%add3A, %dma_wait3A_72, %dma_wait3A_73] : memref<32x80x125xi32, #tpu.memory_space<hbm>> -> memref<1x80x125xi32, #tpu.memory_space<hbm>>
      %dma_wait3A_75 = tpu.memref_squeeze %dma_wait3A_74 : memref<1x80x125xi32, #tpu.memory_space<hbm>> -> memref<80x125xi32, #tpu.memory_space<hbm>>
      tpu.wait_dma2 semaphore(%run_scoped3A : memref<!tpu.dma_semaphore, #tpu.memory_space<semaphore_mem>>) src(%dma_wait3A_75 : memref<80x125xi32, #tpu.memory_space<hbm>>) dst(%arg8 : memref<80x125xi32, #tpu.memory_space<vmem>>)
      tpu.yield
    }) : () -> ()
    "tpu.region"() ({
      %run_scoped3A = tpu.sem_alloc : memref<!tpu.dma_semaphore, #tpu.memory_space<semaphore_mem>>
      %dma_start3A_60 = arith.constant 0 : i32
      %dma_start3A_61 = arith.constant 0 : i32
      %dma_start3A_62 = tpu.memref_slice %arg3[%add3A, %dma_start3A_60, %dma_start3A_61] : memref<32x80x125xi32, #tpu.memory_space<hbm>> -> memref<1x80x125xi32, #tpu.memory_space<hbm>>
      %dma_start3A_63 = tpu.memref_squeeze %dma_start3A_62 : memref<1x80x125xi32, #tpu.memory_space<hbm>> -> memref<80x125xi32, #tpu.memory_space<hbm>>
      %dma_start3A_64 = arith.constant 0 : i32
      %dma_start3A_65 = arith.constant 0 : i32
      %dma_start3A_66 = tpu.memref_slice %arg3[%add3A, %dma_start3A_64, %dma_start3A_65] : memref<32x80x125xi32, #tpu.memory_space<hbm>> -> memref<1x80x125xi32, #tpu.memory_space<hbm>>
      %dma_start3A_67 = tpu.memref_squeeze %dma_start3A_66 : memref<1x80x125xi32, #tpu.memory_space<hbm>> -> memref<80x125xi32, #tpu.memory_space<hbm>>
      tpu.enqueue_dma source(%dma_start3A_67 : memref<80x125xi32, #tpu.memory_space<hbm>>) target(%arg9 : memref<80x125xi32, #tpu.memory_space<vmem>>) target_semaphore(%run_scoped3A : memref<!tpu.dma_semaphore, #tpu.memory_space<semaphore_mem>>)
      %dma_wait3A_68 = arith.constant 0 : i32
      %dma_wait3A_69 = arith.constant 0 : i32
      %dma_wait3A_70 = tpu.memref_slice %arg3[%add3A, %dma_wait3A_68, %dma_wait3A_69] : memref<32x80x125xi32, #tpu.memory_space<hbm>> -> memref<1x80x125xi32, #tpu.memory_space<hbm>>
      %dma_wait3A_71 = tpu.memref_squeeze %dma_wait3A_70 : memref<1x80x125xi32, #tpu.memory_space<hbm>> -> memref<80x125xi32, #tpu.memory_space<hbm>>
      %dma_wait3A_72 = arith.constant 0 : i32
      %dma_wait3A_73 = arith.constant 0 : i32
      %dma_wait3A_74 = tpu.memref_slice %arg3[%add3A, %dma_wait3A_72, %dma_wait3A_73] : memref<32x80x125xi32, #tpu.memory_space<hbm>> -> memref<1x80x125xi32, #tpu.memory_space<hbm>>
      %dma_wait3A_75 = tpu.memref_squeeze %dma_wait3A_74 : memref<1x80x125xi32, #tpu.memory_space<hbm>> -> memref<80x125xi32, #tpu.memory_space<hbm>>
      tpu.wait_dma2 semaphore(%run_scoped3A : memref<!tpu.dma_semaphore, #tpu.memory_space<semaphore_mem>>) src(%dma_wait3A_75 : memref<80x125xi32, #tpu.memory_space<hbm>>) dst(%arg9 : memref<80x125xi32, #tpu.memory_space<vmem>>)
      tpu.yield
    }) : () -> ()
    %dma_start3A = arith.constant 0 : i32
    %dma_start3A_3 = arith.constant 0 : i32
    %dma_start3A_4 = arith.constant 0 : i32
    %dma_start3A_5 = arith.constant 0 : i32
    %dma_start3A_6 = tpu.memref_slice %arg10[%dma_start3A_3, %dma_start3A_4, %dma_start3A_5] : memref<2x125x80xf32, #tpu.memory_space<vmem>> -> memref<1x125x80xf32, #tpu.memory_space<vmem>>
    %dma_start3A_7 = tpu.memref_squeeze %dma_start3A_6 : memref<1x125x80xf32, #tpu.memory_space<vmem>> -> memref<125x80xf32, #tpu.memory_space<vmem>>
    %dma_start3A_8 = arith.constant 0 : i32
    %dma_start3A_9 = tpu.memref_slice %arg8[%dma_start3A, %dma_start3A_8] : memref<80x125xi32, #tpu.memory_space<vmem>> -> memref<1x125xi32, #tpu.memory_space<vmem>>
    %dma_start3A_10 = tpu.memref_squeeze %dma_start3A_9 : memref<1x125xi32, #tpu.memory_space<vmem>> -> memref<125xi32, #tpu.memory_space<vmem>>
    %dma_start3A_11 = arith.constant 0 : i32
    %dma_start3A_12 = arith.constant 0 : i32
    %dma_start3A_13 = tpu.memref_slice %arg4[%dma_start3A_11, %dma_start3A_12] : memref<10000x80xf32, #tpu.memory_space<hbm>> -> memref<10000x80xf32, #tpu.memory_space<hbm>>
    tpu.enqueue_indirect_dma source(%dma_start3A_13 : memref<10000x80xf32, #tpu.memory_space<hbm>>) target(%dma_start3A_7 : memref<125x80xf32, #tpu.memory_space<vmem>>) offsets(%dma_start3A_10 : memref<125xi32, #tpu.memory_space<vmem>>) semaphore(%arg14 : memref<!tpu.dma_semaphore, #tpu.memory_space<semaphore_mem>>)
    %dma_start3A_14 = arith.constant 0 : i32
    %dma_start3A_15 = arith.constant 0 : i32
    %dma_start3A_16 = arith.constant 0 : i32
    %dma_start3A_17 = arith.constant 0 : i32
    %dma_start3A_18 = tpu.memref_slice %arg11[%dma_start3A_15, %dma_start3A_16, %dma_start3A_17] : memref<2x125x16xf32, #tpu.memory_space<vmem>> -> memref<1x125x16xf32, #tpu.memory_space<vmem>>
    %dma_start3A_19 = tpu.memref_squeeze %dma_start3A_18 : memref<1x125x16xf32, #tpu.memory_space<vmem>> -> memref<125x16xf32, #tpu.memory_space<vmem>>
    %dma_start3A_20 = arith.constant 0 : i32
    %dma_start3A_21 = tpu.memref_slice %arg9[%dma_start3A_14, %dma_start3A_20] : memref<80x125xi32, #tpu.memory_space<vmem>> -> memref<1x125xi32, #tpu.memory_space<vmem>>
    %dma_start3A_22 = tpu.memref_squeeze %dma_start3A_21 : memref<1x125xi32, #tpu.memory_space<vmem>> -> memref<125xi32, #tpu.memory_space<vmem>>
    %dma_start3A_23 = arith.constant 0 : i32
    %dma_start3A_24 = arith.constant 0 : i32
    %dma_start3A_25 = tpu.memref_slice %arg5[%dma_start3A_23, %dma_start3A_24] : memref<10000x16xf32, #tpu.memory_space<hbm>> -> memref<10000x16xf32, #tpu.memory_space<hbm>>
    tpu.enqueue_indirect_dma source(%dma_start3A_25 : memref<10000x16xf32, #tpu.memory_space<hbm>>) target(%dma_start3A_19 : memref<125x16xf32, #tpu.memory_space<vmem>>) offsets(%dma_start3A_22 : memref<125xi32, #tpu.memory_space<vmem>>) semaphore(%arg14 : memref<!tpu.dma_semaphore, #tpu.memory_space<semaphore_mem>>)
    %scan3A = arith.constant 0 : i32
    %scan3A_26 = arith.constant 0 : i32
    %scan3A_27 = arith.constant 40 : i32
    %scan3A_28 = arith.addi %scan3A_26, %scan3A_27 : i32
    %scan3A_29 = arith.constant 1 : i32
    scf.for %scan3A_60 = %scan3A_26 to %scan3A_28 step %scan3A_29  : i32 {
      %mul3A_61 = arith.constant 2 : i32
      %mul3A_62 = arith.muli %mul3A_61, %scan3A_60 : i32
      %add3A_63 = arith.constant 1 : i32
      %add3A_64 = arith.addi %mul3A_62, %add3A_63 : i32
      %dma_start3A_65 = arith.constant 1 : i32
      %dma_start3A_66 = arith.constant 0 : i32
      %dma_start3A_67 = arith.constant 0 : i32
      %dma_start3A_68 = tpu.memref_slice %arg10[%dma_start3A_65, %dma_start3A_66, %dma_start3A_67] : memref<2x125x80xf32, #tpu.memory_space<vmem>> -> memref<1x125x80xf32, #tpu.memory_space<vmem>>
      %dma_start3A_69 = tpu.memref_squeeze %dma_start3A_68 : memref<1x125x80xf32, #tpu.memory_space<vmem>> -> memref<125x80xf32, #tpu.memory_space<vmem>>
      %dma_start3A_70 = arith.constant 0 : i32
      %dma_start3A_71 = tpu.memref_slice %arg8[%add3A_64, %dma_start3A_70] : memref<80x125xi32, #tpu.memory_space<vmem>> -> memref<1x125xi32, #tpu.memory_space<vmem>>
      %dma_start3A_72 = tpu.memref_squeeze %dma_start3A_71 : memref<1x125xi32, #tpu.memory_space<vmem>> -> memref<125xi32, #tpu.memory_space<vmem>>
      %dma_start3A_73 = arith.constant 0 : i32
      %dma_start3A_74 = arith.constant 0 : i32
      %dma_start3A_75 = tpu.memref_slice %arg4[%dma_start3A_73, %dma_start3A_74] : memref<10000x80xf32, #tpu.memory_space<hbm>> -> memref<10000x80xf32, #tpu.memory_space<hbm>>
      tpu.enqueue_indirect_dma source(%dma_start3A_75 : memref<10000x80xf32, #tpu.memory_space<hbm>>) target(%dma_start3A_69 : memref<125x80xf32, #tpu.memory_space<vmem>>) offsets(%dma_start3A_72 : memref<125xi32, #tpu.memory_space<vmem>>) semaphore(%arg15 : memref<!tpu.dma_semaphore, #tpu.memory_space<semaphore_mem>>)
      %dma_start3A_76 = arith.constant 1 : i32
      %dma_start3A_77 = arith.constant 0 : i32
      %dma_start3A_78 = arith.constant 0 : i32
      %dma_start3A_79 = tpu.memref_slice %arg11[%dma_start3A_76, %dma_start3A_77, %dma_start3A_78] : memref<2x125x16xf32, #tpu.memory_space<vmem>> -> memref<1x125x16xf32, #tpu.memory_space<vmem>>
      %dma_start3A_80 = tpu.memref_squeeze %dma_start3A_79 : memref<1x125x16xf32, #tpu.memory_space<vmem>> -> memref<125x16xf32, #tpu.memory_space<vmem>>
      %dma_start3A_81 = arith.constant 0 : i32
      %dma_start3A_82 = tpu.memref_slice %arg9[%add3A_64, %dma_start3A_81] : memref<80x125xi32, #tpu.memory_space<vmem>> -> memref<1x125xi32, #tpu.memory_space<vmem>>
      %dma_start3A_83 = tpu.memref_squeeze %dma_start3A_82 : memref<1x125xi32, #tpu.memory_space<vmem>> -> memref<125xi32, #tpu.memory_space<vmem>>
      %dma_start3A_84 = arith.constant 0 : i32
      %dma_start3A_85 = arith.constant 0 : i32
      %dma_start3A_86 = tpu.memref_slice %arg5[%dma_start3A_84, %dma_start3A_85] : memref<10000x16xf32, #tpu.memory_space<hbm>> -> memref<10000x16xf32, #tpu.memory_space<hbm>>
      tpu.enqueue_indirect_dma source(%dma_start3A_86 : memref<10000x16xf32, #tpu.memory_space<hbm>>) target(%dma_start3A_80 : memref<125x16xf32, #tpu.memory_space<vmem>>) offsets(%dma_start3A_83 : memref<125xi32, #tpu.memory_space<vmem>>) semaphore(%arg15 : memref<!tpu.dma_semaphore, #tpu.memory_space<semaphore_mem>>)
      %dma_wait3A_87 = arith.constant 0 : i32
      %dma_wait3A_88 = arith.constant 0 : i32
      %dma_wait3A_89 = arith.constant 0 : i32
      %dma_wait3A_90 = arith.constant 0 : i32
      %dma_wait3A_91 = tpu.memref_slice %arg10[%dma_wait3A_88, %dma_wait3A_89, %dma_wait3A_90] : memref<2x125x80xf32, #tpu.memory_space<vmem>> -> memref<1x125x80xf32, #tpu.memory_space<vmem>>
      %dma_wait3A_92 = tpu.memref_squeeze %dma_wait3A_91 : memref<1x125x80xf32, #tpu.memory_space<vmem>> -> memref<125x80xf32, #tpu.memory_space<vmem>>
      %dma_wait3A_93 = arith.constant 0 : i32
      %dma_wait3A_94 = tpu.memref_slice %arg8[%dma_wait3A_87, %dma_wait3A_93] : memref<80x125xi32, #tpu.memory_space<vmem>> -> memref<1x125xi32, #tpu.memory_space<vmem>>
      %dma_wait3A_95 = tpu.memref_squeeze %dma_wait3A_94 : memref<1x125xi32, #tpu.memory_space<vmem>> -> memref<125xi32, #tpu.memory_space<vmem>>
      %dma_wait3A_96 = arith.constant 0 : i32
      %dma_wait3A_97 = arith.constant 0 : i32
      %dma_wait3A_98 = tpu.memref_slice %arg4[%dma_wait3A_96, %dma_wait3A_97] : memref<10000x80xf32, #tpu.memory_space<hbm>> -> memref<10000x80xf32, #tpu.memory_space<hbm>>
      tpu.wait_indirect_dma semaphore(%arg14 : memref<!tpu.dma_semaphore, #tpu.memory_space<semaphore_mem>>) src(%dma_wait3A_98 : memref<10000x80xf32, #tpu.memory_space<hbm>>) dst(%dma_wait3A_92 : memref<125x80xf32, #tpu.memory_space<vmem>>)
      %dma_wait3A_99 = arith.constant 0 : i32
      %dma_wait3A_100 = arith.constant 0 : i32
      %dma_wait3A_101 = arith.constant 0 : i32
      %dma_wait3A_102 = arith.constant 0 : i32
      %dma_wait3A_103 = tpu.memref_slice %arg11[%dma_wait3A_100, %dma_wait3A_101, %dma_wait3A_102] : memref<2x125x16xf32, #tpu.memory_space<vmem>> -> memref<1x125x16xf32, #tpu.memory_space<vmem>>
      %dma_wait3A_104 = tpu.memref_squeeze %dma_wait3A_103 : memref<1x125x16xf32, #tpu.memory_space<vmem>> -> memref<125x16xf32, #tpu.memory_space<vmem>>
      %dma_wait3A_105 = arith.constant 0 : i32
      %dma_wait3A_106 = tpu.memref_slice %arg9[%dma_wait3A_99, %dma_wait3A_105] : memref<80x125xi32, #tpu.memory_space<vmem>> -> memref<1x125xi32, #tpu.memory_space<vmem>>
      %dma_wait3A_107 = tpu.memref_squeeze %dma_wait3A_106 : memref<1x125xi32, #tpu.memory_space<vmem>> -> memref<125xi32, #tpu.memory_space<vmem>>
      %dma_wait3A_108 = arith.constant 0 : i32
      %dma_wait3A_109 = arith.constant 0 : i32
      %dma_wait3A_110 = tpu.memref_slice %arg5[%dma_wait3A_108, %dma_wait3A_109] : memref<10000x16xf32, #tpu.memory_space<hbm>> -> memref<10000x16xf32, #tpu.memory_space<hbm>>
      tpu.wait_indirect_dma semaphore(%arg14 : memref<!tpu.dma_semaphore, #tpu.memory_space<semaphore_mem>>) src(%dma_wait3A_110 : memref<10000x16xf32, #tpu.memory_space<hbm>>) dst(%dma_wait3A_104 : memref<125x16xf32, #tpu.memory_space<vmem>>)
      %ge3A = arith.constant 2 : i32
      %ge3A_111 = arith.cmpi sge, %mul3A_62, %ge3A : i32
      %convert_element_type3A_112 = arith.extui %ge3A_111 : i1 to i32
      %cond3A_113 = arith.constant 0 : i32
      %cond3A_114 = arith.cmpi ne, %convert_element_type3A_112, %cond3A_113 : i32
      scf.if %cond3A_114 {
        %dma_wait3A_186 = arith.constant 0 : i32
        %dma_wait3A_187 = arith.constant 0 : i32
        %dma_wait3A_188 = arith.constant 0 : i32
        %dma_wait3A_189 = arith.constant 0 : i32
        %dma_wait3A_190 = tpu.memref_slice %arg12[%dma_wait3A_186, %dma_wait3A_188, %dma_wait3A_189] : memref<2x125x80xf32, #tpu.memory_space<vmem>> -> memref<1x125x80xf32, #tpu.memory_space<vmem>>
        %dma_wait3A_191 = tpu.memref_squeeze %dma_wait3A_190 : memref<1x125x80xf32, #tpu.memory_space<vmem>> -> memref<125x80xf32, #tpu.memory_space<vmem>>
        %dma_wait3A_192 = arith.constant 0 : i32
        %dma_wait3A_193 = tpu.memref_slice %arg9[%dma_wait3A_187, %dma_wait3A_192] : memref<80x125xi32, #tpu.memory_space<vmem>> -> memref<1x125xi32, #tpu.memory_space<vmem>>
        %dma_wait3A_194 = tpu.memref_squeeze %dma_wait3A_193 : memref<1x125xi32, #tpu.memory_space<vmem>> -> memref<125xi32, #tpu.memory_space<vmem>>
        %dma_wait3A_195 = arith.constant 0 : i32
        %dma_wait3A_196 = arith.constant 0 : i32
        %dma_wait3A_197 = tpu.memref_slice %arg13[%dma_wait3A_195, %dma_wait3A_196] : memref<10000x80xf32, #tpu.memory_space<vmem_shared>> -> memref<10000x80xf32, #tpu.memory_space<vmem_shared>>
        tpu.wait_indirect_dma semaphore(%arg16 : memref<!tpu.dma_semaphore, #tpu.memory_space<semaphore_mem>>) src(%dma_wait3A_191 : memref<125x80xf32, #tpu.memory_space<vmem>>) dst(%dma_wait3A_197 : memref<10000x80xf32, #tpu.memory_space<vmem_shared>>)
      } else {
      }
      %scan3A_115 = arith.constant 0 : i32
      %scan3A_116 = arith.constant 0 : i32
      %scan3A_117 = arith.constant 25 : i32
      %scan3A_118 = arith.addi %scan3A_116, %scan3A_117 : i32
      %scan3A_119 = arith.constant 1 : i32
      scf.for %scan3A_186 = %scan3A_116 to %scan3A_118 step %scan3A_119  : i32 {
        %mul3A_187 = arith.constant 5 : i32
        %mul3A_188 = arith.muli %scan3A_186, %mul3A_187 : i32
        %add3A_189 = arith.constant 0 : i32
        %add3A_190 = arith.addi %mul3A_188, %add3A_189 : i32
        %get3A = arith.constant 0 : i32
        %get3A_191 = arith.index_cast %get3A : i32 to index
        %get3A_192 = arith.index_cast %add3A_190 : i32 to index
        %get3A_193 = arith.constant 0 : index
        %get3A_194 = tpu.vector_load %arg10[%get3A_191, %get3A_192, %get3A_193] {strides = array<i32>} : memref<2x125x80xf32, #tpu.memory_space<vmem>>, vector<1x1x16xf32>,
        %get3A_195 = vector.shape_cast %get3A_194 : vector<1x1x16xf32> to vector<16xf32>
        %get3A_196 = arith.constant 0 : i32
        %get3A_197 = arith.index_cast %get3A_196 : i32 to index
        %get3A_198 = arith.index_cast %add3A_190 : i32 to index
        %get3A_199 = arith.constant 0 : index
        %get3A_200 = tpu.vector_load %arg11[%get3A_197, %get3A_198, %get3A_199] {strides = array<i32>} : memref<2x125x16xf32, #tpu.memory_space<vmem>>, vector<1x1x16xf32>,
        %get3A_201 = vector.shape_cast %get3A_200 : vector<1x1x16xf32> to vector<16xf32>
        %add3A_202 = arith.addf %get3A_195, %get3A_201 : vector<16xf32>
        %mul3A_203 = arith.constant 2.000000e-01 : f32
        %mul3A_204 = vector.broadcast %mul3A_203 : f32 to vector<16xf32>
        %mul3A_205 = arith.mulf %mul3A_204, %add3A_202 : vector<16xf32>
        %max3A = arith.maximumf %add3A_202, %mul3A_205 : vector<16xf32>
        %exp3A = math.exp %max3A : vector<16xf32>
        %swap3A = arith.constant 0 : i32
        %swap3A_206 = arith.index_cast %swap3A : i32 to index
        %swap3A_207 = arith.index_cast %add3A_190 : i32 to index
        %swap3A_208 = arith.constant 0 : index
        %swap3A_209 = tpu.vector_load %arg12[%swap3A_206, %swap3A_207, %swap3A_208] {strides = array<i32>} : memref<2x125x80xf32, #tpu.memory_space<vmem>>, vector<1x1x16xf32>,
        %swap3A_210 = vector.shape_cast %swap3A_209 : vector<1x1x16xf32> to vector<16xf32>
        %swap3A_211 = vector.shape_cast %exp3A : vector<16xf32> to vector<1x1x16xf32>
        tpu.vector_store %arg12[%swap3A_206, %swap3A_207, %swap3A_208], %swap3A_211 {strides = array<i32>} : memref<2x125x80xf32, #tpu.memory_space<vmem>>, vector<1x1x16xf32>,
        %get3A_212 = arith.constant 0 : i32
        %get3A_213 = arith.index_cast %get3A_212 : i32 to index
        %get3A_214 = arith.index_cast %add3A_190 : i32 to index
        %get3A_215 = arith.constant 16 : index
        %get3A_216 = tpu.vector_load %arg10[%get3A_213, %get3A_214, %get3A_215] {strides = array<i32>} : memref<2x125x80xf32, #tpu.memory_space<vmem>>, vector<1x1x16xf32>,
        %get3A_217 = vector.shape_cast %get3A_216 : vector<1x1x16xf32> to vector<16xf32>
        %mul3A_218 = arith.mulf %exp3A, %get3A_217 : vector<16xf32>
        %swap3A_219 = arith.constant 0 : i32
        %swap3A_220 = arith.index_cast %swap3A_219 : i32 to index
        %swap3A_221 = arith.index_cast %add3A_190 : i32 to index
        %swap3A_222 = arith.constant 16 : index
        %swap3A_223 = tpu.vector_load %arg12[%swap3A_220, %swap3A_221, %swap3A_222] {strides = array<i32>} : memref<2x125x80xf32, #tpu.memory_space<vmem>>, vector<1x1x16xf32>,
        %swap3A_224 = vector.shape_cast %swap3A_223 : vector<1x1x16xf32> to vector<16xf32>
        %swap3A_225 = vector.shape_cast %mul3A_218 : vector<16xf32> to vector<1x1x16xf32>
        tpu.vector_store %arg12[%swap3A_220, %swap3A_221, %swap3A_222], %swap3A_225 {strides = array<i32>} : memref<2x125x80xf32, #tpu.memory_space<vmem>>, vector<1x1x16xf32>,
        %get3A_226 = arith.constant 0 : i32
        %get3A_227 = arith.index_cast %get3A_226 : i32 to index
        %get3A_228 = arith.index_cast %add3A_190 : i32 to index
        %get3A_229 = arith.constant 32 : index
        %get3A_230 = tpu.vector_load %arg10[%get3A_227, %get3A_228, %get3A_229] {strides = array<i32>} : memref<2x125x80xf32, #tpu.memory_space<vmem>>, vector<1x1x16xf32>,
        %get3A_231 = vector.shape_cast %get3A_230 : vector<1x1x16xf32> to vector<16xf32>
        %mul3A_232 = arith.mulf %exp3A, %get3A_231 : vector<16xf32>
        %swap3A_233 = arith.constant 0 : i32
        %swap3A_234 = arith.index_cast %swap3A_233 : i32 to index
        %swap3A_235 = arith.index_cast %add3A_190 : i32 to index
        %swap3A_236 = arith.constant 32 : index
        %swap3A_237 = tpu.vector_load %arg12[%swap3A_234, %swap3A_235, %swap3A_236] {strides = array<i32>} : memref<2x125x80xf32, #tpu.memory_space<vmem>>, vector<1x1x16xf32>,
        %swap3A_238 = vector.shape_cast %swap3A_237 : vector<1x1x16xf32> to vector<16xf32>
        %swap3A_239 = vector.shape_cast %mul3A_232 : vector<16xf32> to vector<1x1x16xf32>
        tpu.vector_store %arg12[%swap3A_234, %swap3A_235, %swap3A_236], %swap3A_239 {strides = array<i32>} : memref<2x125x80xf32, #tpu.memory_space<vmem>>, vector<1x1x16xf32>,
        %get3A_240 = arith.constant 0 : i32
        %get3A_241 = arith.index_cast %get3A_240 : i32 to index
        %get3A_242 = arith.index_cast %add3A_190 : i32 to index
        %get3A_243 = arith.constant 48 : index
        %get3A_244 = tpu.vector_load %arg10[%get3A_241, %get3A_242, %get3A_243] {strides = array<i32>} : memref<2x125x80xf32, #tpu.memory_space<vmem>>, vector<1x1x16xf32>,
        %get3A_245 = vector.shape_cast %get3A_244 : vector<1x1x16xf32> to vector<16xf32>
        %mul3A_246 = arith.mulf %exp3A, %get3A_245 : vector<16xf32>
        %swap3A_247 = arith.constant 0 : i32
        %swap3A_248 = arith.index_cast %swap3A_247 : i32 to index
        %swap3A_249 = arith.index_cast %add3A_190 : i32 to index
        %swap3A_250 = arith.constant 48 : index
        %swap3A_251 = tpu.vector_load %arg12[%swap3A_248, %swap3A_249, %swap3A_250] {strides = array<i32>} : memref<2x125x80xf32, #tpu.memory_space<vmem>>, vector<1x1x16xf32>,
        %swap3A_252 = vector.shape_cast %swap3A_251 : vector<1x1x16xf32> to vector<16xf32>
        %swap3A_253 = vector.shape_cast %mul3A_246 : vector<16xf32> to vector<1x1x16xf32>
        tpu.vector_store %arg12[%swap3A_248, %swap3A_249, %swap3A_250], %swap3A_253 {strides = array<i32>} : memref<2x125x80xf32, #tpu.memory_space<vmem>>, vector<1x1x16xf32>,
        %get3A_254 = arith.constant 0 : i32
        %get3A_255 = arith.index_cast %get3A_254 : i32 to index
        %get3A_256 = arith.index_cast %add3A_190 : i32 to index
        %get3A_257 = arith.constant 64 : index
        %get3A_258 = tpu.vector_load %arg10[%get3A_255, %get3A_256, %get3A_257] {strides = array<i32>} : memref<2x125x80xf32, #tpu.memory_space<vmem>>, vector<1x1x16xf32>,
        %get3A_259 = vector.shape_cast %get3A_258 : vector<1x1x16xf32> to vector<16xf32>
        %mul3A_260 = arith.mulf %exp3A, %get3A_259 : vector<16xf32>
        %swap3A_261 = arith.constant 0 : i32
        %swap3A_262 = arith.index_cast %swap3A_261 : i32 to index
        %swap3A_263 = arith.index_cast %add3A_190 : i32 to index
        %swap3A_264 = arith.constant 64 : index
        %swap3A_265 = tpu.vector_load %arg12[%swap3A_262, %swap3A_263, %swap3A_264] {strides = array<i32>} : memref<2x125x80xf32, #tpu.memory_space<vmem>>, vector<1x1x16xf32>,
        %swap3A_266 = vector.shape_cast %swap3A_265 : vector<1x1x16xf32> to vector<16xf32>
        %swap3A_267 = vector.shape_cast %mul3A_260 : vector<16xf32> to vector<1x1x16xf32>
        tpu.vector_store %arg12[%swap3A_262, %swap3A_263, %swap3A_264], %swap3A_267 {strides = array<i32>} : memref<2x125x80xf32, #tpu.memory_space<vmem>>, vector<1x1x16xf32>,
        %mul3A_268 = arith.constant 5 : i32
        %mul3A_269 = arith.muli %scan3A_186, %mul3A_268 : i32
        %add3A_270 = arith.constant 1 : i32
        %add3A_271 = arith.addi %mul3A_269, %add3A_270 : i32
        %get3A_272 = arith.constant 0 : i32
        %get3A_273 = arith.index_cast %get3A_272 : i32 to index
        %get3A_274 = arith.index_cast %add3A_271 : i32 to index
        %get3A_275 = arith.constant 0 : index
        %get3A_276 = tpu.vector_load %arg10[%get3A_273, %get3A_274, %get3A_275] {strides = array<i32>} : memref<2x125x80xf32, #tpu.memory_space<vmem>>, vector<1x1x16xf32>,
        %get3A_277 = vector.shape_cast %get3A_276 : vector<1x1x16xf32> to vector<16xf32>
        %get3A_278 = arith.constant 0 : i32
        %get3A_279 = arith.index_cast %get3A_278 : i32 to index
        %get3A_280 = arith.index_cast %add3A_271 : i32 to index
        %get3A_281 = arith.constant 0 : index
        %get3A_282 = tpu.vector_load %arg11[%get3A_279, %get3A_280, %get3A_281] {strides = array<i32>} : memref<2x125x16xf32, #tpu.memory_space<vmem>>, vector<1x1x16xf32>,
        %get3A_283 = vector.shape_cast %get3A_282 : vector<1x1x16xf32> to vector<16xf32>
        %add3A_284 = arith.addf %get3A_277, %get3A_283 : vector<16xf32>
        %mul3A_285 = arith.constant 2.000000e-01 : f32
        %mul3A_286 = vector.broadcast %mul3A_285 : f32 to vector<16xf32>
        %mul3A_287 = arith.mulf %mul3A_286, %add3A_284 : vector<16xf32>
        %max3A_288 = arith.maximumf %add3A_284, %mul3A_287 : vector<16xf32>
        %exp3A_289 = math.exp %max3A_288 : vector<16xf32>
        %swap3A_290 = arith.constant 0 : i32
        %swap3A_291 = arith.index_cast %swap3A_290 : i32 to index
        %swap3A_292 = arith.index_cast %add3A_271 : i32 to index
        %swap3A_293 = arith.constant 0 : index
        %swap3A_294 = tpu.vector_load %arg12[%swap3A_291, %swap3A_292, %swap3A_293] {strides = array<i32>} : memref<2x125x80xf32, #tpu.memory_space<vmem>>, vector<1x1x16xf32>,
        %swap3A_295 = vector.shape_cast %swap3A_294 : vector<1x1x16xf32> to vector<16xf32>
        %swap3A_296 = vector.shape_cast %exp3A_289 : vector<16xf32> to vector<1x1x16xf32>
        tpu.vector_store %arg12[%swap3A_291, %swap3A_292, %swap3A_293], %swap3A_296 {strides = array<i32>} : memref<2x125x80xf32, #tpu.memory_space<vmem>>, vector<1x1x16xf32>,
        %get3A_297 = arith.constant 0 : i32
        %get3A_298 = arith.index_cast %get3A_297 : i32 to index
        %get3A_299 = arith.index_cast %add3A_271 : i32 to index
        %get3A_300 = arith.constant 16 : index
        %get3A_301 = tpu.vector_load %arg10[%get3A_298, %get3A_299, %get3A_300] {strides = array<i32>} : memref<2x125x80xf32, #tpu.memory_space<vmem>>, vector<1x1x16xf32>,
        %get3A_302 = vector.shape_cast %get3A_301 : vector<1x1x16xf32> to vector<16xf32>
        %mul3A_303 = arith.mulf %exp3A_289, %get3A_302 : vector<16xf32>
        %swap3A_304 = arith.constant 0 : i32
        %swap3A_305 = arith.index_cast %swap3A_304 : i32 to index
        %swap3A_306 = arith.index_cast %add3A_271 : i32 to index
        %swap3A_307 = arith.constant 16 : index
        %swap3A_308 = tpu.vector_load %arg12[%swap3A_305, %swap3A_306, %swap3A_307] {strides = array<i32>} : memref<2x125x80xf32, #tpu.memory_space<vmem>>, vector<1x1x16xf32>,
        %swap3A_309 = vector.shape_cast %swap3A_308 : vector<1x1x16xf32> to vector<16xf32>
        %swap3A_310 = vector.shape_cast %mul3A_303 : vector<16xf32> to vector<1x1x16xf32>
        tpu.vector_store %arg12[%swap3A_305, %swap3A_306, %swap3A_307], %swap3A_310 {strides = array<i32>} : memref<2x125x80xf32, #tpu.memory_space<vmem>>, vector<1x1x16xf32>,
        %get3A_311 = arith.constant 0 : i32
        %get3A_312 = arith.index_cast %get3A_311 : i32 to index
        %get3A_313 = arith.index_cast %add3A_271 : i32 to index
        %get3A_314 = arith.constant 32 : index
        %get3A_315 = tpu.vector_load %arg10[%get3A_312, %get3A_313, %get3A_314] {strides = array<i32>} : memref<2x125x80xf32, #tpu.memory_space<vmem>>, vector<1x1x16xf32>,
        %get3A_316 = vector.shape_cast %get3A_315 : vector<1x1x16xf32> to vector<16xf32>
        %mul3A_317 = arith.mulf %exp3A_289, %get3A_316 : vector<16xf32>
        %swap3A_318 = arith.constant 0 : i32
        %swap3A_319 = arith.index_cast %swap3A_318 : i32 to index
        %swap3A_320 = arith.index_cast %add3A_271 : i32 to index
        %swap3A_321 = arith.constant 32 : index
        %swap3A_322 = tpu.vector_load %arg12[%swap3A_319, %swap3A_320, %swap3A_321] {strides = array<i32>} : memref<2x125x80xf32, #tpu.memory_space<vmem>>, vector<1x1x16xf32>,
        %swap3A_323 = vector.shape_cast %swap3A_322 : vector<1x1x16xf32> to vector<16xf32>
        %swap3A_324 = vector.shape_cast %mul3A_317 : vector<16xf32> to vector<1x1x16xf32>
        tpu.vector_store %arg12[%swap3A_319, %swap3A_320, %swap3A_321], %swap3A_324 {strides = array<i32>} : memref<2x125x80xf32, #tpu.memory_space<vmem>>, vector<1x1x16xf32>,
        %get3A_325 = arith.constant 0 : i32
        %get3A_326 = arith.index_cast %get3A_325 : i32 to index
        %get3A_327 = arith.index_cast %add3A_271 : i32 to index
        %get3A_328 = arith.constant 48 : index
        %get3A_329 = tpu.vector_load %arg10[%get3A_326, %get3A_327, %get3A_328] {strides = array<i32>} : memref<2x125x80xf32, #tpu.memory_space<vmem>>, vector<1x1x16xf32>,
        %get3A_330 = vector.shape_cast %get3A_329 : vector<1x1x16xf32> to vector<16xf32>
        %mul3A_331 = arith.mulf %exp3A_289, %get3A_330 : vector<16xf32>
        %swap3A_332 = arith.constant 0 : i32
        %swap3A_333 = arith.index_cast %swap3A_332 : i32 to index
        %swap3A_334 = arith.index_cast %add3A_271 : i32 to index
        %swap3A_335 = arith.constant 48 : index
        %swap3A_336 = tpu.vector_load %arg12[%swap3A_333, %swap3A_334, %swap3A_335] {strides = array<i32>} : memref<2x125x80xf32, #tpu.memory_space<vmem>>, vector<1x1x16xf32>,
        %swap3A_337 = vector.shape_cast %swap3A_336 : vector<1x1x16xf32> to vector<16xf32>
        %swap3A_338 = vector.shape_cast %mul3A_331 : vector<16xf32> to vector<1x1x16xf32>
        tpu.vector_store %arg12[%swap3A_333, %swap3A_334, %swap3A_335], %swap3A_338 {strides = array<i32>} : memref<2x125x80xf32, #tpu.memory_space<vmem>>, vector<1x1x16xf32>,
        %get3A_339 = arith.constant 0 : i32
        %get3A_340 = arith.index_cast %get3A_339 : i32 to index
        %get3A_341 = arith.index_cast %add3A_271 : i32 to index
        %get3A_342 = arith.constant 64 : index
        %get3A_343 = tpu.vector_load %arg10[%get3A_340, %get3A_341, %get3A_342] {strides = array<i32>} : memref<2x125x80xf32, #tpu.memory_space<vmem>>, vector<1x1x16xf32>,
        %get3A_344 = vector.shape_cast %get3A_343 : vector<1x1x16xf32> to vector<16xf32>
        %mul3A_345 = arith.mulf %exp3A_289, %get3A_344 : vector<16xf32>
        %swap3A_346 = arith.constant 0 : i32
        %swap3A_347 = arith.index_cast %swap3A_346 : i32 to index
        %swap3A_348 = arith.index_cast %add3A_271 : i32 to index
        %swap3A_349 = arith.constant 64 : index
        %swap3A_350 = tpu.vector_load %arg12[%swap3A_347, %swap3A_348, %swap3A_349] {strides = array<i32>} : memref<2x125x80xf32, #tpu.memory_space<vmem>>, vector<1x1x16xf32>,
        %swap3A_351 = vector.shape_cast %swap3A_350 : vector<1x1x16xf32> to vector<16xf32>
        %swap3A_352 = vector.shape_cast %mul3A_345 : vector<16xf32> to vector<1x1x16xf32>
        tpu.vector_store %arg12[%swap3A_347, %swap3A_348, %swap3A_349], %swap3A_352 {strides = array<i32>} : memref<2x125x80xf32, #tpu.memory_space<vmem>>, vector<1x1x16xf32>,
        %mul3A_353 = arith.constant 5 : i32
        %mul3A_354 = arith.muli %scan3A_186, %mul3A_353 : i32
        %add3A_355 = arith.constant 2 : i32
        %add3A_356 = arith.addi %mul3A_354, %add3A_355 : i32
        %get3A_357 = arith.constant 0 : i32
        %get3A_358 = arith.index_cast %get3A_357 : i32 to index
        %get3A_359 = arith.index_cast %add3A_356 : i32 to index
        %get3A_360 = arith.constant 0 : index
        %get3A_361 = tpu.vector_load %arg10[%get3A_358, %get3A_359, %get3A_360] {strides = array<i32>} : memref<2x125x80xf32, #tpu.memory_space<vmem>>, vector<1x1x16xf32>,
        %get3A_362 = vector.shape_cast %get3A_361 : vector<1x1x16xf32> to vector<16xf32>
        %get3A_363 = arith.constant 0 : i32
        %get3A_364 = arith.index_cast %get3A_363 : i32 to index
        %get3A_365 = arith.index_cast %add3A_356 : i32 to index
        %get3A_366 = arith.constant 0 : index
        %get3A_367 = tpu.vector_load %arg11[%get3A_364, %get3A_365, %get3A_366] {strides = array<i32>} : memref<2x125x16xf32, #tpu.memory_space<vmem>>, vector<1x1x16xf32>,
        %get3A_368 = vector.shape_cast %get3A_367 : vector<1x1x16xf32> to vector<16xf32>
        %add3A_369 = arith.addf %get3A_362, %get3A_368 : vector<16xf32>
        %mul3A_370 = arith.constant 2.000000e-01 : f32
        %mul3A_371 = vector.broadcast %mul3A_370 : f32 to vector<16xf32>
        %mul3A_372 = arith.mulf %mul3A_371, %add3A_369 : vector<16xf32>
        %max3A_373 = arith.maximumf %add3A_369, %mul3A_372 : vector<16xf32>
        %exp3A_374 = math.exp %max3A_373 : vector<16xf32>
        %swap3A_375 = arith.constant 0 : i32
        %swap3A_376 = arith.index_cast %swap3A_375 : i32 to index
        %swap3A_377 = arith.index_cast %add3A_356 : i32 to index
        %swap3A_378 = arith.constant 0 : index
        %swap3A_379 = tpu.vector_load %arg12[%swap3A_376, %swap3A_377, %swap3A_378] {strides = array<i32>} : memref<2x125x80xf32, #tpu.memory_space<vmem>>, vector<1x1x16xf32>,
        %swap3A_380 = vector.shape_cast %swap3A_379 : vector<1x1x16xf32> to vector<16xf32>
        %swap3A_381 = vector.shape_cast %exp3A_374 : vector<16xf32> to vector<1x1x16xf32>
        tpu.vector_store %arg12[%swap3A_376, %swap3A_377, %swap3A_378], %swap3A_381 {strides = array<i32>} : memref<2x125x80xf32, #tpu.memory_space<vmem>>, vector<1x1x16xf32>,
        %get3A_382 = arith.constant 0 : i32
        %get3A_383 = arith.index_cast %get3A_382 : i32 to index
        %get3A_384 = arith.index_cast %add3A_356 : i32 to index
        %get3A_385 = arith.constant 16 : index
        %get3A_386 = tpu.vector_load %arg10[%get3A_383, %get3A_384, %get3A_385] {strides = array<i32>} : memref<2x125x80xf32, #tpu.memory_space<vmem>>, vector<1x1x16xf32>,
        %get3A_387 = vector.shape_cast %get3A_386 : vector<1x1x16xf32> to vector<16xf32>
        %mul3A_388 = arith.mulf %exp3A_374, %get3A_387 : vector<16xf32>
        %swap3A_389 = arith.constant 0 : i32
        %swap3A_390 = arith.index_cast %swap3A_389 : i32 to index
        %swap3A_391 = arith.index_cast %add3A_356 : i32 to index
        %swap3A_392 = arith.constant 16 : index
        %swap3A_393 = tpu.vector_load %arg12[%swap3A_390, %swap3A_391, %swap3A_392] {strides = array<i32>} : memref<2x125x80xf32, #tpu.memory_space<vmem>>, vector<1x1x16xf32>,
        %swap3A_394 = vector.shape_cast %swap3A_393 : vector<1x1x16xf32> to vector<16xf32>
        %swap3A_395 = vector.shape_cast %mul3A_388 : vector<16xf32> to vector<1x1x16xf32>
        tpu.vector_store %arg12[%swap3A_390, %swap3A_391, %swap3A_392], %swap3A_395 {strides = array<i32>} : memref<2x125x80xf32, #tpu.memory_space<vmem>>, vector<1x1x16xf32>,
        %get3A_396 = arith.constant 0 : i32
        %get3A_397 = arith.index_cast %get3A_396 : i32 to index
        %get3A_398 = arith.index_cast %add3A_356 : i32 to index
        %get3A_399 = arith.constant 32 : index
        %get3A_400 = tpu.vector_load %arg10[%get3A_397, %get3A_398, %get3A_399] {strides = array<i32>} : memref<2x125x80xf32, #tpu.memory_space<vmem>>, vector<1x1x16xf32>,
        %get3A_401 = vector.shape_cast %get3A_400 : vector<1x1x16xf32> to vector<16xf32>
        %mul3A_402 = arith.mulf %exp3A_374, %get3A_401 : vector<16xf32>
        %swap3A_403 = arith.constant 0 : i32
        %swap3A_404 = arith.index_cast %swap3A_403 : i32 to index
        %swap3A_405 = arith.index_cast %add3A_356 : i32 to index
        %swap3A_406 = arith.constant 32 : index
        %swap3A_407 = tpu.vector_load %arg12[%swap3A_404, %swap3A_405, %swap3A_406] {strides = array<i32>} : memref<2x125x80xf32, #tpu.memory_space<vmem>>, vector<1x1x16xf32>,
        %swap3A_408 = vector.shape_cast %swap3A_407 : vector<1x1x16xf32> to vector<16xf32>
        %swap3A_409 = vector.shape_cast %mul3A_402 : vector<16xf32> to vector<1x1x16xf32>
        tpu.vector_store %arg12[%swap3A_404, %swap3A_405, %swap3A_406], %swap3A_409 {strides = array<i32>} : memref<2x125x80xf32, #tpu.memory_space<vmem>>, vector<1x1x16xf32>,
        %get3A_410 = arith.constant 0 : i32
        %get3A_411 = arith.index_cast %get3A_410 : i32 to index
        %get3A_412 = arith.index_cast %add3A_356 : i32 to index
        %get3A_413 = arith.constant 48 : index
        %get3A_414 = tpu.vector_load %arg10[%get3A_411, %get3A_412, %get3A_413] {strides = array<i32>} : memref<2x125x80xf32, #tpu.memory_space<vmem>>, vector<1x1x16xf32>,
        %get3A_415 = vector.shape_cast %get3A_414 : vector<1x1x16xf32> to vector<16xf32>
        %mul3A_416 = arith.mulf %exp3A_374, %get3A_415 : vector<16xf32>
        %swap3A_417 = arith.constant 0 : i32
        %swap3A_418 = arith.index_cast %swap3A_417 : i32 to index
        %swap3A_419 = arith.index_cast %add3A_356 : i32 to index
        %swap3A_420 = arith.constant 48 : index
        %swap3A_421 = tpu.vector_load %arg12[%swap3A_418, %swap3A_419, %swap3A_420] {strides = array<i32>} : memref<2x125x80xf32, #tpu.memory_space<vmem>>, vector<1x1x16xf32>,
        %swap3A_422 = vector.shape_cast %swap3A_421 : vector<1x1x16xf32> to vector<16xf32>
        %swap3A_423 = vector.shape_cast %mul3A_416 : vector<16xf32> to vector<1x1x16xf32>
        tpu.vector_store %arg12[%swap3A_418, %swap3A_419, %swap3A_420], %swap3A_423 {strides = array<i32>} : memref<2x125x80xf32, #tpu.memory_space<vmem>>, vector<1x1x16xf32>,
        %get3A_424 = arith.constant 0 : i32
        %get3A_425 = arith.index_cast %get3A_424 : i32 to index
        %get3A_426 = arith.index_cast %add3A_356 : i32 to index
        %get3A_427 = arith.constant 64 : index
        %get3A_428 = tpu.vector_load %arg10[%get3A_425, %get3A_426, %get3A_427] {strides = array<i32>} : memref<2x125x80xf32, #tpu.memory_space<vmem>>, vector<1x1x16xf32>,
        %get3A_429 = vector.shape_cast %get3A_428 : vector<1x1x16xf32> to vector<16xf32>
        %mul3A_430 = arith.mulf %exp3A_374, %get3A_429 : vector<16xf32>
        %swap3A_431 = arith.constant 0 : i32
        %swap3A_432 = arith.index_cast %swap3A_431 : i32 to index
        %swap3A_433 = arith.index_cast %add3A_356 : i32 to index
        %swap3A_434 = arith.constant 64 : index
        %swap3A_435 = tpu.vector_load %arg12[%swap3A_432, %swap3A_433, %swap3A_434] {strides = array<i32>} : memref<2x125x80xf32, #tpu.memory_space<vmem>>, vector<1x1x16xf32>,
        %swap3A_436 = vector.shape_cast %swap3A_435 : vector<1x1x16xf32> to vector<16xf32>
        %swap3A_437 = vector.shape_cast %mul3A_430 : vector<16xf32> to vector<1x1x16xf32>
        tpu.vector_store %arg12[%swap3A_432, %swap3A_433, %swap3A_434], %swap3A_437 {strides = array<i32>} : memref<2x125x80xf32, #tpu.memory_space<vmem>>, vector<1x1x16xf32>,
        %mul3A_438 = arith.constant 5 : i32
        %mul3A_439 = arith.muli %scan3A_186, %mul3A_438 : i32
        %add3A_440 = arith.constant 3 : i32
        %add3A_441 = arith.addi %mul3A_439, %add3A_440 : i32
        %get3A_442 = arith.constant 0 : i32
        %get3A_443 = arith.index_cast %get3A_442 : i32 to index
        %get3A_444 = arith.index_cast %add3A_441 : i32 to index
        %get3A_445 = arith.constant 0 : index
        %get3A_446 = tpu.vector_load %arg10[%get3A_443, %get3A_444, %get3A_445] {strides = array<i32>} : memref<2x125x80xf32, #tpu.memory_space<vmem>>, vector<1x1x16xf32>,
        %get3A_447 = vector.shape_cast %get3A_446 : vector<1x1x16xf32> to vector<16xf32>
        %get3A_448 = arith.constant 0 : i32
        %get3A_449 = arith.index_cast %get3A_448 : i32 to index
        %get3A_450 = arith.index_cast %add3A_441 : i32 to index
        %get3A_451 = arith.constant 0 : index
        %get3A_452 = tpu.vector_load %arg11[%get3A_449, %get3A_450, %get3A_451] {strides = array<i32>} : memref<2x125x16xf32, #tpu.memory_space<vmem>>, vector<1x1x16xf32>,
        %get3A_453 = vector.shape_cast %get3A_452 : vector<1x1x16xf32> to vector<16xf32>
        %add3A_454 = arith.addf %get3A_447, %get3A_453 : vector<16xf32>
        %mul3A_455 = arith.constant 2.000000e-01 : f32
        %mul3A_456 = vector.broadcast %mul3A_455 : f32 to vector<16xf32>
        %mul3A_457 = arith.mulf %mul3A_456, %add3A_454 : vector<16xf32>
        %max3A_458 = arith.maximumf %add3A_454, %mul3A_457 : vector<16xf32>
        %exp3A_459 = math.exp %max3A_458 : vector<16xf32>
        %swap3A_460 = arith.constant 0 : i32
        %swap3A_461 = arith.index_cast %swap3A_460 : i32 to index
        %swap3A_462 = arith.index_cast %add3A_441 : i32 to index
        %swap3A_463 = arith.constant 0 : index
        %swap3A_464 = tpu.vector_load %arg12[%swap3A_461, %swap3A_462, %swap3A_463] {strides = array<i32>} : memref<2x125x80xf32, #tpu.memory_space<vmem>>, vector<1x1x16xf32>,
        %swap3A_465 = vector.shape_cast %swap3A_464 : vector<1x1x16xf32> to vector<16xf32>
        %swap3A_466 = vector.shape_cast %exp3A_459 : vector<16xf32> to vector<1x1x16xf32>
        tpu.vector_store %arg12[%swap3A_461, %swap3A_462, %swap3A_463], %swap3A_466 {strides = array<i32>} : memref<2x125x80xf32, #tpu.memory_space<vmem>>, vector<1x1x16xf32>,
        %get3A_467 = arith.constant 0 : i32
        %get3A_468 = arith.index_cast %get3A_467 : i32 to index
        %get3A_469 = arith.index_cast %add3A_441 : i32 to index
        %get3A_470 = arith.constant 16 : index
        %get3A_471 = tpu.vector_load %arg10[%get3A_468, %get3A_469, %get3A_470] {strides = array<i32>} : memref<2x125x80xf32, #tpu.memory_space<vmem>>, vector<1x1x16xf32>,
        %get3A_472 = vector.shape_cast %get3A_471 : vector<1x1x16xf32> to vector<16xf32>
        %mul3A_473 = arith.mulf %exp3A_459, %get3A_472 : vector<16xf32>
        %swap3A_474 = arith.constant 0 : i32
        %swap3A_475 = arith.index_cast %swap3A_474 : i32 to index
        %swap3A_476 = arith.index_cast %add3A_441 : i32 to index
        %swap3A_477 = arith.constant 16 : index
        %swap3A_478 = tpu.vector_load %arg12[%swap3A_475, %swap3A_476, %swap3A_477] {strides = array<i32>} : memref<2x125x80xf32, #tpu.memory_space<vmem>>, vector<1x1x16xf32>,
        %swap3A_479 = vector.shape_cast %swap3A_478 : vector<1x1x16xf32> to vector<16xf32>
        %swap3A_480 = vector.shape_cast %mul3A_473 : vector<16xf32> to vector<1x1x16xf32>
        tpu.vector_store %arg12[%swap3A_475, %swap3A_476, %swap3A_477], %swap3A_480 {strides = array<i32>} : memref<2x125x80xf32, #tpu.memory_space<vmem>>, vector<1x1x16xf32>,
        %get3A_481 = arith.constant 0 : i32
        %get3A_482 = arith.index_cast %get3A_481 : i32 to index
        %get3A_483 = arith.index_cast %add3A_441 : i32 to index
        %get3A_484 = arith.constant 32 : index
        %get3A_485 = tpu.vector_load %arg10[%get3A_482, %get3A_483, %get3A_484] {strides = array<i32>} : memref<2x125x80xf32, #tpu.memory_space<vmem>>, vector<1x1x16xf32>,
        %get3A_486 = vector.shape_cast %get3A_485 : vector<1x1x16xf32> to vector<16xf32>
        %mul3A_487 = arith.mulf %exp3A_459, %get3A_486 : vector<16xf32>
        %swap3A_488 = arith.constant 0 : i32
        %swap3A_489 = arith.index_cast %swap3A_488 : i32 to index
        %swap3A_490 = arith.index_cast %add3A_441 : i32 to index
        %swap3A_491 = arith.constant 32 : index
        %swap3A_492 = tpu.vector_load %arg12[%swap3A_489, %swap3A_490, %swap3A_491] {strides = array<i32>} : memref<2x125x80xf32, #tpu.memory_space<vmem>>, vector<1x1x16xf32>,
        %swap3A_493 = vector.shape_cast %swap3A_492 : vector<1x1x16xf32> to vector<16xf32>
        %swap3A_494 = vector.shape_cast %mul3A_487 : vector<16xf32> to vector<1x1x16xf32>
        tpu.vector_store %arg12[%swap3A_489, %swap3A_490, %swap3A_491], %swap3A_494 {strides = array<i32>} : memref<2x125x80xf32, #tpu.memory_space<vmem>>, vector<1x1x16xf32>,
        %get3A_495 = arith.constant 0 : i32
        %get3A_496 = arith.index_cast %get3A_495 : i32 to index
        %get3A_497 = arith.index_cast %add3A_441 : i32 to index
        %get3A_498 = arith.constant 48 : index
        %get3A_499 = tpu.vector_load %arg10[%get3A_496, %get3A_497, %get3A_498] {strides = array<i32>} : memref<2x125x80xf32, #tpu.memory_space<vmem>>, vector<1x1x16xf32>,
        %get3A_500 = vector.shape_cast %get3A_499 : vector<1x1x16xf32> to vector<16xf32>
        %mul3A_501 = arith.mulf %exp3A_459, %get3A_500 : vector<16xf32>
        %swap3A_502 = arith.constant 0 : i32
        %swap3A_503 = arith.index_cast %swap3A_502 : i32 to index
        %swap3A_504 = arith.index_cast %add3A_441 : i32 to index
        %swap3A_505 = arith.constant 48 : index
        %swap3A_506 = tpu.vector_load %arg12[%swap3A_503, %swap3A_504, %swap3A_505] {strides = array<i32>} : memref<2x125x80xf32, #tpu.memory_space<vmem>>, vector<1x1x16xf32>,
        %swap3A_507 = vector.shape_cast %swap3A_506 : vector<1x1x16xf32> to vector<16xf32>
        %swap3A_508 = vector.shape_cast %mul3A_501 : vector<16xf32> to vector<1x1x16xf32>
        tpu.vector_store %arg12[%swap3A_503, %swap3A_504, %swap3A_505], %swap3A_508 {strides = array<i32>} : memref<2x125x80xf32, #tpu.memory_space<vmem>>, vector<1x1x16xf32>,
        %get3A_509 = arith.constant 0 : i32
        %get3A_510 = arith.index_cast %get3A_509 : i32 to index
        %get3A_511 = arith.index_cast %add3A_441 : i32 to index
        %get3A_512 = arith.constant 64 : index
        %get3A_513 = tpu.vector_load %arg10[%get3A_510, %get3A_511, %get3A_512] {strides = array<i32>} : memref<2x125x80xf32, #tpu.memory_space<vmem>>, vector<1x1x16xf32>,
        %get3A_514 = vector.shape_cast %get3A_513 : vector<1x1x16xf32> to vector<16xf32>
        %mul3A_515 = arith.mulf %exp3A_459, %get3A_514 : vector<16xf32>
        %swap3A_516 = arith.constant 0 : i32
        %swap3A_517 = arith.index_cast %swap3A_516 : i32 to index
        %swap3A_518 = arith.index_cast %add3A_441 : i32 to index
        %swap3A_519 = arith.constant 64 : index
        %swap3A_520 = tpu.vector_load %arg12[%swap3A_517, %swap3A_518, %swap3A_519] {strides = array<i32>} : memref<2x125x80xf32, #tpu.memory_space<vmem>>, vector<1x1x16xf32>,
        %swap3A_521 = vector.shape_cast %swap3A_520 : vector<1x1x16xf32> to vector<16xf32>
        %swap3A_522 = vector.shape_cast %mul3A_515 : vector<16xf32> to vector<1x1x16xf32>
        tpu.vector_store %arg12[%swap3A_517, %swap3A_518, %swap3A_519], %swap3A_522 {strides = array<i32>} : memref<2x125x80xf32, #tpu.memory_space<vmem>>, vector<1x1x16xf32>,
        %mul3A_523 = arith.constant 5 : i32
        %mul3A_524 = arith.muli %scan3A_186, %mul3A_523 : i32
        %add3A_525 = arith.constant 4 : i32
        %add3A_526 = arith.addi %mul3A_524, %add3A_525 : i32
        %get3A_527 = arith.constant 0 : i32
        %get3A_528 = arith.index_cast %get3A_527 : i32 to index
        %get3A_529 = arith.index_cast %add3A_526 : i32 to index
        %get3A_530 = arith.constant 0 : index
        %get3A_531 = tpu.vector_load %arg10[%get3A_528, %get3A_529, %get3A_530] {strides = array<i32>} : memref<2x125x80xf32, #tpu.memory_space<vmem>>, vector<1x1x16xf32>,
        %get3A_532 = vector.shape_cast %get3A_531 : vector<1x1x16xf32> to vector<16xf32>
        %get3A_533 = arith.constant 0 : i32
        %get3A_534 = arith.index_cast %get3A_533 : i32 to index
        %get3A_535 = arith.index_cast %add3A_526 : i32 to index
        %get3A_536 = arith.constant 0 : index
        %get3A_537 = tpu.vector_load %arg11[%get3A_534, %get3A_535, %get3A_536] {strides = array<i32>} : memref<2x125x16xf32, #tpu.memory_space<vmem>>, vector<1x1x16xf32>,
        %get3A_538 = vector.shape_cast %get3A_537 : vector<1x1x16xf32> to vector<16xf32>
        %add3A_539 = arith.addf %get3A_532, %get3A_538 : vector<16xf32>
        %mul3A_540 = arith.constant 2.000000e-01 : f32
        %mul3A_541 = vector.broadcast %mul3A_540 : f32 to vector<16xf32>
        %mul3A_542 = arith.mulf %mul3A_541, %add3A_539 : vector<16xf32>
        %max3A_543 = arith.maximumf %add3A_539, %mul3A_542 : vector<16xf32>
        %exp3A_544 = math.exp %max3A_543 : vector<16xf32>
        %swap3A_545 = arith.constant 0 : i32
        %swap3A_546 = arith.index_cast %swap3A_545 : i32 to index
        %swap3A_547 = arith.index_cast %add3A_526 : i32 to index
        %swap3A_548 = arith.constant 0 : index
        %swap3A_549 = tpu.vector_load %arg12[%swap3A_546, %swap3A_547, %swap3A_548] {strides = array<i32>} : memref<2x125x80xf32, #tpu.memory_space<vmem>>, vector<1x1x16xf32>,
        %swap3A_550 = vector.shape_cast %swap3A_549 : vector<1x1x16xf32> to vector<16xf32>
        %swap3A_551 = vector.shape_cast %exp3A_544 : vector<16xf32> to vector<1x1x16xf32>
        tpu.vector_store %arg12[%swap3A_546, %swap3A_547, %swap3A_548], %swap3A_551 {strides = array<i32>} : memref<2x125x80xf32, #tpu.memory_space<vmem>>, vector<1x1x16xf32>,
        %get3A_552 = arith.constant 0 : i32
        %get3A_553 = arith.index_cast %get3A_552 : i32 to index
        %get3A_554 = arith.index_cast %add3A_526 : i32 to index
        %get3A_555 = arith.constant 16 : index
        %get3A_556 = tpu.vector_load %arg10[%get3A_553, %get3A_554, %get3A_555] {strides = array<i32>} : memref<2x125x80xf32, #tpu.memory_space<vmem>>, vector<1x1x16xf32>,
        %get3A_557 = vector.shape_cast %get3A_556 : vector<1x1x16xf32> to vector<16xf32>
        %mul3A_558 = arith.mulf %exp3A_544, %get3A_557 : vector<16xf32>
        %swap3A_559 = arith.constant 0 : i32
        %swap3A_560 = arith.index_cast %swap3A_559 : i32 to index
        %swap3A_561 = arith.index_cast %add3A_526 : i32 to index
        %swap3A_562 = arith.constant 16 : index
        %swap3A_563 = tpu.vector_load %arg12[%swap3A_560, %swap3A_561, %swap3A_562] {strides = array<i32>} : memref<2x125x80xf32, #tpu.memory_space<vmem>>, vector<1x1x16xf32>,
        %swap3A_564 = vector.shape_cast %swap3A_563 : vector<1x1x16xf32> to vector<16xf32>
        %swap3A_565 = vector.shape_cast %mul3A_558 : vector<16xf32> to vector<1x1x16xf32>
        tpu.vector_store %arg12[%swap3A_560, %swap3A_561, %swap3A_562], %swap3A_565 {strides = array<i32>} : memref<2x125x80xf32, #tpu.memory_space<vmem>>, vector<1x1x16xf32>,
        %get3A_566 = arith.constant 0 : i32
        %get3A_567 = arith.index_cast %get3A_566 : i32 to index
        %get3A_568 = arith.index_cast %add3A_526 : i32 to index
        %get3A_569 = arith.constant 32 : index
        %get3A_570 = tpu.vector_load %arg10[%get3A_567, %get3A_568, %get3A_569] {strides = array<i32>} : memref<2x125x80xf32, #tpu.memory_space<vmem>>, vector<1x1x16xf32>,
        %get3A_571 = vector.shape_cast %get3A_570 : vector<1x1x16xf32> to vector<16xf32>
        %mul3A_572 = arith.mulf %exp3A_544, %get3A_571 : vector<16xf32>
        %swap3A_573 = arith.constant 0 : i32
        %swap3A_574 = arith.index_cast %swap3A_573 : i32 to index
        %swap3A_575 = arith.index_cast %add3A_526 : i32 to index
        %swap3A_576 = arith.constant 32 : index
        %swap3A_577 = tpu.vector_load %arg12[%swap3A_574, %swap3A_575, %swap3A_576] {strides = array<i32>} : memref<2x125x80xf32, #tpu.memory_space<vmem>>, vector<1x1x16xf32>,
        %swap3A_578 = vector.shape_cast %swap3A_577 : vector<1x1x16xf32> to vector<16xf32>
        %swap3A_579 = vector.shape_cast %mul3A_572 : vector<16xf32> to vector<1x1x16xf32>
        tpu.vector_store %arg12[%swap3A_574, %swap3A_575, %swap3A_576], %swap3A_579 {strides = array<i32>} : memref<2x125x80xf32, #tpu.memory_space<vmem>>, vector<1x1x16xf32>,
        %get3A_580 = arith.constant 0 : i32
        %get3A_581 = arith.index_cast %get3A_580 : i32 to index
        %get3A_582 = arith.index_cast %add3A_526 : i32 to index
        %get3A_583 = arith.constant 48 : index
        %get3A_584 = tpu.vector_load %arg10[%get3A_581, %get3A_582, %get3A_583] {strides = array<i32>} : memref<2x125x80xf32, #tpu.memory_space<vmem>>, vector<1x1x16xf32>,
        %get3A_585 = vector.shape_cast %get3A_584 : vector<1x1x16xf32> to vector<16xf32>
        %mul3A_586 = arith.mulf %exp3A_544, %get3A_585 : vector<16xf32>
        %swap3A_587 = arith.constant 0 : i32
        %swap3A_588 = arith.index_cast %swap3A_587 : i32 to index
        %swap3A_589 = arith.index_cast %add3A_526 : i32 to index
        %swap3A_590 = arith.constant 48 : index
        %swap3A_591 = tpu.vector_load %arg12[%swap3A_588, %swap3A_589, %swap3A_590] {strides = array<i32>} : memref<2x125x80xf32, #tpu.memory_space<vmem>>, vector<1x1x16xf32>,
        %swap3A_592 = vector.shape_cast %swap3A_591 : vector<1x1x16xf32> to vector<16xf32>
        %swap3A_593 = vector.shape_cast %mul3A_586 : vector<16xf32> to vector<1x1x16xf32>
        tpu.vector_store %arg12[%swap3A_588, %swap3A_589, %swap3A_590], %swap3A_593 {strides = array<i32>} : memref<2x125x80xf32, #tpu.memory_space<vmem>>, vector<1x1x16xf32>,
        %get3A_594 = arith.constant 0 : i32
        %get3A_595 = arith.index_cast %get3A_594 : i32 to index
        %get3A_596 = arith.index_cast %add3A_526 : i32 to index
        %get3A_597 = arith.constant 64 : index
        %get3A_598 = tpu.vector_load %arg10[%get3A_595, %get3A_596, %get3A_597] {strides = array<i32>} : memref<2x125x80xf32, #tpu.memory_space<vmem>>, vector<1x1x16xf32>,
        %get3A_599 = vector.shape_cast %get3A_598 : vector<1x1x16xf32> to vector<16xf32>
        %mul3A_600 = arith.mulf %exp3A_544, %get3A_599 : vector<16xf32>
        %swap3A_601 = arith.constant 0 : i32
        %swap3A_602 = arith.index_cast %swap3A_601 : i32 to index
        %swap3A_603 = arith.index_cast %add3A_526 : i32 to index
        %swap3A_604 = arith.constant 64 : index
        %swap3A_605 = tpu.vector_load %arg12[%swap3A_602, %swap3A_603, %swap3A_604] {strides = array<i32>} : memref<2x125x80xf32, #tpu.memory_space<vmem>>, vector<1x1x16xf32>,
        %swap3A_606 = vector.shape_cast %swap3A_605 : vector<1x1x16xf32> to vector<16xf32>
        %swap3A_607 = vector.shape_cast %mul3A_600 : vector<16xf32> to vector<1x1x16xf32>
        tpu.vector_store %arg12[%swap3A_602, %swap3A_603, %swap3A_604], %swap3A_607 {strides = array<i32>} : memref<2x125x80xf32, #tpu.memory_space<vmem>>, vector<1x1x16xf32>,
      }
      %scan3A_120 = arith.constant 25 : i32
      %dma_start3A_121 = arith.constant 0 : i32
      %dma_start3A_122 = arith.constant 0 : i32
      %dma_start3A_123 = arith.constant 0 : i32
      %dma_start3A_124 = tpu.memref_slice %arg12[%dma_start3A_121, %dma_start3A_122, %dma_start3A_123] : memref<2x125x80xf32, #tpu.memory_space<vmem>> -> memref<1x125x80xf32, #tpu.memory_space<vmem>>
      %dma_start3A_125 = tpu.memref_squeeze %dma_start3A_124 : memref<1x125x80xf32, #tpu.memory_space<vmem>> -> memref<125x80xf32, #tpu.memory_space<vmem>>
      %dma_start3A_126 = arith.constant 0 : i32
      %dma_start3A_127 = tpu.memref_slice %arg9[%mul3A_62, %dma_start3A_126] : memref<80x125xi32, #tpu.memory_space<vmem>> -> memref<1x125xi32, #tpu.memory_space<vmem>>
      %dma_start3A_128 = tpu.memref_squeeze %dma_start3A_127 : memref<1x125xi32, #tpu.memory_space<vmem>> -> memref<125xi32, #tpu.memory_space<vmem>>
      %dma_start3A_129 = arith.constant 0 : i32
      %dma_start3A_130 = arith.constant 0 : i32
      %dma_start3A_131 = tpu.memref_slice %arg13[%dma_start3A_129, %dma_start3A_130] : memref<10000x80xf32, #tpu.memory_space<vmem_shared>> -> memref<10000x80xf32, #tpu.memory_space<vmem_shared>>
      tpu.enqueue_indirect_dma source(%dma_start3A_125 : memref<125x80xf32, #tpu.memory_space<vmem>>) target(%dma_start3A_131 : memref<10000x80xf32, #tpu.memory_space<vmem_shared>>) offsets(%dma_start3A_128 : memref<125xi32, #tpu.memory_space<vmem>>) semaphore(%arg16 : memref<!tpu.dma_semaphore, #tpu.memory_space<semaphore_mem>>) {add = true}
      %add3A_132 = arith.constant 2 : i32
      %add3A_133 = arith.addi %mul3A_62, %add3A_132 : i32
      %lt3A = arith.constant 80 : i32
      %lt3A_134 = arith.cmpi slt, %add3A_133, %lt3A : i32
      %convert_element_type3A_135 = arith.extui %lt3A_134 : i1 to i32
      %cond3A_136 = arith.constant 0 : i32
      %cond3A_137 = arith.cmpi ne, %convert_element_type3A_135, %cond3A_136 : i32
      scf.if %cond3A_137 {
        %add3A_186 = arith.constant 2 : i32
        %add3A_187 = arith.addi %mul3A_62, %add3A_186 : i32
        %dma_start3A_188 = arith.constant 0 : i32
        %dma_start3A_189 = arith.constant 0 : i32
        %dma_start3A_190 = arith.constant 0 : i32
        %dma_start3A_191 = tpu.memref_slice %arg10[%dma_start3A_188, %dma_start3A_189, %dma_start3A_190] : memref<2x125x80xf32, #tpu.memory_space<vmem>> -> memref<1x125x80xf32, #tpu.memory_space<vmem>>
        %dma_start3A_192 = tpu.memref_squeeze %dma_start3A_191 : memref<1x125x80xf32, #tpu.memory_space<vmem>> -> memref<125x80xf32, #tpu.memory_space<vmem>>
        %dma_start3A_193 = arith.constant 0 : i32
        %dma_start3A_194 = tpu.memref_slice %arg8[%add3A_187, %dma_start3A_193] : memref<80x125xi32, #tpu.memory_space<vmem>> -> memref<1x125xi32, #tpu.memory_space<vmem>>
        %dma_start3A_195 = tpu.memref_squeeze %dma_start3A_194 : memref<1x125xi32, #tpu.memory_space<vmem>> -> memref<125xi32, #tpu.memory_space<vmem>>
        %dma_start3A_196 = arith.constant 0 : i32
        %dma_start3A_197 = arith.constant 0 : i32
        %dma_start3A_198 = tpu.memref_slice %arg4[%dma_start3A_196, %dma_start3A_197] : memref<10000x80xf32, #tpu.memory_space<hbm>> -> memref<10000x80xf32, #tpu.memory_space<hbm>>
        tpu.enqueue_indirect_dma source(%dma_start3A_198 : memref<10000x80xf32, #tpu.memory_space<hbm>>) target(%dma_start3A_192 : memref<125x80xf32, #tpu.memory_space<vmem>>) offsets(%dma_start3A_195 : memref<125xi32, #tpu.memory_space<vmem>>) semaphore(%arg14 : memref<!tpu.dma_semaphore, #tpu.memory_space<semaphore_mem>>)
        %dma_start3A_199 = arith.constant 0 : i32
        %dma_start3A_200 = arith.constant 0 : i32
        %dma_start3A_201 = arith.constant 0 : i32
        %dma_start3A_202 = tpu.memref_slice %arg11[%dma_start3A_199, %dma_start3A_200, %dma_start3A_201] : memref<2x125x16xf32, #tpu.memory_space<vmem>> -> memref<1x125x16xf32, #tpu.memory_space<vmem>>
        %dma_start3A_203 = tpu.memref_squeeze %dma_start3A_202 : memref<1x125x16xf32, #tpu.memory_space<vmem>> -> memref<125x16xf32, #tpu.memory_space<vmem>>
        %dma_start3A_204 = arith.constant 0 : i32
        %dma_start3A_205 = tpu.memref_slice %arg9[%add3A_187, %dma_start3A_204] : memref<80x125xi32, #tpu.memory_space<vmem>> -> memref<1x125xi32, #tpu.memory_space<vmem>>
        %dma_start3A_206 = tpu.memref_squeeze %dma_start3A_205 : memref<1x125xi32, #tpu.memory_space<vmem>> -> memref<125xi32, #tpu.memory_space<vmem>>
        %dma_start3A_207 = arith.constant 0 : i32
        %dma_start3A_208 = arith.constant 0 : i32
        %dma_start3A_209 = tpu.memref_slice %arg5[%dma_start3A_207, %dma_start3A_208] : memref<10000x16xf32, #tpu.memory_space<hbm>> -> memref<10000x16xf32, #tpu.memory_space<hbm>>
        tpu.enqueue_indirect_dma source(%dma_start3A_209 : memref<10000x16xf32, #tpu.memory_space<hbm>>) target(%dma_start3A_203 : memref<125x16xf32, #tpu.memory_space<vmem>>) offsets(%dma_start3A_206 : memref<125xi32, #tpu.memory_space<vmem>>) semaphore(%arg14 : memref<!tpu.dma_semaphore, #tpu.memory_space<semaphore_mem>>)
      } else {
      }
      %dma_wait3A_138 = arith.constant 0 : i32
      %dma_wait3A_139 = arith.constant 1 : i32
      %dma_wait3A_140 = arith.constant 0 : i32
      %dma_wait3A_141 = arith.constant 0 : i32
      %dma_wait3A_142 = tpu.memref_slice %arg10[%dma_wait3A_139, %dma_wait3A_140, %dma_wait3A_141] : memref<2x125x80xf32, #tpu.memory_space<vmem>> -> memref<1x125x80xf32, #tpu.memory_space<vmem>>
      %dma_wait3A_143 = tpu.memref_squeeze %dma_wait3A_142 : memref<1x125x80xf32, #tpu.memory_space<vmem>> -> memref<125x80xf32, #tpu.memory_space<vmem>>
      %dma_wait3A_144 = arith.constant 0 : i32
      %dma_wait3A_145 = tpu.memref_slice %arg8[%dma_wait3A_138, %dma_wait3A_144] : memref<80x125xi32, #tpu.memory_space<vmem>> -> memref<1x125xi32, #tpu.memory_space<vmem>>
      %dma_wait3A_146 = tpu.memref_squeeze %dma_wait3A_145 : memref<1x125xi32, #tpu.memory_space<vmem>> -> memref<125xi32, #tpu.memory_space<vmem>>
      %dma_wait3A_147 = arith.constant 0 : i32
      %dma_wait3A_148 = arith.constant 0 : i32
      %dma_wait3A_149 = tpu.memref_slice %arg4[%dma_wait3A_147, %dma_wait3A_148] : memref<10000x80xf32, #tpu.memory_space<hbm>> -> memref<10000x80xf32, #tpu.memory_space<hbm>>
      tpu.wait_indirect_dma semaphore(%arg15 : memref<!tpu.dma_semaphore, #tpu.memory_space<semaphore_mem>>) src(%dma_wait3A_149 : memref<10000x80xf32, #tpu.memory_space<hbm>>) dst(%dma_wait3A_143 : memref<125x80xf32, #tpu.memory_space<vmem>>)
      %dma_wait3A_150 = arith.constant 0 : i32
      %dma_wait3A_151 = arith.constant 1 : i32
      %dma_wait3A_152 = arith.constant 0 : i32
      %dma_wait3A_153 = arith.constant 0 : i32
      %dma_wait3A_154 = tpu.memref_slice %arg11[%dma_wait3A_151, %dma_wait3A_152, %dma_wait3A_153] : memref<2x125x16xf32, #tpu.memory_space<vmem>> -> memref<1x125x16xf32, #tpu.memory_space<vmem>>
      %dma_wait3A_155 = tpu.memref_squeeze %dma_wait3A_154 : memref<1x125x16xf32, #tpu.memory_space<vmem>> -> memref<125x16xf32, #tpu.memory_space<vmem>>
      %dma_wait3A_156 = arith.constant 0 : i32
      %dma_wait3A_157 = tpu.memref_slice %arg9[%dma_wait3A_150, %dma_wait3A_156] : memref<80x125xi32, #tpu.memory_space<vmem>> -> memref<1x125xi32, #tpu.memory_space<vmem>>
      %dma_wait3A_158 = tpu.memref_squeeze %dma_wait3A_157 : memref<1x125xi32, #tpu.memory_space<vmem>> -> memref<125xi32, #tpu.memory_space<vmem>>
      %dma_wait3A_159 = arith.constant 0 : i32
      %dma_wait3A_160 = arith.constant 0 : i32
      %dma_wait3A_161 = tpu.memref_slice %arg5[%dma_wait3A_159, %dma_wait3A_160] : memref<10000x16xf32, #tpu.memory_space<hbm>> -> memref<10000x16xf32, #tpu.memory_space<hbm>>
      tpu.wait_indirect_dma semaphore(%arg15 : memref<!tpu.dma_semaphore, #tpu.memory_space<semaphore_mem>>) src(%dma_wait3A_161 : memref<10000x16xf32, #tpu.memory_space<hbm>>) dst(%dma_wait3A_155 : memref<125x16xf32, #tpu.memory_space<vmem>>)
      %add3A_162 = arith.constant 1 : i32
      %add3A_163 = arith.addi %mul3A_62, %add3A_162 : i32
      %ge3A_164 = arith.constant 2 : i32
      %ge3A_165 = arith.cmpi sge, %add3A_163, %ge3A_164 : i32
      %convert_element_type3A_166 = arith.extui %ge3A_165 : i1 to i32
      %cond3A_167 = arith.constant 0 : i32
      %cond3A_168 = arith.cmpi ne, %convert_element_type3A_166, %cond3A_167 : i32
      scf.if %cond3A_168 {
        %dma_wait3A_186 = arith.constant 1 : i32
        %dma_wait3A_187 = arith.constant 0 : i32
        %dma_wait3A_188 = arith.constant 0 : i32
        %dma_wait3A_189 = arith.constant 0 : i32
        %dma_wait3A_190 = tpu.memref_slice %arg12[%dma_wait3A_186, %dma_wait3A_188, %dma_wait3A_189] : memref<2x125x80xf32, #tpu.memory_space<vmem>> -> memref<1x125x80xf32, #tpu.memory_space<vmem>>
        %dma_wait3A_191 = tpu.memref_squeeze %dma_wait3A_190 : memref<1x125x80xf32, #tpu.memory_space<vmem>> -> memref<125x80xf32, #tpu.memory_space<vmem>>
        %dma_wait3A_192 = arith.constant 0 : i32
        %dma_wait3A_193 = tpu.memref_slice %arg9[%dma_wait3A_187, %dma_wait3A_192] : memref<80x125xi32, #tpu.memory_space<vmem>> -> memref<1x125xi32, #tpu.memory_space<vmem>>
        %dma_wait3A_194 = tpu.memref_squeeze %dma_wait3A_193 : memref<1x125xi32, #tpu.memory_space<vmem>> -> memref<125xi32, #tpu.memory_space<vmem>>
        %dma_wait3A_195 = arith.constant 0 : i32
        %dma_wait3A_196 = arith.constant 0 : i32
        %dma_wait3A_197 = tpu.memref_slice %arg13[%dma_wait3A_195, %dma_wait3A_196] : memref<10000x80xf32, #tpu.memory_space<vmem_shared>> -> memref<10000x80xf32, #tpu.memory_space<vmem_shared>>
        tpu.wait_indirect_dma semaphore(%arg17 : memref<!tpu.dma_semaphore, #tpu.memory_space<semaphore_mem>>) src(%dma_wait3A_191 : memref<125x80xf32, #tpu.memory_space<vmem>>) dst(%dma_wait3A_197 : memref<10000x80xf32, #tpu.memory_space<vmem_shared>>)
      } else {
      }
      %scan3A_169 = arith.constant 0 : i32
      %scan3A_170 = arith.constant 0 : i32
      %scan3A_171 = arith.constant 25 : i32
      %scan3A_172 = arith.addi %scan3A_170, %scan3A_171 : i32
      %scan3A_173 = arith.constant 1 : i32
      scf.for %scan3A_186 = %scan3A_170 to %scan3A_172 step %scan3A_173  : i32 {
        %mul3A_187 = arith.constant 5 : i32
        %mul3A_188 = arith.muli %scan3A_186, %mul3A_187 : i32
        %add3A_189 = arith.constant 0 : i32
        %add3A_190 = arith.addi %mul3A_188, %add3A_189 : i32
        %get3A = arith.constant 1 : i32
        %get3A_191 = arith.index_cast %get3A : i32 to index
        %get3A_192 = arith.index_cast %add3A_190 : i32 to index
        %get3A_193 = arith.constant 0 : index
        %get3A_194 = tpu.vector_load %arg10[%get3A_191, %get3A_192, %get3A_193] {strides = array<i32>} : memref<2x125x80xf32, #tpu.memory_space<vmem>>, vector<1x1x16xf32>,
        %get3A_195 = vector.shape_cast %get3A_194 : vector<1x1x16xf32> to vector<16xf32>
        %get3A_196 = arith.constant 1 : i32
        %get3A_197 = arith.index_cast %get3A_196 : i32 to index
        %get3A_198 = arith.index_cast %add3A_190 : i32 to index
        %get3A_199 = arith.constant 0 : index
        %get3A_200 = tpu.vector_load %arg11[%get3A_197, %get3A_198, %get3A_199] {strides = array<i32>} : memref<2x125x16xf32, #tpu.memory_space<vmem>>, vector<1x1x16xf32>,
        %get3A_201 = vector.shape_cast %get3A_200 : vector<1x1x16xf32> to vector<16xf32>
        %add3A_202 = arith.addf %get3A_195, %get3A_201 : vector<16xf32>
        %mul3A_203 = arith.constant 2.000000e-01 : f32
        %mul3A_204 = vector.broadcast %mul3A_203 : f32 to vector<16xf32>
        %mul3A_205 = arith.mulf %mul3A_204, %add3A_202 : vector<16xf32>
        %max3A = arith.maximumf %add3A_202, %mul3A_205 : vector<16xf32>
        %exp3A = math.exp %max3A : vector<16xf32>
        %swap3A = arith.constant 1 : i32
        %swap3A_206 = arith.index_cast %swap3A : i32 to index
        %swap3A_207 = arith.index_cast %add3A_190 : i32 to index
        %swap3A_208 = arith.constant 0 : index
        %swap3A_209 = tpu.vector_load %arg12[%swap3A_206, %swap3A_207, %swap3A_208] {strides = array<i32>} : memref<2x125x80xf32, #tpu.memory_space<vmem>>, vector<1x1x16xf32>,
        %swap3A_210 = vector.shape_cast %swap3A_209 : vector<1x1x16xf32> to vector<16xf32>
        %swap3A_211 = vector.shape_cast %exp3A : vector<16xf32> to vector<1x1x16xf32>
        tpu.vector_store %arg12[%swap3A_206, %swap3A_207, %swap3A_208], %swap3A_211 {strides = array<i32>} : memref<2x125x80xf32, #tpu.memory_space<vmem>>, vector<1x1x16xf32>,
        %get3A_212 = arith.constant 1 : i32
        %get3A_213 = arith.index_cast %get3A_212 : i32 to index
        %get3A_214 = arith.index_cast %add3A_190 : i32 to index
        %get3A_215 = arith.constant 16 : index
        %get3A_216 = tpu.vector_load %arg10[%get3A_213, %get3A_214, %get3A_215] {strides = array<i32>} : memref<2x125x80xf32, #tpu.memory_space<vmem>>, vector<1x1x16xf32>,
        %get3A_217 = vector.shape_cast %get3A_216 : vector<1x1x16xf32> to vector<16xf32>
        %mul3A_218 = arith.mulf %exp3A, %get3A_217 : vector<16xf32>
        %swap3A_219 = arith.constant 1 : i32
        %swap3A_220 = arith.index_cast %swap3A_219 : i32 to index
        %swap3A_221 = arith.index_cast %add3A_190 : i32 to index
        %swap3A_222 = arith.constant 16 : index
        %swap3A_223 = tpu.vector_load %arg12[%swap3A_220, %swap3A_221, %swap3A_222] {strides = array<i32>} : memref<2x125x80xf32, #tpu.memory_space<vmem>>, vector<1x1x16xf32>,
        %swap3A_224 = vector.shape_cast %swap3A_223 : vector<1x1x16xf32> to vector<16xf32>
        %swap3A_225 = vector.shape_cast %mul3A_218 : vector<16xf32> to vector<1x1x16xf32>
        tpu.vector_store %arg12[%swap3A_220, %swap3A_221, %swap3A_222], %swap3A_225 {strides = array<i32>} : memref<2x125x80xf32, #tpu.memory_space<vmem>>, vector<1x1x16xf32>,
        %get3A_226 = arith.constant 1 : i32
        %get3A_227 = arith.index_cast %get3A_226 : i32 to index
        %get3A_228 = arith.index_cast %add3A_190 : i32 to index
        %get3A_229 = arith.constant 32 : index
        %get3A_230 = tpu.vector_load %arg10[%get3A_227, %get3A_228, %get3A_229] {strides = array<i32>} : memref<2x125x80xf32, #tpu.memory_space<vmem>>, vector<1x1x16xf32>,
        %get3A_231 = vector.shape_cast %get3A_230 : vector<1x1x16xf32> to vector<16xf32>
        %mul3A_232 = arith.mulf %exp3A, %get3A_231 : vector<16xf32>
        %swap3A_233 = arith.constant 1 : i32
        %swap3A_234 = arith.index_cast %swap3A_233 : i32 to index
        %swap3A_235 = arith.index_cast %add3A_190 : i32 to index
        %swap3A_236 = arith.constant 32 : index
        %swap3A_237 = tpu.vector_load %arg12[%swap3A_234, %swap3A_235, %swap3A_236] {strides = array<i32>} : memref<2x125x80xf32, #tpu.memory_space<vmem>>, vector<1x1x16xf32>,
        %swap3A_238 = vector.shape_cast %swap3A_237 : vector<1x1x16xf32> to vector<16xf32>
        %swap3A_239 = vector.shape_cast %mul3A_232 : vector<16xf32> to vector<1x1x16xf32>
        tpu.vector_store %arg12[%swap3A_234, %swap3A_235, %swap3A_236], %swap3A_239 {strides = array<i32>} : memref<2x125x80xf32, #tpu.memory_space<vmem>>, vector<1x1x16xf32>,
        %get3A_240 = arith.constant 1 : i32
        %get3A_241 = arith.index_cast %get3A_240 : i32 to index
        %get3A_242 = arith.index_cast %add3A_190 : i32 to index
        %get3A_243 = arith.constant 48 : index
        %get3A_244 = tpu.vector_load %arg10[%get3A_241, %get3A_242, %get3A_243] {strides = array<i32>} : memref<2x125x80xf32, #tpu.memory_space<vmem>>, vector<1x1x16xf32>,
        %get3A_245 = vector.shape_cast %get3A_244 : vector<1x1x16xf32> to vector<16xf32>
        %mul3A_246 = arith.mulf %exp3A, %get3A_245 : vector<16xf32>
        %swap3A_247 = arith.constant 1 : i32
        %swap3A_248 = arith.index_cast %swap3A_247 : i32 to index
        %swap3A_249 = arith.index_cast %add3A_190 : i32 to index
        %swap3A_250 = arith.constant 48 : index
        %swap3A_251 = tpu.vector_load %arg12[%swap3A_248, %swap3A_249, %swap3A_250] {strides = array<i32>} : memref<2x125x80xf32, #tpu.memory_space<vmem>>, vector<1x1x16xf32>,
        %swap3A_252 = vector.shape_cast %swap3A_251 : vector<1x1x16xf32> to vector<16xf32>
        %swap3A_253 = vector.shape_cast %mul3A_246 : vector<16xf32> to vector<1x1x16xf32>
        tpu.vector_store %arg12[%swap3A_248, %swap3A_249, %swap3A_250], %swap3A_253 {strides = array<i32>} : memref<2x125x80xf32, #tpu.memory_space<vmem>>, vector<1x1x16xf32>,
        %get3A_254 = arith.constant 1 : i32
        %get3A_255 = arith.index_cast %get3A_254 : i32 to index
        %get3A_256 = arith.index_cast %add3A_190 : i32 to index
        %get3A_257 = arith.constant 64 : index
        %get3A_258 = tpu.vector_load %arg10[%get3A_255, %get3A_256, %get3A_257] {strides = array<i32>} : memref<2x125x80xf32, #tpu.memory_space<vmem>>, vector<1x1x16xf32>,
        %get3A_259 = vector.shape_cast %get3A_258 : vector<1x1x16xf32> to vector<16xf32>
        %mul3A_260 = arith.mulf %exp3A, %get3A_259 : vector<16xf32>
        %swap3A_261 = arith.constant 1 : i32
        %swap3A_262 = arith.index_cast %swap3A_261 : i32 to index
        %swap3A_263 = arith.index_cast %add3A_190 : i32 to index
        %swap3A_264 = arith.constant 64 : index
        %swap3A_265 = tpu.vector_load %arg12[%swap3A_262, %swap3A_263, %swap3A_264] {strides = array<i32>} : memref<2x125x80xf32, #tpu.memory_space<vmem>>, vector<1x1x16xf32>,
        %swap3A_266 = vector.shape_cast %swap3A_265 : vector<1x1x16xf32> to vector<16xf32>
        %swap3A_267 = vector.shape_cast %mul3A_260 : vector<16xf32> to vector<1x1x16xf32>
        tpu.vector_store %arg12[%swap3A_262, %swap3A_263, %swap3A_264], %swap3A_267 {strides = array<i32>} : memref<2x125x80xf32, #tpu.memory_space<vmem>>, vector<1x1x16xf32>,
        %mul3A_268 = arith.constant 5 : i32
        %mul3A_269 = arith.muli %scan3A_186, %mul3A_268 : i32
        %add3A_270 = arith.constant 1 : i32
        %add3A_271 = arith.addi %mul3A_269, %add3A_270 : i32
        %get3A_272 = arith.constant 1 : i32
        %get3A_273 = arith.index_cast %get3A_272 : i32 to index
        %get3A_274 = arith.index_cast %add3A_271 : i32 to index
        %get3A_275 = arith.constant 0 : index
        %get3A_276 = tpu.vector_load %arg10[%get3A_273, %get3A_274, %get3A_275] {strides = array<i32>} : memref<2x125x80xf32, #tpu.memory_space<vmem>>, vector<1x1x16xf32>,
        %get3A_277 = vector.shape_cast %get3A_276 : vector<1x1x16xf32> to vector<16xf32>
        %get3A_278 = arith.constant 1 : i32
        %get3A_279 = arith.index_cast %get3A_278 : i32 to index
        %get3A_280 = arith.index_cast %add3A_271 : i32 to index
        %get3A_281 = arith.constant 0 : index
        %get3A_282 = tpu.vector_load %arg11[%get3A_279, %get3A_280, %get3A_281] {strides = array<i32>} : memref<2x125x16xf32, #tpu.memory_space<vmem>>, vector<1x1x16xf32>,
        %get3A_283 = vector.shape_cast %get3A_282 : vector<1x1x16xf32> to vector<16xf32>
        %add3A_284 = arith.addf %get3A_277, %get3A_283 : vector<16xf32>
        %mul3A_285 = arith.constant 2.000000e-01 : f32
        %mul3A_286 = vector.broadcast %mul3A_285 : f32 to vector<16xf32>
        %mul3A_287 = arith.mulf %mul3A_286, %add3A_284 : vector<16xf32>
        %max3A_288 = arith.maximumf %add3A_284, %mul3A_287 : vector<16xf32>
        %exp3A_289 = math.exp %max3A_288 : vector<16xf32>
        %swap3A_290 = arith.constant 1 : i32
        %swap3A_291 = arith.index_cast %swap3A_290 : i32 to index
        %swap3A_292 = arith.index_cast %add3A_271 : i32 to index
        %swap3A_293 = arith.constant 0 : index
        %swap3A_294 = tpu.vector_load %arg12[%swap3A_291, %swap3A_292, %swap3A_293] {strides = array<i32>} : memref<2x125x80xf32, #tpu.memory_space<vmem>>, vector<1x1x16xf32>,
        %swap3A_295 = vector.shape_cast %swap3A_294 : vector<1x1x16xf32> to vector<16xf32>
        %swap3A_296 = vector.shape_cast %exp3A_289 : vector<16xf32> to vector<1x1x16xf32>
        tpu.vector_store %arg12[%swap3A_291, %swap3A_292, %swap3A_293], %swap3A_296 {strides = array<i32>} : memref<2x125x80xf32, #tpu.memory_space<vmem>>, vector<1x1x16xf32>,
        %get3A_297 = arith.constant 1 : i32
        %get3A_298 = arith.index_cast %get3A_297 : i32 to index
        %get3A_299 = arith.index_cast %add3A_271 : i32 to index
        %get3A_300 = arith.constant 16 : index
        %get3A_301 = tpu.vector_load %arg10[%get3A_298, %get3A_299, %get3A_300] {strides = array<i32>} : memref<2x125x80xf32, #tpu.memory_space<vmem>>, vector<1x1x16xf32>,
        %get3A_302 = vector.shape_cast %get3A_301 : vector<1x1x16xf32> to vector<16xf32>
        %mul3A_303 = arith.mulf %exp3A_289, %get3A_302 : vector<16xf32>
        %swap3A_304 = arith.constant 1 : i32
        %swap3A_305 = arith.index_cast %swap3A_304 : i32 to index
        %swap3A_306 = arith.index_cast %add3A_271 : i32 to index
        %swap3A_307 = arith.constant 16 : index
        %swap3A_308 = tpu.vector_load %arg12[%swap3A_305, %swap3A_306, %swap3A_307] {strides = array<i32>} : memref<2x125x80xf32, #tpu.memory_space<vmem>>, vector<1x1x16xf32>,
        %swap3A_309 = vector.shape_cast %swap3A_308 : vector<1x1x16xf32> to vector<16xf32>
        %swap3A_310 = vector.shape_cast %mul3A_303 : vector<16xf32> to vector<1x1x16xf32>
        tpu.vector_store %arg12[%swap3A_305, %swap3A_306, %swap3A_307], %swap3A_310 {strides = array<i32>} : memref<2x125x80xf32, #tpu.memory_space<vmem>>, vector<1x1x16xf32>,
        %get3A_311 = arith.constant 1 : i32
        %get3A_312 = arith.index_cast %get3A_311 : i32 to index
        %get3A_313 = arith.index_cast %add3A_271 : i32 to index
        %get3A_314 = arith.constant 32 : index
        %get3A_315 = tpu.vector_load %arg10[%get3A_312, %get3A_313, %get3A_314] {strides = array<i32>} : memref<2x125x80xf32, #tpu.memory_space<vmem>>, vector<1x1x16xf32>,
        %get3A_316 = vector.shape_cast %get3A_315 : vector<1x1x16xf32> to vector<16xf32>
        %mul3A_317 = arith.mulf %exp3A_289, %get3A_316 : vector<16xf32>
        %swap3A_318 = arith.constant 1 : i32
        %swap3A_319 = arith.index_cast %swap3A_318 : i32 to index
        %swap3A_320 = arith.index_cast %add3A_271 : i32 to index
        %swap3A_321 = arith.constant 32 : index
        %swap3A_322 = tpu.vector_load %arg12[%swap3A_319, %swap3A_320, %swap3A_321] {strides = array<i32>} : memref<2x125x80xf32, #tpu.memory_space<vmem>>, vector<1x1x16xf32>,
        %swap3A_323 = vector.shape_cast %swap3A_322 : vector<1x1x16xf32> to vector<16xf32>
        %swap3A_324 = vector.shape_cast %mul3A_317 : vector<16xf32> to vector<1x1x16xf32>
        tpu.vector_store %arg12[%swap3A_319, %swap3A_320, %swap3A_321], %swap3A_324 {strides = array<i32>} : memref<2x125x80xf32, #tpu.memory_space<vmem>>, vector<1x1x16xf32>,
        %get3A_325 = arith.constant 1 : i32
        %get3A_326 = arith.index_cast %get3A_325 : i32 to index
        %get3A_327 = arith.index_cast %add3A_271 : i32 to index
        %get3A_328 = arith.constant 48 : index
        %get3A_329 = tpu.vector_load %arg10[%get3A_326, %get3A_327, %get3A_328] {strides = array<i32>} : memref<2x125x80xf32, #tpu.memory_space<vmem>>, vector<1x1x16xf32>,
        %get3A_330 = vector.shape_cast %get3A_329 : vector<1x1x16xf32> to vector<16xf32>
        %mul3A_331 = arith.mulf %exp3A_289, %get3A_330 : vector<16xf32>
        %swap3A_332 = arith.constant 1 : i32
        %swap3A_333 = arith.index_cast %swap3A_332 : i32 to index
        %swap3A_334 = arith.index_cast %add3A_271 : i32 to index
        %swap3A_335 = arith.constant 48 : index
        %swap3A_336 = tpu.vector_load %arg12[%swap3A_333, %swap3A_334, %swap3A_335] {strides = array<i32>} : memref<2x125x80xf32, #tpu.memory_space<vmem>>, vector<1x1x16xf32>,
        %swap3A_337 = vector.shape_cast %swap3A_336 : vector<1x1x16xf32> to vector<16xf32>
        %swap3A_338 = vector.shape_cast %mul3A_331 : vector<16xf32> to vector<1x1x16xf32>
        tpu.vector_store %arg12[%swap3A_333, %swap3A_334, %swap3A_335], %swap3A_338 {strides = array<i32>} : memref<2x125x80xf32, #tpu.memory_space<vmem>>, vector<1x1x16xf32>,
        %get3A_339 = arith.constant 1 : i32
        %get3A_340 = arith.index_cast %get3A_339 : i32 to index
        %get3A_341 = arith.index_cast %add3A_271 : i32 to index
        %get3A_342 = arith.constant 64 : index
        %get3A_343 = tpu.vector_load %arg10[%get3A_340, %get3A_341, %get3A_342] {strides = array<i32>} : memref<2x125x80xf32, #tpu.memory_space<vmem>>, vector<1x1x16xf32>,
        %get3A_344 = vector.shape_cast %get3A_343 : vector<1x1x16xf32> to vector<16xf32>
        %mul3A_345 = arith.mulf %exp3A_289, %get3A_344 : vector<16xf32>
        %swap3A_346 = arith.constant 1 : i32
        %swap3A_347 = arith.index_cast %swap3A_346 : i32 to index
        %swap3A_348 = arith.index_cast %add3A_271 : i32 to index
        %swap3A_349 = arith.constant 64 : index
        %swap3A_350 = tpu.vector_load %arg12[%swap3A_347, %swap3A_348, %swap3A_349] {strides = array<i32>} : memref<2x125x80xf32, #tpu.memory_space<vmem>>, vector<1x1x16xf32>,
        %swap3A_351 = vector.shape_cast %swap3A_350 : vector<1x1x16xf32> to vector<16xf32>
        %swap3A_352 = vector.shape_cast %mul3A_345 : vector<16xf32> to vector<1x1x16xf32>
        tpu.vector_store %arg12[%swap3A_347, %swap3A_348, %swap3A_349], %swap3A_352 {strides = array<i32>} : memref<2x125x80xf32, #tpu.memory_space<vmem>>, vector<1x1x16xf32>,
        %mul3A_353 = arith.constant 5 : i32
        %mul3A_354 = arith.muli %scan3A_186, %mul3A_353 : i32
        %add3A_355 = arith.constant 2 : i32
        %add3A_356 = arith.addi %mul3A_354, %add3A_355 : i32
        %get3A_357 = arith.constant 1 : i32
        %get3A_358 = arith.index_cast %get3A_357 : i32 to index
        %get3A_359 = arith.index_cast %add3A_356 : i32 to index
        %get3A_360 = arith.constant 0 : index
        %get3A_361 = tpu.vector_load %arg10[%get3A_358, %get3A_359, %get3A_360] {strides = array<i32>} : memref<2x125x80xf32, #tpu.memory_space<vmem>>, vector<1x1x16xf32>,
        %get3A_362 = vector.shape_cast %get3A_361 : vector<1x1x16xf32> to vector<16xf32>
        %get3A_363 = arith.constant 1 : i32
        %get3A_364 = arith.index_cast %get3A_363 : i32 to index
        %get3A_365 = arith.index_cast %add3A_356 : i32 to index
        %get3A_366 = arith.constant 0 : index
        %get3A_367 = tpu.vector_load %arg11[%get3A_364, %get3A_365, %get3A_366] {strides = array<i32>} : memref<2x125x16xf32, #tpu.memory_space<vmem>>, vector<1x1x16xf32>,
        %get3A_368 = vector.shape_cast %get3A_367 : vector<1x1x16xf32> to vector<16xf32>
        %add3A_369 = arith.addf %get3A_362, %get3A_368 : vector<16xf32>
        %mul3A_370 = arith.constant 2.000000e-01 : f32
        %mul3A_371 = vector.broadcast %mul3A_370 : f32 to vector<16xf32>
        %mul3A_372 = arith.mulf %mul3A_371, %add3A_369 : vector<16xf32>
        %max3A_373 = arith.maximumf %add3A_369, %mul3A_372 : vector<16xf32>
        %exp3A_374 = math.exp %max3A_373 : vector<16xf32>
        %swap3A_375 = arith.constant 1 : i32
        %swap3A_376 = arith.index_cast %swap3A_375 : i32 to index
        %swap3A_377 = arith.index_cast %add3A_356 : i32 to index
        %swap3A_378 = arith.constant 0 : index
        %swap3A_379 = tpu.vector_load %arg12[%swap3A_376, %swap3A_377, %swap3A_378] {strides = array<i32>} : memref<2x125x80xf32, #tpu.memory_space<vmem>>, vector<1x1x16xf32>,
        %swap3A_380 = vector.shape_cast %swap3A_379 : vector<1x1x16xf32> to vector<16xf32>
        %swap3A_381 = vector.shape_cast %exp3A_374 : vector<16xf32> to vector<1x1x16xf32>
        tpu.vector_store %arg12[%swap3A_376, %swap3A_377, %swap3A_378], %swap3A_381 {strides = array<i32>} : memref<2x125x80xf32, #tpu.memory_space<vmem>>, vector<1x1x16xf32>,
        %get3A_382 = arith.constant 1 : i32
        %get3A_383 = arith.index_cast %get3A_382 : i32 to index
        %get3A_384 = arith.index_cast %add3A_356 : i32 to index
        %get3A_385 = arith.constant 16 : index
        %get3A_386 = tpu.vector_load %arg10[%get3A_383, %get3A_384, %get3A_385] {strides = array<i32>} : memref<2x125x80xf32, #tpu.memory_space<vmem>>, vector<1x1x16xf32>,
        %get3A_387 = vector.shape_cast %get3A_386 : vector<1x1x16xf32> to vector<16xf32>
        %mul3A_388 = arith.mulf %exp3A_374, %get3A_387 : vector<16xf32>
        %swap3A_389 = arith.constant 1 : i32
        %swap3A_390 = arith.index_cast %swap3A_389 : i32 to index
        %swap3A_391 = arith.index_cast %add3A_356 : i32 to index
        %swap3A_392 = arith.constant 16 : index
        %swap3A_393 = tpu.vector_load %arg12[%swap3A_390, %swap3A_391, %swap3A_392] {strides = array<i32>} : memref<2x125x80xf32, #tpu.memory_space<vmem>>, vector<1x1x16xf32>,
        %swap3A_394 = vector.shape_cast %swap3A_393 : vector<1x1x16xf32> to vector<16xf32>
        %swap3A_395 = vector.shape_cast %mul3A_388 : vector<16xf32> to vector<1x1x16xf32>
        tpu.vector_store %arg12[%swap3A_390, %swap3A_391, %swap3A_392], %swap3A_395 {strides = array<i32>} : memref<2x125x80xf32, #tpu.memory_space<vmem>>, vector<1x1x16xf32>,
        %get3A_396 = arith.constant 1 : i32
        %get3A_397 = arith.index_cast %get3A_396 : i32 to index
        %get3A_398 = arith.index_cast %add3A_356 : i32 to index
        %get3A_399 = arith.constant 32 : index
        %get3A_400 = tpu.vector_load %arg10[%get3A_397, %get3A_398, %get3A_399] {strides = array<i32>} : memref<2x125x80xf32, #tpu.memory_space<vmem>>, vector<1x1x16xf32>,
        %get3A_401 = vector.shape_cast %get3A_400 : vector<1x1x16xf32> to vector<16xf32>
        %mul3A_402 = arith.mulf %exp3A_374, %get3A_401 : vector<16xf32>
        %swap3A_403 = arith.constant 1 : i32
        %swap3A_404 = arith.index_cast %swap3A_403 : i32 to index
        %swap3A_405 = arith.index_cast %add3A_356 : i32 to index
        %swap3A_406 = arith.constant 32 : index
        %swap3A_407 = tpu.vector_load %arg12[%swap3A_404, %swap3A_405, %swap3A_406] {strides = array<i32>} : memref<2x125x80xf32, #tpu.memory_space<vmem>>, vector<1x1x16xf32>,
        %swap3A_408 = vector.shape_cast %swap3A_407 : vector<1x1x16xf32> to vector<16xf32>
        %swap3A_409 = vector.shape_cast %mul3A_402 : vector<16xf32> to vector<1x1x16xf32>
        tpu.vector_store %arg12[%swap3A_404, %swap3A_405, %swap3A_406], %swap3A_409 {strides = array<i32>} : memref<2x125x80xf32, #tpu.memory_space<vmem>>, vector<1x1x16xf32>,
        %get3A_410 = arith.constant 1 : i32
        %get3A_411 = arith.index_cast %get3A_410 : i32 to index
        %get3A_412 = arith.index_cast %add3A_356 : i32 to index
        %get3A_413 = arith.constant 48 : index
        %get3A_414 = tpu.vector_load %arg10[%get3A_411, %get3A_412, %get3A_413] {strides = array<i32>} : memref<2x125x80xf32, #tpu.memory_space<vmem>>, vector<1x1x16xf32>,
        %get3A_415 = vector.shape_cast %get3A_414 : vector<1x1x16xf32> to vector<16xf32>
        %mul3A_416 = arith.mulf %exp3A_374, %get3A_415 : vector<16xf32>
        %swap3A_417 = arith.constant 1 : i32
        %swap3A_418 = arith.index_cast %swap3A_417 : i32 to index
        %swap3A_419 = arith.index_cast %add3A_356 : i32 to index
        %swap3A_420 = arith.constant 48 : index
        %swap3A_421 = tpu.vector_load %arg12[%swap3A_418, %swap3A_419, %swap3A_420] {strides = array<i32>} : memref<2x125x80xf32, #tpu.memory_space<vmem>>, vector<1x1x16xf32>,
        %swap3A_422 = vector.shape_cast %swap3A_421 : vector<1x1x16xf32> to vector<16xf32>
        %swap3A_423 = vector.shape_cast %mul3A_416 : vector<16xf32> to vector<1x1x16xf32>
        tpu.vector_store %arg12[%swap3A_418, %swap3A_419, %swap3A_420], %swap3A_423 {strides = array<i32>} : memref<2x125x80xf32, #tpu.memory_space<vmem>>, vector<1x1x16xf32>,
        %get3A_424 = arith.constant 1 : i32
        %get3A_425 = arith.index_cast %get3A_424 : i32 to index
        %get3A_426 = arith.index_cast %add3A_356 : i32 to index
        %get3A_427 = arith.constant 64 : index
        %get3A_428 = tpu.vector_load %arg10[%get3A_425, %get3A_426, %get3A_427] {strides = array<i32>} : memref<2x125x80xf32, #tpu.memory_space<vmem>>, vector<1x1x16xf32>,
        %get3A_429 = vector.shape_cast %get3A_428 : vector<1x1x16xf32> to vector<16xf32>
        %mul3A_430 = arith.mulf %exp3A_374, %get3A_429 : vector<16xf32>
        %swap3A_431 = arith.constant 1 : i32
        %swap3A_432 = arith.index_cast %swap3A_431 : i32 to index
        %swap3A_433 = arith.index_cast %add3A_356 : i32 to index
        %swap3A_434 = arith.constant 64 : index
        %swap3A_435 = tpu.vector_load %arg12[%swap3A_432, %swap3A_433, %swap3A_434] {strides = array<i32>} : memref<2x125x80xf32, #tpu.memory_space<vmem>>, vector<1x1x16xf32>,
        %swap3A_436 = vector.shape_cast %swap3A_435 : vector<1x1x16xf32> to vector<16xf32>
        %swap3A_437 = vector.shape_cast %mul3A_430 : vector<16xf32> to vector<1x1x16xf32>
        tpu.vector_store %arg12[%swap3A_432, %swap3A_433, %swap3A_434], %swap3A_437 {strides = array<i32>} : memref<2x125x80xf32, #tpu.memory_space<vmem>>, vector<1x1x16xf32>,
        %mul3A_438 = arith.constant 5 : i32
        %mul3A_439 = arith.muli %scan3A_186, %mul3A_438 : i32
        %add3A_440 = arith.constant 3 : i32
        %add3A_441 = arith.addi %mul3A_439, %add3A_440 : i32
        %get3A_442 = arith.constant 1 : i32
        %get3A_443 = arith.index_cast %get3A_442 : i32 to index
        %get3A_444 = arith.index_cast %add3A_441 : i32 to index
        %get3A_445 = arith.constant 0 : index
        %get3A_446 = tpu.vector_load %arg10[%get3A_443, %get3A_444, %get3A_445] {strides = array<i32>} : memref<2x125x80xf32, #tpu.memory_space<vmem>>, vector<1x1x16xf32>,
        %get3A_447 = vector.shape_cast %get3A_446 : vector<1x1x16xf32> to vector<16xf32>
        %get3A_448 = arith.constant 1 : i32
        %get3A_449 = arith.index_cast %get3A_448 : i32 to index
        %get3A_450 = arith.index_cast %add3A_441 : i32 to index
        %get3A_451 = arith.constant 0 : index
        %get3A_452 = tpu.vector_load %arg11[%get3A_449, %get3A_450, %get3A_451] {strides = array<i32>} : memref<2x125x16xf32, #tpu.memory_space<vmem>>, vector<1x1x16xf32>,
        %get3A_453 = vector.shape_cast %get3A_452 : vector<1x1x16xf32> to vector<16xf32>
        %add3A_454 = arith.addf %get3A_447, %get3A_453 : vector<16xf32>
        %mul3A_455 = arith.constant 2.000000e-01 : f32
        %mul3A_456 = vector.broadcast %mul3A_455 : f32 to vector<16xf32>
        %mul3A_457 = arith.mulf %mul3A_456, %add3A_454 : vector<16xf32>
        %max3A_458 = arith.maximumf %add3A_454, %mul3A_457 : vector<16xf32>
        %exp3A_459 = math.exp %max3A_458 : vector<16xf32>
        %swap3A_460 = arith.constant 1 : i32
        %swap3A_461 = arith.index_cast %swap3A_460 : i32 to index
        %swap3A_462 = arith.index_cast %add3A_441 : i32 to index
        %swap3A_463 = arith.constant 0 : index
        %swap3A_464 = tpu.vector_load %arg12[%swap3A_461, %swap3A_462, %swap3A_463] {strides = array<i32>} : memref<2x125x80xf32, #tpu.memory_space<vmem>>, vector<1x1x16xf32>,
        %swap3A_465 = vector.shape_cast %swap3A_464 : vector<1x1x16xf32> to vector<16xf32>
        %swap3A_466 = vector.shape_cast %exp3A_459 : vector<16xf32> to vector<1x1x16xf32>
        tpu.vector_store %arg12[%swap3A_461, %swap3A_462, %swap3A_463], %swap3A_466 {strides = array<i32>} : memref<2x125x80xf32, #tpu.memory_space<vmem>>, vector<1x1x16xf32>,
        %get3A_467 = arith.constant 1 : i32
        %get3A_468 = arith.index_cast %get3A_467 : i32 to index
        %get3A_469 = arith.index_cast %add3A_441 : i32 to index
        %get3A_470 = arith.constant 16 : index
        %get3A_471 = tpu.vector_load %arg10[%get3A_468, %get3A_469, %get3A_470] {strides = array<i32>} : memref<2x125x80xf32, #tpu.memory_space<vmem>>, vector<1x1x16xf32>,
        %get3A_472 = vector.shape_cast %get3A_471 : vector<1x1x16xf32> to vector<16xf32>
        %mul3A_473 = arith.mulf %exp3A_459, %get3A_472 : vector<16xf32>
        %swap3A_474 = arith.constant 1 : i32
        %swap3A_475 = arith.index_cast %swap3A_474 : i32 to index
        %swap3A_476 = arith.index_cast %add3A_441 : i32 to index
        %swap3A_477 = arith.constant 16 : index
        %swap3A_478 = tpu.vector_load %arg12[%swap3A_475, %swap3A_476, %swap3A_477] {strides = array<i32>} : memref<2x125x80xf32, #tpu.memory_space<vmem>>, vector<1x1x16xf32>,
        %swap3A_479 = vector.shape_cast %swap3A_478 : vector<1x1x16xf32> to vector<16xf32>
        %swap3A_480 = vector.shape_cast %mul3A_473 : vector<16xf32> to vector<1x1x16xf32>
        tpu.vector_store %arg12[%swap3A_475, %swap3A_476, %swap3A_477], %swap3A_480 {strides = array<i32>} : memref<2x125x80xf32, #tpu.memory_space<vmem>>, vector<1x1x16xf32>,
        %get3A_481 = arith.constant 1 : i32
        %get3A_482 = arith.index_cast %get3A_481 : i32 to index
        %get3A_483 = arith.index_cast %add3A_441 : i32 to index
        %get3A_484 = arith.constant 32 : index
        %get3A_485 = tpu.vector_load %arg10[%get3A_482, %get3A_483, %get3A_484] {strides = array<i32>} : memref<2x125x80xf32, #tpu.memory_space<vmem>>, vector<1x1x16xf32>,
        %get3A_486 = vector.shape_cast %get3A_485 : vector<1x1x16xf32> to vector<16xf32>
        %mul3A_487 = arith.mulf %exp3A_459, %get3A_486 : vector<16xf32>
        %swap3A_488 = arith.constant 1 : i32
        %swap3A_489 = arith.index_cast %swap3A_488 : i32 to index
        %swap3A_490 = arith.index_cast %add3A_441 : i32 to index
        %swap3A_491 = arith.constant 32 : index
        %swap3A_492 = tpu.vector_load %arg12[%swap3A_489, %swap3A_490, %swap3A_491] {strides = array<i32>} : memref<2x125x80xf32, #tpu.memory_space<vmem>>, vector<1x1x16xf32>,
        %swap3A_493 = vector.shape_cast %swap3A_492 : vector<1x1x16xf32> to vector<16xf32>
        %swap3A_494 = vector.shape_cast %mul3A_487 : vector<16xf32> to vector<1x1x16xf32>
        tpu.vector_store %arg12[%swap3A_489, %swap3A_490, %swap3A_491], %swap3A_494 {strides = array<i32>} : memref<2x125x80xf32, #tpu.memory_space<vmem>>, vector<1x1x16xf32>,
        %get3A_495 = arith.constant 1 : i32
        %get3A_496 = arith.index_cast %get3A_495 : i32 to index
        %get3A_497 = arith.index_cast %add3A_441 : i32 to index
        %get3A_498 = arith.constant 48 : index
        %get3A_499 = tpu.vector_load %arg10[%get3A_496, %get3A_497, %get3A_498] {strides = array<i32>} : memref<2x125x80xf32, #tpu.memory_space<vmem>>, vector<1x1x16xf32>,
        %get3A_500 = vector.shape_cast %get3A_499 : vector<1x1x16xf32> to vector<16xf32>
        %mul3A_501 = arith.mulf %exp3A_459, %get3A_500 : vector<16xf32>
        %swap3A_502 = arith.constant 1 : i32
        %swap3A_503 = arith.index_cast %swap3A_502 : i32 to index
        %swap3A_504 = arith.index_cast %add3A_441 : i32 to index
        %swap3A_505 = arith.constant 48 : index
        %swap3A_506 = tpu.vector_load %arg12[%swap3A_503, %swap3A_504, %swap3A_505] {strides = array<i32>} : memref<2x125x80xf32, #tpu.memory_space<vmem>>, vector<1x1x16xf32>,
        %swap3A_507 = vector.shape_cast %swap3A_506 : vector<1x1x16xf32> to vector<16xf32>
        %swap3A_508 = vector.shape_cast %mul3A_501 : vector<16xf32> to vector<1x1x16xf32>
        tpu.vector_store %arg12[%swap3A_503, %swap3A_504, %swap3A_505], %swap3A_508 {strides = array<i32>} : memref<2x125x80xf32, #tpu.memory_space<vmem>>, vector<1x1x16xf32>,
        %get3A_509 = arith.constant 1 : i32
        %get3A_510 = arith.index_cast %get3A_509 : i32 to index
        %get3A_511 = arith.index_cast %add3A_441 : i32 to index
        %get3A_512 = arith.constant 64 : index
        %get3A_513 = tpu.vector_load %arg10[%get3A_510, %get3A_511, %get3A_512] {strides = array<i32>} : memref<2x125x80xf32, #tpu.memory_space<vmem>>, vector<1x1x16xf32>,
        %get3A_514 = vector.shape_cast %get3A_513 : vector<1x1x16xf32> to vector<16xf32>
        %mul3A_515 = arith.mulf %exp3A_459, %get3A_514 : vector<16xf32>
        %swap3A_516 = arith.constant 1 : i32
        %swap3A_517 = arith.index_cast %swap3A_516 : i32 to index
        %swap3A_518 = arith.index_cast %add3A_441 : i32 to index
        %swap3A_519 = arith.constant 64 : index
        %swap3A_520 = tpu.vector_load %arg12[%swap3A_517, %swap3A_518, %swap3A_519] {strides = array<i32>} : memref<2x125x80xf32, #tpu.memory_space<vmem>>, vector<1x1x16xf32>,
        %swap3A_521 = vector.shape_cast %swap3A_520 : vector<1x1x16xf32> to vector<16xf32>
        %swap3A_522 = vector.shape_cast %mul3A_515 : vector<16xf32> to vector<1x1x16xf32>
        tpu.vector_store %arg12[%swap3A_517, %swap3A_518, %swap3A_519], %swap3A_522 {strides = array<i32>} : memref<2x125x80xf32, #tpu.memory_space<vmem>>, vector<1x1x16xf32>,
        %mul3A_523 = arith.constant 5 : i32
        %mul3A_524 = arith.muli %scan3A_186, %mul3A_523 : i32
        %add3A_525 = arith.constant 4 : i32
        %add3A_526 = arith.addi %mul3A_524, %add3A_525 : i32
        %get3A_527 = arith.constant 1 : i32
        %get3A_528 = arith.index_cast %get3A_527 : i32 to index
        %get3A_529 = arith.index_cast %add3A_526 : i32 to index
        %get3A_530 = arith.constant 0 : index
        %get3A_531 = tpu.vector_load %arg10[%get3A_528, %get3A_529, %get3A_530] {strides = array<i32>} : memref<2x125x80xf32, #tpu.memory_space<vmem>>, vector<1x1x16xf32>,
        %get3A_532 = vector.shape_cast %get3A_531 : vector<1x1x16xf32> to vector<16xf32>
        %get3A_533 = arith.constant 1 : i32
        %get3A_534 = arith.index_cast %get3A_533 : i32 to index
        %get3A_535 = arith.index_cast %add3A_526 : i32 to index
        %get3A_536 = arith.constant 0 : index
        %get3A_537 = tpu.vector_load %arg11[%get3A_534, %get3A_535, %get3A_536] {strides = array<i32>} : memref<2x125x16xf32, #tpu.memory_space<vmem>>, vector<1x1x16xf32>,
        %get3A_538 = vector.shape_cast %get3A_537 : vector<1x1x16xf32> to vector<16xf32>
        %add3A_539 = arith.addf %get3A_532, %get3A_538 : vector<16xf32>
        %mul3A_540 = arith.constant 2.000000e-01 : f32
        %mul3A_541 = vector.broadcast %mul3A_540 : f32 to vector<16xf32>
        %mul3A_542 = arith.mulf %mul3A_541, %add3A_539 : vector<16xf32>
        %max3A_543 = arith.maximumf %add3A_539, %mul3A_542 : vector<16xf32>
        %exp3A_544 = math.exp %max3A_543 : vector<16xf32>
        %swap3A_545 = arith.constant 1 : i32
        %swap3A_546 = arith.index_cast %swap3A_545 : i32 to index
        %swap3A_547 = arith.index_cast %add3A_526 : i32 to index
        %swap3A_548 = arith.constant 0 : index
        %swap3A_549 = tpu.vector_load %arg12[%swap3A_546, %swap3A_547, %swap3A_548] {strides = array<i32>} : memref<2x125x80xf32, #tpu.memory_space<vmem>>, vector<1x1x16xf32>,
        %swap3A_550 = vector.shape_cast %swap3A_549 : vector<1x1x16xf32> to vector<16xf32>
        %swap3A_551 = vector.shape_cast %exp3A_544 : vector<16xf32> to vector<1x1x16xf32>
        tpu.vector_store %arg12[%swap3A_546, %swap3A_547, %swap3A_548], %swap3A_551 {strides = array<i32>} : memref<2x125x80xf32, #tpu.memory_space<vmem>>, vector<1x1x16xf32>,
        %get3A_552 = arith.constant 1 : i32
        %get3A_553 = arith.index_cast %get3A_552 : i32 to index
        %get3A_554 = arith.index_cast %add3A_526 : i32 to index
        %get3A_555 = arith.constant 16 : index
        %get3A_556 = tpu.vector_load %arg10[%get3A_553, %get3A_554, %get3A_555] {strides = array<i32>} : memref<2x125x80xf32, #tpu.memory_space<vmem>>, vector<1x1x16xf32>,
        %get3A_557 = vector.shape_cast %get3A_556 : vector<1x1x16xf32> to vector<16xf32>
        %mul3A_558 = arith.mulf %exp3A_544, %get3A_557 : vector<16xf32>
        %swap3A_559 = arith.constant 1 : i32
        %swap3A_560 = arith.index_cast %swap3A_559 : i32 to index
        %swap3A_561 = arith.index_cast %add3A_526 : i32 to index
        %swap3A_562 = arith.constant 16 : index
        %swap3A_563 = tpu.vector_load %arg12[%swap3A_560, %swap3A_561, %swap3A_562] {strides = array<i32>} : memref<2x125x80xf32, #tpu.memory_space<vmem>>, vector<1x1x16xf32>,
        %swap3A_564 = vector.shape_cast %swap3A_563 : vector<1x1x16xf32> to vector<16xf32>
        %swap3A_565 = vector.shape_cast %mul3A_558 : vector<16xf32> to vector<1x1x16xf32>
        tpu.vector_store %arg12[%swap3A_560, %swap3A_561, %swap3A_562], %swap3A_565 {strides = array<i32>} : memref<2x125x80xf32, #tpu.memory_space<vmem>>, vector<1x1x16xf32>,
        %get3A_566 = arith.constant 1 : i32
        %get3A_567 = arith.index_cast %get3A_566 : i32 to index
        %get3A_568 = arith.index_cast %add3A_526 : i32 to index
        %get3A_569 = arith.constant 32 : index
        %get3A_570 = tpu.vector_load %arg10[%get3A_567, %get3A_568, %get3A_569] {strides = array<i32>} : memref<2x125x80xf32, #tpu.memory_space<vmem>>, vector<1x1x16xf32>,
        %get3A_571 = vector.shape_cast %get3A_570 : vector<1x1x16xf32> to vector<16xf32>
        %mul3A_572 = arith.mulf %exp3A_544, %get3A_571 : vector<16xf32>
        %swap3A_573 = arith.constant 1 : i32
        %swap3A_574 = arith.index_cast %swap3A_573 : i32 to index
        %swap3A_575 = arith.index_cast %add3A_526 : i32 to index
        %swap3A_576 = arith.constant 32 : index
        %swap3A_577 = tpu.vector_load %arg12[%swap3A_574, %swap3A_575, %swap3A_576] {strides = array<i32>} : memref<2x125x80xf32, #tpu.memory_space<vmem>>, vector<1x1x16xf32>,
        %swap3A_578 = vector.shape_cast %swap3A_577 : vector<1x1x16xf32> to vector<16xf32>
        %swap3A_579 = vector.shape_cast %mul3A_572 : vector<16xf32> to vector<1x1x16xf32>
        tpu.vector_store %arg12[%swap3A_574, %swap3A_575, %swap3A_576], %swap3A_579 {strides = array<i32>} : memref<2x125x80xf32, #tpu.memory_space<vmem>>, vector<1x1x16xf32>,
        %get3A_580 = arith.constant 1 : i32
        %get3A_581 = arith.index_cast %get3A_580 : i32 to index
        %get3A_582 = arith.index_cast %add3A_526 : i32 to index
        %get3A_583 = arith.constant 48 : index
        %get3A_584 = tpu.vector_load %arg10[%get3A_581, %get3A_582, %get3A_583] {strides = array<i32>} : memref<2x125x80xf32, #tpu.memory_space<vmem>>, vector<1x1x16xf32>,
        %get3A_585 = vector.shape_cast %get3A_584 : vector<1x1x16xf32> to vector<16xf32>
        %mul3A_586 = arith.mulf %exp3A_544, %get3A_585 : vector<16xf32>
        %swap3A_587 = arith.constant 1 : i32
        %swap3A_588 = arith.index_cast %swap3A_587 : i32 to index
        %swap3A_589 = arith.index_cast %add3A_526 : i32 to index
        %swap3A_590 = arith.constant 48 : index
        %swap3A_591 = tpu.vector_load %arg12[%swap3A_588, %swap3A_589, %swap3A_590] {strides = array<i32>} : memref<2x125x80xf32, #tpu.memory_space<vmem>>, vector<1x1x16xf32>,
        %swap3A_592 = vector.shape_cast %swap3A_591 : vector<1x1x16xf32> to vector<16xf32>
        %swap3A_593 = vector.shape_cast %mul3A_586 : vector<16xf32> to vector<1x1x16xf32>
        tpu.vector_store %arg12[%swap3A_588, %swap3A_589, %swap3A_590], %swap3A_593 {strides = array<i32>} : memref<2x125x80xf32, #tpu.memory_space<vmem>>, vector<1x1x16xf32>,
        %get3A_594 = arith.constant 1 : i32
        %get3A_595 = arith.index_cast %get3A_594 : i32 to index
        %get3A_596 = arith.index_cast %add3A_526 : i32 to index
        %get3A_597 = arith.constant 64 : index
        %get3A_598 = tpu.vector_load %arg10[%get3A_595, %get3A_596, %get3A_597] {strides = array<i32>} : memref<2x125x80xf32, #tpu.memory_space<vmem>>, vector<1x1x16xf32>,
        %get3A_599 = vector.shape_cast %get3A_598 : vector<1x1x16xf32> to vector<16xf32>
        %mul3A_600 = arith.mulf %exp3A_544, %get3A_599 : vector<16xf32>
        %swap3A_601 = arith.constant 1 : i32
        %swap3A_602 = arith.index_cast %swap3A_601 : i32 to index
        %swap3A_603 = arith.index_cast %add3A_526 : i32 to index
        %swap3A_604 = arith.constant 64 : index
        %swap3A_605 = tpu.vector_load %arg12[%swap3A_602, %swap3A_603, %swap3A_604] {strides = array<i32>} : memref<2x125x80xf32, #tpu.memory_space<vmem>>, vector<1x1x16xf32>,
        %swap3A_606 = vector.shape_cast %swap3A_605 : vector<1x1x16xf32> to vector<16xf32>
        %swap3A_607 = vector.shape_cast %mul3A_600 : vector<16xf32> to vector<1x1x16xf32>
        tpu.vector_store %arg12[%swap3A_602, %swap3A_603, %swap3A_604], %swap3A_607 {strides = array<i32>} : memref<2x125x80xf32, #tpu.memory_space<vmem>>, vector<1x1x16xf32>,
      }
      %scan3A_174 = arith.constant 25 : i32
      %dma_start3A_175 = arith.constant 1 : i32
      %dma_start3A_176 = arith.constant 0 : i32
      %dma_start3A_177 = arith.constant 0 : i32
      %dma_start3A_178 = tpu.memref_slice %arg12[%dma_start3A_175, %dma_start3A_176, %dma_start3A_177] : memref<2x125x80xf32, #tpu.memory_space<vmem>> -> memref<1x125x80xf32, #tpu.memory_space<vmem>>
      %dma_start3A_179 = tpu.memref_squeeze %dma_start3A_178 : memref<1x125x80xf32, #tpu.memory_space<vmem>> -> memref<125x80xf32, #tpu.memory_space<vmem>>
      %dma_start3A_180 = arith.constant 0 : i32
      %dma_start3A_181 = tpu.memref_slice %arg9[%add3A_163, %dma_start3A_180] : memref<80x125xi32, #tpu.memory_space<vmem>> -> memref<1x125xi32, #tpu.memory_space<vmem>>
      %dma_start3A_182 = tpu.memref_squeeze %dma_start3A_181 : memref<1x125xi32, #tpu.memory_space<vmem>> -> memref<125xi32, #tpu.memory_space<vmem>>
      %dma_start3A_183 = arith.constant 0 : i32
      %dma_start3A_184 = arith.constant 0 : i32
      %dma_start3A_185 = tpu.memref_slice %arg13[%dma_start3A_183, %dma_start3A_184] : memref<10000x80xf32, #tpu.memory_space<vmem_shared>> -> memref<10000x80xf32, #tpu.memory_space<vmem_shared>>
      tpu.enqueue_indirect_dma source(%dma_start3A_179 : memref<125x80xf32, #tpu.memory_space<vmem>>) target(%dma_start3A_185 : memref<10000x80xf32, #tpu.memory_space<vmem_shared>>) offsets(%dma_start3A_182 : memref<125xi32, #tpu.memory_space<vmem>>) semaphore(%arg17 : memref<!tpu.dma_semaphore, #tpu.memory_space<semaphore_mem>>) {add = true}
    }
    %scan3A_30 = arith.constant 40 : i32
    %dma_wait3A = arith.constant 0 : i32
    %dma_wait3A_31 = arith.constant 0 : i32
    %dma_wait3A_32 = arith.constant 0 : i32
    %dma_wait3A_33 = arith.constant 0 : i32
    %dma_wait3A_34 = tpu.memref_slice %arg12[%dma_wait3A, %dma_wait3A_32, %dma_wait3A_33] : memref<2x125x80xf32, #tpu.memory_space<vmem>> -> memref<1x125x80xf32, #tpu.memory_space<vmem>>
    %dma_wait3A_35 = tpu.memref_squeeze %dma_wait3A_34 : memref<1x125x80xf32, #tpu.memory_space<vmem>> -> memref<125x80xf32, #tpu.memory_space<vmem>>
    %dma_wait3A_36 = arith.constant 0 : i32
    %dma_wait3A_37 = tpu.memref_slice %arg9[%dma_wait3A_31, %dma_wait3A_36] : memref<80x125xi32, #tpu.memory_space<vmem>> -> memref<1x125xi32, #tpu.memory_space<vmem>>
    %dma_wait3A_38 = tpu.memref_squeeze %dma_wait3A_37 : memref<1x125xi32, #tpu.memory_space<vmem>> -> memref<125xi32, #tpu.memory_space<vmem>>
    %dma_wait3A_39 = arith.constant 0 : i32
    %dma_wait3A_40 = arith.constant 0 : i32
    %dma_wait3A_41 = tpu.memref_slice %arg13[%dma_wait3A_39, %dma_wait3A_40] : memref<10000x80xf32, #tpu.memory_space<vmem_shared>> -> memref<10000x80xf32, #tpu.memory_space<vmem_shared>>
    tpu.wait_indirect_dma semaphore(%arg16 : memref<!tpu.dma_semaphore, #tpu.memory_space<semaphore_mem>>) src(%dma_wait3A_35 : memref<125x80xf32, #tpu.memory_space<vmem>>) dst(%dma_wait3A_41 : memref<10000x80xf32, #tpu.memory_space<vmem_shared>>)
    %dma_wait3A_42 = arith.constant 1 : i32
    %dma_wait3A_43 = arith.constant 0 : i32
    %dma_wait3A_44 = arith.constant 0 : i32
    %dma_wait3A_45 = arith.constant 0 : i32
    %dma_wait3A_46 = tpu.memref_slice %arg12[%dma_wait3A_42, %dma_wait3A_44, %dma_wait3A_45] : memref<2x125x80xf32, #tpu.memory_space<vmem>> -> memref<1x125x80xf32, #tpu.memory_space<vmem>>
    %dma_wait3A_47 = tpu.memref_squeeze %dma_wait3A_46 : memref<1x125x80xf32, #tpu.memory_space<vmem>> -> memref<125x80xf32, #tpu.memory_space<vmem>>
    %dma_wait3A_48 = arith.constant 0 : i32
    %dma_wait3A_49 = tpu.memref_slice %arg9[%dma_wait3A_43, %dma_wait3A_48] : memref<80x125xi32, #tpu.memory_space<vmem>> -> memref<1x125xi32, #tpu.memory_space<vmem>>
    %dma_wait3A_50 = tpu.memref_squeeze %dma_wait3A_49 : memref<1x125xi32, #tpu.memory_space<vmem>> -> memref<125xi32, #tpu.memory_space<vmem>>
    %dma_wait3A_51 = arith.constant 0 : i32
    %dma_wait3A_52 = arith.constant 0 : i32
    %dma_wait3A_53 = tpu.memref_slice %arg13[%dma_wait3A_51, %dma_wait3A_52] : memref<10000x80xf32, #tpu.memory_space<vmem_shared>> -> memref<10000x80xf32, #tpu.memory_space<vmem_shared>>
    tpu.wait_indirect_dma semaphore(%arg17 : memref<!tpu.dma_semaphore, #tpu.memory_space<semaphore_mem>>) src(%dma_wait3A_47 : memref<125x80xf32, #tpu.memory_space<vmem>>) dst(%dma_wait3A_53 : memref<10000x80xf32, #tpu.memory_space<vmem_shared>>)
    %barrier3A_54 = arith.constant 0 : index
    tpu.barrier barrier_id(%barrier3A_54)
    %eq3A_55 = arith.constant 0 : i32
    %eq3A_56 = arith.cmpi eq, %arg1, %eq3A_55 : i32
    %convert_element_type3A_57 = arith.extui %eq3A_56 : i1 to i32
    %cond3A_58 = arith.constant 0 : i32
    %cond3A_59 = arith.cmpi ne, %convert_element_type3A_57, %cond3A_58 : i32
    scf.if %cond3A_59 {
      "tpu.region"() ({
        %run_scoped3A = tpu.sem_alloc : memref<!tpu.dma_semaphore, #tpu.memory_space<semaphore_mem>>
        %dma_start3A_60 = arith.constant 0 : i32
        %dma_start3A_61 = arith.constant 0 : i32
        %dma_start3A_62 = tpu.memref_slice %arg7[%arg0, %dma_start3A_60, %dma_start3A_61] : memref<2x10000x80xf32, #tpu.memory_space<hbm>> -> memref<1x10000x80xf32, #tpu.memory_space<hbm>>
        %dma_start3A_63 = tpu.memref_squeeze %dma_start3A_62 : memref<1x10000x80xf32, #tpu.memory_space<hbm>> -> memref<10000x80xf32, #tpu.memory_space<hbm>>
        tpu.enqueue_dma source(%arg13 : memref<10000x80xf32, #tpu.memory_space<vmem_shared>>) target(%dma_start3A_63 : memref<10000x80xf32, #tpu.memory_space<hbm>>) target_semaphore(%run_scoped3A : memref<!tpu.dma_semaphore, #tpu.memory_space<semaphore_mem>>)
        %dma_wait3A_64 = arith.constant 0 : i32
        %dma_wait3A_65 = arith.constant 0 : i32
        %dma_wait3A_66 = tpu.memref_slice %arg7[%arg0, %dma_wait3A_64, %dma_wait3A_65] : memref<2x10000x80xf32, #tpu.memory_space<hbm>> -> memref<1x10000x80xf32, #tpu.memory_space<hbm>>
        %dma_wait3A_67 = tpu.memref_squeeze %dma_wait3A_66 : memref<1x10000x80xf32, #tpu.memory_space<hbm>> -> memref<10000x80xf32, #tpu.memory_space<hbm>>
        tpu.wait_dma2 semaphore(%run_scoped3A : memref<!tpu.dma_semaphore, #tpu.memory_space<semaphore_mem>>) src(%arg13 : memref<10000x80xf32, #tpu.memory_space<vmem_shared>>) dst(%dma_wait3A_67 : memref<10000x80xf32, #tpu.memory_space<hbm>>)
        tpu.yield
      }) : () -> ()
    } else {
    }
    return
  }
}

#map = affine_map<(d0, d1) -> (0, 0, 0)>
#map1 = affine_map<(d0, d1) -> (0, 0)>
module attributes {stable_mosaic.version = 14 : i64} {
  func.func @body(%arg0: i32, %arg1: i32, %arg2: memref<32x80x125xi32, #tpu.memory_space<hbm>>, %arg3: memref<32x80x125xi32, #tpu.memory_space<hbm>>, %arg4: memref<10000x32xf32, #tpu.memory_space<hbm>>, %arg5: memref<10000x16xf32, #tpu.memory_space<hbm>>, %arg6: memref<10000x32xf32, #tpu.memory_space<hbm>>, %arg7: memref<2x10000x32xf32, #tpu.memory_space<hbm>>, %arg8: memref<80x125xi32, #tpu.memory_space<vmem>>, %arg9: memref<80x125xi32, #tpu.memory_space<vmem>>, %arg10: memref<2x125x32xf32, #tpu.memory_space<vmem>>, %arg11: memref<2x125x16xf32, #tpu.memory_space<vmem>>, %arg12: memref<2x125x32xf32, #tpu.memory_space<vmem>>, %arg13: memref<10000x32xf32, #tpu.memory_space<vmem_shared>>, %arg14: memref<!tpu.dma_semaphore, #tpu.memory_space<semaphore_mem>>, %arg15: memref<!tpu.dma_semaphore, #tpu.memory_space<semaphore_mem>>, %arg16: memref<!tpu.dma_semaphore, #tpu.memory_space<semaphore_mem>>, %arg17: memref<!tpu.dma_semaphore, #tpu.memory_space<semaphore_mem>>) attributes {dimension_semantics = [#tpu.dimension_semantics<core_parallel>, #tpu.dimension_semantics<subcore_parallel>], iteration_bounds = array<i64: 2, 16>, scalar_prefetch = 0 : i64, scratch_operands = 10 : i64, tpu.core_type = #tpu.core_type<sc_vector_subcore>, window_params = [{transform_indices = #map}, {transform_indices = #map}, {transform_indices = #map1}, {transform_indices = #map1}, {transform_indices = #map1}, {transform_indices = #map}]} {
    %eq3A = arith.constant 0 : i32
    %eq3A_0 = arith.cmpi eq, %arg1, %eq3A : i32
    %convert_element_type3A = arith.extui %eq3A_0 : i1 to i32
    %cond3A = arith.constant 0 : i32
    %cond3A_1 = arith.cmpi ne, %convert_element_type3A, %cond3A : i32
    scf.if %cond3A_1 {
      "tpu.region"() ({
        %run_scoped3A = tpu.sem_alloc : memref<!tpu.dma_semaphore, #tpu.memory_space<semaphore_mem>>
        tpu.enqueue_dma source(%arg6 : memref<10000x32xf32, #tpu.memory_space<hbm>>) target(%arg13 : memref<10000x32xf32, #tpu.memory_space<vmem_shared>>) target_semaphore(%run_scoped3A : memref<!tpu.dma_semaphore, #tpu.memory_space<semaphore_mem>>)
        tpu.wait_dma2 semaphore(%run_scoped3A : memref<!tpu.dma_semaphore, #tpu.memory_space<semaphore_mem>>) src(%arg6 : memref<10000x32xf32, #tpu.memory_space<hbm>>) dst(%arg13 : memref<10000x32xf32, #tpu.memory_space<vmem_shared>>)
        tpu.yield
      }) : () -> ()
    } else {
    }
    %barrier3A = arith.constant 0 : index
    tpu.barrier barrier_id(%barrier3A)
    %mul3A = arith.constant 2 : i32
    %mul3A_2 = arith.muli %arg1, %mul3A : i32
    %add3A = arith.addi %mul3A_2, %arg0 : i32
    "tpu.region"() ({
      %run_scoped3A = tpu.sem_alloc : memref<!tpu.dma_semaphore, #tpu.memory_space<semaphore_mem>>
      %dma_start3A_60 = arith.constant 0 : i32
      %dma_start3A_61 = arith.constant 0 : i32
      %dma_start3A_62 = tpu.memref_slice %arg2[%add3A, %dma_start3A_60, %dma_start3A_61] : memref<32x80x125xi32, #tpu.memory_space<hbm>> -> memref<1x80x125xi32, #tpu.memory_space<hbm>>
      %dma_start3A_63 = tpu.memref_squeeze %dma_start3A_62 : memref<1x80x125xi32, #tpu.memory_space<hbm>> -> memref<80x125xi32, #tpu.memory_space<hbm>>
      %dma_start3A_64 = arith.constant 0 : i32
      %dma_start3A_65 = arith.constant 0 : i32
      %dma_start3A_66 = tpu.memref_slice %arg2[%add3A, %dma_start3A_64, %dma_start3A_65] : memref<32x80x125xi32, #tpu.memory_space<hbm>> -> memref<1x80x125xi32, #tpu.memory_space<hbm>>
      %dma_start3A_67 = tpu.memref_squeeze %dma_start3A_66 : memref<1x80x125xi32, #tpu.memory_space<hbm>> -> memref<80x125xi32, #tpu.memory_space<hbm>>
      tpu.enqueue_dma source(%dma_start3A_67 : memref<80x125xi32, #tpu.memory_space<hbm>>) target(%arg8 : memref<80x125xi32, #tpu.memory_space<vmem>>) target_semaphore(%run_scoped3A : memref<!tpu.dma_semaphore, #tpu.memory_space<semaphore_mem>>)
      %dma_wait3A_68 = arith.constant 0 : i32
      %dma_wait3A_69 = arith.constant 0 : i32
      %dma_wait3A_70 = tpu.memref_slice %arg2[%add3A, %dma_wait3A_68, %dma_wait3A_69] : memref<32x80x125xi32, #tpu.memory_space<hbm>> -> memref<1x80x125xi32, #tpu.memory_space<hbm>>
      %dma_wait3A_71 = tpu.memref_squeeze %dma_wait3A_70 : memref<1x80x125xi32, #tpu.memory_space<hbm>> -> memref<80x125xi32, #tpu.memory_space<hbm>>
      %dma_wait3A_72 = arith.constant 0 : i32
      %dma_wait3A_73 = arith.constant 0 : i32
      %dma_wait3A_74 = tpu.memref_slice %arg2[%add3A, %dma_wait3A_72, %dma_wait3A_73] : memref<32x80x125xi32, #tpu.memory_space<hbm>> -> memref<1x80x125xi32, #tpu.memory_space<hbm>>
      %dma_wait3A_75 = tpu.memref_squeeze %dma_wait3A_74 : memref<1x80x125xi32, #tpu.memory_space<hbm>> -> memref<80x125xi32, #tpu.memory_space<hbm>>
      tpu.wait_dma2 semaphore(%run_scoped3A : memref<!tpu.dma_semaphore, #tpu.memory_space<semaphore_mem>>) src(%dma_wait3A_75 : memref<80x125xi32, #tpu.memory_space<hbm>>) dst(%arg8 : memref<80x125xi32, #tpu.memory_space<vmem>>)
      tpu.yield
    }) : () -> ()
    "tpu.region"() ({
      %run_scoped3A = tpu.sem_alloc : memref<!tpu.dma_semaphore, #tpu.memory_space<semaphore_mem>>
      %dma_start3A_60 = arith.constant 0 : i32
      %dma_start3A_61 = arith.constant 0 : i32
      %dma_start3A_62 = tpu.memref_slice %arg3[%add3A, %dma_start3A_60, %dma_start3A_61] : memref<32x80x125xi32, #tpu.memory_space<hbm>> -> memref<1x80x125xi32, #tpu.memory_space<hbm>>
      %dma_start3A_63 = tpu.memref_squeeze %dma_start3A_62 : memref<1x80x125xi32, #tpu.memory_space<hbm>> -> memref<80x125xi32, #tpu.memory_space<hbm>>
      %dma_start3A_64 = arith.constant 0 : i32
      %dma_start3A_65 = arith.constant 0 : i32
      %dma_start3A_66 = tpu.memref_slice %arg3[%add3A, %dma_start3A_64, %dma_start3A_65] : memref<32x80x125xi32, #tpu.memory_space<hbm>> -> memref<1x80x125xi32, #tpu.memory_space<hbm>>
      %dma_start3A_67 = tpu.memref_squeeze %dma_start3A_66 : memref<1x80x125xi32, #tpu.memory_space<hbm>> -> memref<80x125xi32, #tpu.memory_space<hbm>>
      tpu.enqueue_dma source(%dma_start3A_67 : memref<80x125xi32, #tpu.memory_space<hbm>>) target(%arg9 : memref<80x125xi32, #tpu.memory_space<vmem>>) target_semaphore(%run_scoped3A : memref<!tpu.dma_semaphore, #tpu.memory_space<semaphore_mem>>)
      %dma_wait3A_68 = arith.constant 0 : i32
      %dma_wait3A_69 = arith.constant 0 : i32
      %dma_wait3A_70 = tpu.memref_slice %arg3[%add3A, %dma_wait3A_68, %dma_wait3A_69] : memref<32x80x125xi32, #tpu.memory_space<hbm>> -> memref<1x80x125xi32, #tpu.memory_space<hbm>>
      %dma_wait3A_71 = tpu.memref_squeeze %dma_wait3A_70 : memref<1x80x125xi32, #tpu.memory_space<hbm>> -> memref<80x125xi32, #tpu.memory_space<hbm>>
      %dma_wait3A_72 = arith.constant 0 : i32
      %dma_wait3A_73 = arith.constant 0 : i32
      %dma_wait3A_74 = tpu.memref_slice %arg3[%add3A, %dma_wait3A_72, %dma_wait3A_73] : memref<32x80x125xi32, #tpu.memory_space<hbm>> -> memref<1x80x125xi32, #tpu.memory_space<hbm>>
      %dma_wait3A_75 = tpu.memref_squeeze %dma_wait3A_74 : memref<1x80x125xi32, #tpu.memory_space<hbm>> -> memref<80x125xi32, #tpu.memory_space<hbm>>
      tpu.wait_dma2 semaphore(%run_scoped3A : memref<!tpu.dma_semaphore, #tpu.memory_space<semaphore_mem>>) src(%dma_wait3A_75 : memref<80x125xi32, #tpu.memory_space<hbm>>) dst(%arg9 : memref<80x125xi32, #tpu.memory_space<vmem>>)
      tpu.yield
    }) : () -> ()
    %dma_start3A = arith.constant 0 : i32
    %dma_start3A_3 = arith.constant 0 : i32
    %dma_start3A_4 = arith.constant 0 : i32
    %dma_start3A_5 = arith.constant 0 : i32
    %dma_start3A_6 = tpu.memref_slice %arg10[%dma_start3A_3, %dma_start3A_4, %dma_start3A_5] : memref<2x125x32xf32, #tpu.memory_space<vmem>> -> memref<1x125x32xf32, #tpu.memory_space<vmem>>
    %dma_start3A_7 = tpu.memref_squeeze %dma_start3A_6 : memref<1x125x32xf32, #tpu.memory_space<vmem>> -> memref<125x32xf32, #tpu.memory_space<vmem>>
    %dma_start3A_8 = arith.constant 0 : i32
    %dma_start3A_9 = tpu.memref_slice %arg8[%dma_start3A, %dma_start3A_8] : memref<80x125xi32, #tpu.memory_space<vmem>> -> memref<1x125xi32, #tpu.memory_space<vmem>>
    %dma_start3A_10 = tpu.memref_squeeze %dma_start3A_9 : memref<1x125xi32, #tpu.memory_space<vmem>> -> memref<125xi32, #tpu.memory_space<vmem>>
    %dma_start3A_11 = arith.constant 0 : i32
    %dma_start3A_12 = arith.constant 0 : i32
    %dma_start3A_13 = tpu.memref_slice %arg4[%dma_start3A_11, %dma_start3A_12] : memref<10000x32xf32, #tpu.memory_space<hbm>> -> memref<10000x32xf32, #tpu.memory_space<hbm>>
    tpu.enqueue_indirect_dma source(%dma_start3A_13 : memref<10000x32xf32, #tpu.memory_space<hbm>>) target(%dma_start3A_7 : memref<125x32xf32, #tpu.memory_space<vmem>>) offsets(%dma_start3A_10 : memref<125xi32, #tpu.memory_space<vmem>>) semaphore(%arg14 : memref<!tpu.dma_semaphore, #tpu.memory_space<semaphore_mem>>)
    %dma_start3A_14 = arith.constant 0 : i32
    %dma_start3A_15 = arith.constant 0 : i32
    %dma_start3A_16 = arith.constant 0 : i32
    %dma_start3A_17 = arith.constant 0 : i32
    %dma_start3A_18 = tpu.memref_slice %arg11[%dma_start3A_15, %dma_start3A_16, %dma_start3A_17] : memref<2x125x16xf32, #tpu.memory_space<vmem>> -> memref<1x125x16xf32, #tpu.memory_space<vmem>>
    %dma_start3A_19 = tpu.memref_squeeze %dma_start3A_18 : memref<1x125x16xf32, #tpu.memory_space<vmem>> -> memref<125x16xf32, #tpu.memory_space<vmem>>
    %dma_start3A_20 = arith.constant 0 : i32
    %dma_start3A_21 = tpu.memref_slice %arg9[%dma_start3A_14, %dma_start3A_20] : memref<80x125xi32, #tpu.memory_space<vmem>> -> memref<1x125xi32, #tpu.memory_space<vmem>>
    %dma_start3A_22 = tpu.memref_squeeze %dma_start3A_21 : memref<1x125xi32, #tpu.memory_space<vmem>> -> memref<125xi32, #tpu.memory_space<vmem>>
    %dma_start3A_23 = arith.constant 0 : i32
    %dma_start3A_24 = arith.constant 0 : i32
    %dma_start3A_25 = tpu.memref_slice %arg5[%dma_start3A_23, %dma_start3A_24] : memref<10000x16xf32, #tpu.memory_space<hbm>> -> memref<10000x16xf32, #tpu.memory_space<hbm>>
    tpu.enqueue_indirect_dma source(%dma_start3A_25 : memref<10000x16xf32, #tpu.memory_space<hbm>>) target(%dma_start3A_19 : memref<125x16xf32, #tpu.memory_space<vmem>>) offsets(%dma_start3A_22 : memref<125xi32, #tpu.memory_space<vmem>>) semaphore(%arg14 : memref<!tpu.dma_semaphore, #tpu.memory_space<semaphore_mem>>)
    %scan3A = arith.constant 0 : i32
    %scan3A_26 = arith.constant 0 : i32
    %scan3A_27 = arith.constant 40 : i32
    %scan3A_28 = arith.addi %scan3A_26, %scan3A_27 : i32
    %scan3A_29 = arith.constant 1 : i32
    scf.for %scan3A_60 = %scan3A_26 to %scan3A_28 step %scan3A_29  : i32 {
      %mul3A_61 = arith.constant 2 : i32
      %mul3A_62 = arith.muli %mul3A_61, %scan3A_60 : i32
      %add3A_63 = arith.constant 1 : i32
      %add3A_64 = arith.addi %mul3A_62, %add3A_63 : i32
      %dma_start3A_65 = arith.constant 1 : i32
      %dma_start3A_66 = arith.constant 0 : i32
      %dma_start3A_67 = arith.constant 0 : i32
      %dma_start3A_68 = tpu.memref_slice %arg10[%dma_start3A_65, %dma_start3A_66, %dma_start3A_67] : memref<2x125x32xf32, #tpu.memory_space<vmem>> -> memref<1x125x32xf32, #tpu.memory_space<vmem>>
      %dma_start3A_69 = tpu.memref_squeeze %dma_start3A_68 : memref<1x125x32xf32, #tpu.memory_space<vmem>> -> memref<125x32xf32, #tpu.memory_space<vmem>>
      %dma_start3A_70 = arith.constant 0 : i32
      %dma_start3A_71 = tpu.memref_slice %arg8[%add3A_64, %dma_start3A_70] : memref<80x125xi32, #tpu.memory_space<vmem>> -> memref<1x125xi32, #tpu.memory_space<vmem>>
      %dma_start3A_72 = tpu.memref_squeeze %dma_start3A_71 : memref<1x125xi32, #tpu.memory_space<vmem>> -> memref<125xi32, #tpu.memory_space<vmem>>
      %dma_start3A_73 = arith.constant 0 : i32
      %dma_start3A_74 = arith.constant 0 : i32
      %dma_start3A_75 = tpu.memref_slice %arg4[%dma_start3A_73, %dma_start3A_74] : memref<10000x32xf32, #tpu.memory_space<hbm>> -> memref<10000x32xf32, #tpu.memory_space<hbm>>
      tpu.enqueue_indirect_dma source(%dma_start3A_75 : memref<10000x32xf32, #tpu.memory_space<hbm>>) target(%dma_start3A_69 : memref<125x32xf32, #tpu.memory_space<vmem>>) offsets(%dma_start3A_72 : memref<125xi32, #tpu.memory_space<vmem>>) semaphore(%arg15 : memref<!tpu.dma_semaphore, #tpu.memory_space<semaphore_mem>>)
      %dma_start3A_76 = arith.constant 1 : i32
      %dma_start3A_77 = arith.constant 0 : i32
      %dma_start3A_78 = arith.constant 0 : i32
      %dma_start3A_79 = tpu.memref_slice %arg11[%dma_start3A_76, %dma_start3A_77, %dma_start3A_78] : memref<2x125x16xf32, #tpu.memory_space<vmem>> -> memref<1x125x16xf32, #tpu.memory_space<vmem>>
      %dma_start3A_80 = tpu.memref_squeeze %dma_start3A_79 : memref<1x125x16xf32, #tpu.memory_space<vmem>> -> memref<125x16xf32, #tpu.memory_space<vmem>>
      %dma_start3A_81 = arith.constant 0 : i32
      %dma_start3A_82 = tpu.memref_slice %arg9[%add3A_64, %dma_start3A_81] : memref<80x125xi32, #tpu.memory_space<vmem>> -> memref<1x125xi32, #tpu.memory_space<vmem>>
      %dma_start3A_83 = tpu.memref_squeeze %dma_start3A_82 : memref<1x125xi32, #tpu.memory_space<vmem>> -> memref<125xi32, #tpu.memory_space<vmem>>
      %dma_start3A_84 = arith.constant 0 : i32
      %dma_start3A_85 = arith.constant 0 : i32
      %dma_start3A_86 = tpu.memref_slice %arg5[%dma_start3A_84, %dma_start3A_85] : memref<10000x16xf32, #tpu.memory_space<hbm>> -> memref<10000x16xf32, #tpu.memory_space<hbm>>
      tpu.enqueue_indirect_dma source(%dma_start3A_86 : memref<10000x16xf32, #tpu.memory_space<hbm>>) target(%dma_start3A_80 : memref<125x16xf32, #tpu.memory_space<vmem>>) offsets(%dma_start3A_83 : memref<125xi32, #tpu.memory_space<vmem>>) semaphore(%arg15 : memref<!tpu.dma_semaphore, #tpu.memory_space<semaphore_mem>>)
      %dma_wait3A_87 = arith.constant 0 : i32
      %dma_wait3A_88 = arith.constant 0 : i32
      %dma_wait3A_89 = arith.constant 0 : i32
      %dma_wait3A_90 = arith.constant 0 : i32
      %dma_wait3A_91 = tpu.memref_slice %arg10[%dma_wait3A_88, %dma_wait3A_89, %dma_wait3A_90] : memref<2x125x32xf32, #tpu.memory_space<vmem>> -> memref<1x125x32xf32, #tpu.memory_space<vmem>>
      %dma_wait3A_92 = tpu.memref_squeeze %dma_wait3A_91 : memref<1x125x32xf32, #tpu.memory_space<vmem>> -> memref<125x32xf32, #tpu.memory_space<vmem>>
      %dma_wait3A_93 = arith.constant 0 : i32
      %dma_wait3A_94 = tpu.memref_slice %arg8[%dma_wait3A_87, %dma_wait3A_93] : memref<80x125xi32, #tpu.memory_space<vmem>> -> memref<1x125xi32, #tpu.memory_space<vmem>>
      %dma_wait3A_95 = tpu.memref_squeeze %dma_wait3A_94 : memref<1x125xi32, #tpu.memory_space<vmem>> -> memref<125xi32, #tpu.memory_space<vmem>>
      %dma_wait3A_96 = arith.constant 0 : i32
      %dma_wait3A_97 = arith.constant 0 : i32
      %dma_wait3A_98 = tpu.memref_slice %arg4[%dma_wait3A_96, %dma_wait3A_97] : memref<10000x32xf32, #tpu.memory_space<hbm>> -> memref<10000x32xf32, #tpu.memory_space<hbm>>
      tpu.wait_indirect_dma semaphore(%arg14 : memref<!tpu.dma_semaphore, #tpu.memory_space<semaphore_mem>>) src(%dma_wait3A_98 : memref<10000x32xf32, #tpu.memory_space<hbm>>) dst(%dma_wait3A_92 : memref<125x32xf32, #tpu.memory_space<vmem>>)
      %dma_wait3A_99 = arith.constant 0 : i32
      %dma_wait3A_100 = arith.constant 0 : i32
      %dma_wait3A_101 = arith.constant 0 : i32
      %dma_wait3A_102 = arith.constant 0 : i32
      %dma_wait3A_103 = tpu.memref_slice %arg11[%dma_wait3A_100, %dma_wait3A_101, %dma_wait3A_102] : memref<2x125x16xf32, #tpu.memory_space<vmem>> -> memref<1x125x16xf32, #tpu.memory_space<vmem>>
      %dma_wait3A_104 = tpu.memref_squeeze %dma_wait3A_103 : memref<1x125x16xf32, #tpu.memory_space<vmem>> -> memref<125x16xf32, #tpu.memory_space<vmem>>
      %dma_wait3A_105 = arith.constant 0 : i32
      %dma_wait3A_106 = tpu.memref_slice %arg9[%dma_wait3A_99, %dma_wait3A_105] : memref<80x125xi32, #tpu.memory_space<vmem>> -> memref<1x125xi32, #tpu.memory_space<vmem>>
      %dma_wait3A_107 = tpu.memref_squeeze %dma_wait3A_106 : memref<1x125xi32, #tpu.memory_space<vmem>> -> memref<125xi32, #tpu.memory_space<vmem>>
      %dma_wait3A_108 = arith.constant 0 : i32
      %dma_wait3A_109 = arith.constant 0 : i32
      %dma_wait3A_110 = tpu.memref_slice %arg5[%dma_wait3A_108, %dma_wait3A_109] : memref<10000x16xf32, #tpu.memory_space<hbm>> -> memref<10000x16xf32, #tpu.memory_space<hbm>>
      tpu.wait_indirect_dma semaphore(%arg14 : memref<!tpu.dma_semaphore, #tpu.memory_space<semaphore_mem>>) src(%dma_wait3A_110 : memref<10000x16xf32, #tpu.memory_space<hbm>>) dst(%dma_wait3A_104 : memref<125x16xf32, #tpu.memory_space<vmem>>)
      %ge3A = arith.constant 2 : i32
      %ge3A_111 = arith.cmpi sge, %mul3A_62, %ge3A : i32
      %convert_element_type3A_112 = arith.extui %ge3A_111 : i1 to i32
      %cond3A_113 = arith.constant 0 : i32
      %cond3A_114 = arith.cmpi ne, %convert_element_type3A_112, %cond3A_113 : i32
      scf.if %cond3A_114 {
        %dma_wait3A_186 = arith.constant 0 : i32
        %dma_wait3A_187 = arith.constant 0 : i32
        %dma_wait3A_188 = arith.constant 0 : i32
        %dma_wait3A_189 = arith.constant 0 : i32
        %dma_wait3A_190 = tpu.memref_slice %arg12[%dma_wait3A_186, %dma_wait3A_188, %dma_wait3A_189] : memref<2x125x32xf32, #tpu.memory_space<vmem>> -> memref<1x125x32xf32, #tpu.memory_space<vmem>>
        %dma_wait3A_191 = tpu.memref_squeeze %dma_wait3A_190 : memref<1x125x32xf32, #tpu.memory_space<vmem>> -> memref<125x32xf32, #tpu.memory_space<vmem>>
        %dma_wait3A_192 = arith.constant 0 : i32
        %dma_wait3A_193 = tpu.memref_slice %arg9[%dma_wait3A_187, %dma_wait3A_192] : memref<80x125xi32, #tpu.memory_space<vmem>> -> memref<1x125xi32, #tpu.memory_space<vmem>>
        %dma_wait3A_194 = tpu.memref_squeeze %dma_wait3A_193 : memref<1x125xi32, #tpu.memory_space<vmem>> -> memref<125xi32, #tpu.memory_space<vmem>>
        %dma_wait3A_195 = arith.constant 0 : i32
        %dma_wait3A_196 = arith.constant 0 : i32
        %dma_wait3A_197 = tpu.memref_slice %arg13[%dma_wait3A_195, %dma_wait3A_196] : memref<10000x32xf32, #tpu.memory_space<vmem_shared>> -> memref<10000x32xf32, #tpu.memory_space<vmem_shared>>
        tpu.wait_indirect_dma semaphore(%arg16 : memref<!tpu.dma_semaphore, #tpu.memory_space<semaphore_mem>>) src(%dma_wait3A_191 : memref<125x32xf32, #tpu.memory_space<vmem>>) dst(%dma_wait3A_197 : memref<10000x32xf32, #tpu.memory_space<vmem_shared>>)
      } else {
      }
      %scan3A_115 = arith.constant 0 : i32
      %scan3A_116 = arith.constant 0 : i32
      %scan3A_117 = arith.constant 25 : i32
      %scan3A_118 = arith.addi %scan3A_116, %scan3A_117 : i32
      %scan3A_119 = arith.constant 1 : i32
      scf.for %scan3A_186 = %scan3A_116 to %scan3A_118 step %scan3A_119  : i32 {
        %mul3A_187 = arith.constant 5 : i32
        %mul3A_188 = arith.muli %scan3A_186, %mul3A_187 : i32
        %add3A_189 = arith.constant 0 : i32
        %add3A_190 = arith.addi %mul3A_188, %add3A_189 : i32
        %get3A = arith.constant 0 : i32
        %get3A_191 = arith.index_cast %get3A : i32 to index
        %get3A_192 = arith.index_cast %add3A_190 : i32 to index
        %get3A_193 = arith.constant 0 : index
        %get3A_194 = tpu.vector_load %arg10[%get3A_191, %get3A_192, %get3A_193] {strides = array<i32>} : memref<2x125x32xf32, #tpu.memory_space<vmem>>, vector<1x1x16xf32>,
        %get3A_195 = vector.shape_cast %get3A_194 : vector<1x1x16xf32> to vector<16xf32>
        %get3A_196 = arith.constant 0 : i32
        %get3A_197 = arith.index_cast %get3A_196 : i32 to index
        %get3A_198 = arith.index_cast %add3A_190 : i32 to index
        %get3A_199 = arith.constant 0 : index
        %get3A_200 = tpu.vector_load %arg11[%get3A_197, %get3A_198, %get3A_199] {strides = array<i32>} : memref<2x125x16xf32, #tpu.memory_space<vmem>>, vector<1x1x16xf32>,
        %get3A_201 = vector.shape_cast %get3A_200 : vector<1x1x16xf32> to vector<16xf32>
        %add3A_202 = arith.addf %get3A_195, %get3A_201 : vector<16xf32>
        %mul3A_203 = arith.constant 2.000000e-01 : f32
        %mul3A_204 = vector.broadcast %mul3A_203 : f32 to vector<16xf32>
        %mul3A_205 = arith.mulf %mul3A_204, %add3A_202 : vector<16xf32>
        %max3A = arith.maximumf %add3A_202, %mul3A_205 : vector<16xf32>
        %exp3A = math.exp %max3A : vector<16xf32>
        %swap3A = arith.constant 0 : i32
        %swap3A_206 = arith.index_cast %swap3A : i32 to index
        %swap3A_207 = arith.index_cast %add3A_190 : i32 to index
        %swap3A_208 = arith.constant 0 : index
        %swap3A_209 = tpu.vector_load %arg12[%swap3A_206, %swap3A_207, %swap3A_208] {strides = array<i32>} : memref<2x125x32xf32, #tpu.memory_space<vmem>>, vector<1x1x16xf32>,
        %swap3A_210 = vector.shape_cast %swap3A_209 : vector<1x1x16xf32> to vector<16xf32>
        %swap3A_211 = vector.shape_cast %exp3A : vector<16xf32> to vector<1x1x16xf32>
        tpu.vector_store %arg12[%swap3A_206, %swap3A_207, %swap3A_208], %swap3A_211 {strides = array<i32>} : memref<2x125x32xf32, #tpu.memory_space<vmem>>, vector<1x1x16xf32>,
        %get3A_212 = arith.constant 0 : i32
        %get3A_213 = arith.index_cast %get3A_212 : i32 to index
        %get3A_214 = arith.index_cast %add3A_190 : i32 to index
        %get3A_215 = arith.constant 16 : index
        %get3A_216 = tpu.vector_load %arg10[%get3A_213, %get3A_214, %get3A_215] {strides = array<i32>} : memref<2x125x32xf32, #tpu.memory_space<vmem>>, vector<1x1x16xf32>,
        %get3A_217 = vector.shape_cast %get3A_216 : vector<1x1x16xf32> to vector<16xf32>
        %mul3A_218 = arith.mulf %exp3A, %get3A_217 : vector<16xf32>
        %swap3A_219 = arith.constant 0 : i32
        %swap3A_220 = arith.index_cast %swap3A_219 : i32 to index
        %swap3A_221 = arith.index_cast %add3A_190 : i32 to index
        %swap3A_222 = arith.constant 16 : index
        %swap3A_223 = tpu.vector_load %arg12[%swap3A_220, %swap3A_221, %swap3A_222] {strides = array<i32>} : memref<2x125x32xf32, #tpu.memory_space<vmem>>, vector<1x1x16xf32>,
        %swap3A_224 = vector.shape_cast %swap3A_223 : vector<1x1x16xf32> to vector<16xf32>
        %swap3A_225 = vector.shape_cast %mul3A_218 : vector<16xf32> to vector<1x1x16xf32>
        tpu.vector_store %arg12[%swap3A_220, %swap3A_221, %swap3A_222], %swap3A_225 {strides = array<i32>} : memref<2x125x32xf32, #tpu.memory_space<vmem>>, vector<1x1x16xf32>,
        %mul3A_226 = arith.constant 5 : i32
        %mul3A_227 = arith.muli %scan3A_186, %mul3A_226 : i32
        %add3A_228 = arith.constant 1 : i32
        %add3A_229 = arith.addi %mul3A_227, %add3A_228 : i32
        %get3A_230 = arith.constant 0 : i32
        %get3A_231 = arith.index_cast %get3A_230 : i32 to index
        %get3A_232 = arith.index_cast %add3A_229 : i32 to index
        %get3A_233 = arith.constant 0 : index
        %get3A_234 = tpu.vector_load %arg10[%get3A_231, %get3A_232, %get3A_233] {strides = array<i32>} : memref<2x125x32xf32, #tpu.memory_space<vmem>>, vector<1x1x16xf32>,
        %get3A_235 = vector.shape_cast %get3A_234 : vector<1x1x16xf32> to vector<16xf32>
        %get3A_236 = arith.constant 0 : i32
        %get3A_237 = arith.index_cast %get3A_236 : i32 to index
        %get3A_238 = arith.index_cast %add3A_229 : i32 to index
        %get3A_239 = arith.constant 0 : index
        %get3A_240 = tpu.vector_load %arg11[%get3A_237, %get3A_238, %get3A_239] {strides = array<i32>} : memref<2x125x16xf32, #tpu.memory_space<vmem>>, vector<1x1x16xf32>,
        %get3A_241 = vector.shape_cast %get3A_240 : vector<1x1x16xf32> to vector<16xf32>
        %add3A_242 = arith.addf %get3A_235, %get3A_241 : vector<16xf32>
        %mul3A_243 = arith.constant 2.000000e-01 : f32
        %mul3A_244 = vector.broadcast %mul3A_243 : f32 to vector<16xf32>
        %mul3A_245 = arith.mulf %mul3A_244, %add3A_242 : vector<16xf32>
        %max3A_246 = arith.maximumf %add3A_242, %mul3A_245 : vector<16xf32>
        %exp3A_247 = math.exp %max3A_246 : vector<16xf32>
        %swap3A_248 = arith.constant 0 : i32
        %swap3A_249 = arith.index_cast %swap3A_248 : i32 to index
        %swap3A_250 = arith.index_cast %add3A_229 : i32 to index
        %swap3A_251 = arith.constant 0 : index
        %swap3A_252 = tpu.vector_load %arg12[%swap3A_249, %swap3A_250, %swap3A_251] {strides = array<i32>} : memref<2x125x32xf32, #tpu.memory_space<vmem>>, vector<1x1x16xf32>,
        %swap3A_253 = vector.shape_cast %swap3A_252 : vector<1x1x16xf32> to vector<16xf32>
        %swap3A_254 = vector.shape_cast %exp3A_247 : vector<16xf32> to vector<1x1x16xf32>
        tpu.vector_store %arg12[%swap3A_249, %swap3A_250, %swap3A_251], %swap3A_254 {strides = array<i32>} : memref<2x125x32xf32, #tpu.memory_space<vmem>>, vector<1x1x16xf32>,
        %get3A_255 = arith.constant 0 : i32
        %get3A_256 = arith.index_cast %get3A_255 : i32 to index
        %get3A_257 = arith.index_cast %add3A_229 : i32 to index
        %get3A_258 = arith.constant 16 : index
        %get3A_259 = tpu.vector_load %arg10[%get3A_256, %get3A_257, %get3A_258] {strides = array<i32>} : memref<2x125x32xf32, #tpu.memory_space<vmem>>, vector<1x1x16xf32>,
        %get3A_260 = vector.shape_cast %get3A_259 : vector<1x1x16xf32> to vector<16xf32>
        %mul3A_261 = arith.mulf %exp3A_247, %get3A_260 : vector<16xf32>
        %swap3A_262 = arith.constant 0 : i32
        %swap3A_263 = arith.index_cast %swap3A_262 : i32 to index
        %swap3A_264 = arith.index_cast %add3A_229 : i32 to index
        %swap3A_265 = arith.constant 16 : index
        %swap3A_266 = tpu.vector_load %arg12[%swap3A_263, %swap3A_264, %swap3A_265] {strides = array<i32>} : memref<2x125x32xf32, #tpu.memory_space<vmem>>, vector<1x1x16xf32>,
        %swap3A_267 = vector.shape_cast %swap3A_266 : vector<1x1x16xf32> to vector<16xf32>
        %swap3A_268 = vector.shape_cast %mul3A_261 : vector<16xf32> to vector<1x1x16xf32>
        tpu.vector_store %arg12[%swap3A_263, %swap3A_264, %swap3A_265], %swap3A_268 {strides = array<i32>} : memref<2x125x32xf32, #tpu.memory_space<vmem>>, vector<1x1x16xf32>,
        %mul3A_269 = arith.constant 5 : i32
        %mul3A_270 = arith.muli %scan3A_186, %mul3A_269 : i32
        %add3A_271 = arith.constant 2 : i32
        %add3A_272 = arith.addi %mul3A_270, %add3A_271 : i32
        %get3A_273 = arith.constant 0 : i32
        %get3A_274 = arith.index_cast %get3A_273 : i32 to index
        %get3A_275 = arith.index_cast %add3A_272 : i32 to index
        %get3A_276 = arith.constant 0 : index
        %get3A_277 = tpu.vector_load %arg10[%get3A_274, %get3A_275, %get3A_276] {strides = array<i32>} : memref<2x125x32xf32, #tpu.memory_space<vmem>>, vector<1x1x16xf32>,
        %get3A_278 = vector.shape_cast %get3A_277 : vector<1x1x16xf32> to vector<16xf32>
        %get3A_279 = arith.constant 0 : i32
        %get3A_280 = arith.index_cast %get3A_279 : i32 to index
        %get3A_281 = arith.index_cast %add3A_272 : i32 to index
        %get3A_282 = arith.constant 0 : index
        %get3A_283 = tpu.vector_load %arg11[%get3A_280, %get3A_281, %get3A_282] {strides = array<i32>} : memref<2x125x16xf32, #tpu.memory_space<vmem>>, vector<1x1x16xf32>,
        %get3A_284 = vector.shape_cast %get3A_283 : vector<1x1x16xf32> to vector<16xf32>
        %add3A_285 = arith.addf %get3A_278, %get3A_284 : vector<16xf32>
        %mul3A_286 = arith.constant 2.000000e-01 : f32
        %mul3A_287 = vector.broadcast %mul3A_286 : f32 to vector<16xf32>
        %mul3A_288 = arith.mulf %mul3A_287, %add3A_285 : vector<16xf32>
        %max3A_289 = arith.maximumf %add3A_285, %mul3A_288 : vector<16xf32>
        %exp3A_290 = math.exp %max3A_289 : vector<16xf32>
        %swap3A_291 = arith.constant 0 : i32
        %swap3A_292 = arith.index_cast %swap3A_291 : i32 to index
        %swap3A_293 = arith.index_cast %add3A_272 : i32 to index
        %swap3A_294 = arith.constant 0 : index
        %swap3A_295 = tpu.vector_load %arg12[%swap3A_292, %swap3A_293, %swap3A_294] {strides = array<i32>} : memref<2x125x32xf32, #tpu.memory_space<vmem>>, vector<1x1x16xf32>,
        %swap3A_296 = vector.shape_cast %swap3A_295 : vector<1x1x16xf32> to vector<16xf32>
        %swap3A_297 = vector.shape_cast %exp3A_290 : vector<16xf32> to vector<1x1x16xf32>
        tpu.vector_store %arg12[%swap3A_292, %swap3A_293, %swap3A_294], %swap3A_297 {strides = array<i32>} : memref<2x125x32xf32, #tpu.memory_space<vmem>>, vector<1x1x16xf32>,
        %get3A_298 = arith.constant 0 : i32
        %get3A_299 = arith.index_cast %get3A_298 : i32 to index
        %get3A_300 = arith.index_cast %add3A_272 : i32 to index
        %get3A_301 = arith.constant 16 : index
        %get3A_302 = tpu.vector_load %arg10[%get3A_299, %get3A_300, %get3A_301] {strides = array<i32>} : memref<2x125x32xf32, #tpu.memory_space<vmem>>, vector<1x1x16xf32>,
        %get3A_303 = vector.shape_cast %get3A_302 : vector<1x1x16xf32> to vector<16xf32>
        %mul3A_304 = arith.mulf %exp3A_290, %get3A_303 : vector<16xf32>
        %swap3A_305 = arith.constant 0 : i32
        %swap3A_306 = arith.index_cast %swap3A_305 : i32 to index
        %swap3A_307 = arith.index_cast %add3A_272 : i32 to index
        %swap3A_308 = arith.constant 16 : index
        %swap3A_309 = tpu.vector_load %arg12[%swap3A_306, %swap3A_307, %swap3A_308] {strides = array<i32>} : memref<2x125x32xf32, #tpu.memory_space<vmem>>, vector<1x1x16xf32>,
        %swap3A_310 = vector.shape_cast %swap3A_309 : vector<1x1x16xf32> to vector<16xf32>
        %swap3A_311 = vector.shape_cast %mul3A_304 : vector<16xf32> to vector<1x1x16xf32>
        tpu.vector_store %arg12[%swap3A_306, %swap3A_307, %swap3A_308], %swap3A_311 {strides = array<i32>} : memref<2x125x32xf32, #tpu.memory_space<vmem>>, vector<1x1x16xf32>,
        %mul3A_312 = arith.constant 5 : i32
        %mul3A_313 = arith.muli %scan3A_186, %mul3A_312 : i32
        %add3A_314 = arith.constant 3 : i32
        %add3A_315 = arith.addi %mul3A_313, %add3A_314 : i32
        %get3A_316 = arith.constant 0 : i32
        %get3A_317 = arith.index_cast %get3A_316 : i32 to index
        %get3A_318 = arith.index_cast %add3A_315 : i32 to index
        %get3A_319 = arith.constant 0 : index
        %get3A_320 = tpu.vector_load %arg10[%get3A_317, %get3A_318, %get3A_319] {strides = array<i32>} : memref<2x125x32xf32, #tpu.memory_space<vmem>>, vector<1x1x16xf32>,
        %get3A_321 = vector.shape_cast %get3A_320 : vector<1x1x16xf32> to vector<16xf32>
        %get3A_322 = arith.constant 0 : i32
        %get3A_323 = arith.index_cast %get3A_322 : i32 to index
        %get3A_324 = arith.index_cast %add3A_315 : i32 to index
        %get3A_325 = arith.constant 0 : index
        %get3A_326 = tpu.vector_load %arg11[%get3A_323, %get3A_324, %get3A_325] {strides = array<i32>} : memref<2x125x16xf32, #tpu.memory_space<vmem>>, vector<1x1x16xf32>,
        %get3A_327 = vector.shape_cast %get3A_326 : vector<1x1x16xf32> to vector<16xf32>
        %add3A_328 = arith.addf %get3A_321, %get3A_327 : vector<16xf32>
        %mul3A_329 = arith.constant 2.000000e-01 : f32
        %mul3A_330 = vector.broadcast %mul3A_329 : f32 to vector<16xf32>
        %mul3A_331 = arith.mulf %mul3A_330, %add3A_328 : vector<16xf32>
        %max3A_332 = arith.maximumf %add3A_328, %mul3A_331 : vector<16xf32>
        %exp3A_333 = math.exp %max3A_332 : vector<16xf32>
        %swap3A_334 = arith.constant 0 : i32
        %swap3A_335 = arith.index_cast %swap3A_334 : i32 to index
        %swap3A_336 = arith.index_cast %add3A_315 : i32 to index
        %swap3A_337 = arith.constant 0 : index
        %swap3A_338 = tpu.vector_load %arg12[%swap3A_335, %swap3A_336, %swap3A_337] {strides = array<i32>} : memref<2x125x32xf32, #tpu.memory_space<vmem>>, vector<1x1x16xf32>,
        %swap3A_339 = vector.shape_cast %swap3A_338 : vector<1x1x16xf32> to vector<16xf32>
        %swap3A_340 = vector.shape_cast %exp3A_333 : vector<16xf32> to vector<1x1x16xf32>
        tpu.vector_store %arg12[%swap3A_335, %swap3A_336, %swap3A_337], %swap3A_340 {strides = array<i32>} : memref<2x125x32xf32, #tpu.memory_space<vmem>>, vector<1x1x16xf32>,
        %get3A_341 = arith.constant 0 : i32
        %get3A_342 = arith.index_cast %get3A_341 : i32 to index
        %get3A_343 = arith.index_cast %add3A_315 : i32 to index
        %get3A_344 = arith.constant 16 : index
        %get3A_345 = tpu.vector_load %arg10[%get3A_342, %get3A_343, %get3A_344] {strides = array<i32>} : memref<2x125x32xf32, #tpu.memory_space<vmem>>, vector<1x1x16xf32>,
        %get3A_346 = vector.shape_cast %get3A_345 : vector<1x1x16xf32> to vector<16xf32>
        %mul3A_347 = arith.mulf %exp3A_333, %get3A_346 : vector<16xf32>
        %swap3A_348 = arith.constant 0 : i32
        %swap3A_349 = arith.index_cast %swap3A_348 : i32 to index
        %swap3A_350 = arith.index_cast %add3A_315 : i32 to index
        %swap3A_351 = arith.constant 16 : index
        %swap3A_352 = tpu.vector_load %arg12[%swap3A_349, %swap3A_350, %swap3A_351] {strides = array<i32>} : memref<2x125x32xf32, #tpu.memory_space<vmem>>, vector<1x1x16xf32>,
        %swap3A_353 = vector.shape_cast %swap3A_352 : vector<1x1x16xf32> to vector<16xf32>
        %swap3A_354 = vector.shape_cast %mul3A_347 : vector<16xf32> to vector<1x1x16xf32>
        tpu.vector_store %arg12[%swap3A_349, %swap3A_350, %swap3A_351], %swap3A_354 {strides = array<i32>} : memref<2x125x32xf32, #tpu.memory_space<vmem>>, vector<1x1x16xf32>,
        %mul3A_355 = arith.constant 5 : i32
        %mul3A_356 = arith.muli %scan3A_186, %mul3A_355 : i32
        %add3A_357 = arith.constant 4 : i32
        %add3A_358 = arith.addi %mul3A_356, %add3A_357 : i32
        %get3A_359 = arith.constant 0 : i32
        %get3A_360 = arith.index_cast %get3A_359 : i32 to index
        %get3A_361 = arith.index_cast %add3A_358 : i32 to index
        %get3A_362 = arith.constant 0 : index
        %get3A_363 = tpu.vector_load %arg10[%get3A_360, %get3A_361, %get3A_362] {strides = array<i32>} : memref<2x125x32xf32, #tpu.memory_space<vmem>>, vector<1x1x16xf32>,
        %get3A_364 = vector.shape_cast %get3A_363 : vector<1x1x16xf32> to vector<16xf32>
        %get3A_365 = arith.constant 0 : i32
        %get3A_366 = arith.index_cast %get3A_365 : i32 to index
        %get3A_367 = arith.index_cast %add3A_358 : i32 to index
        %get3A_368 = arith.constant 0 : index
        %get3A_369 = tpu.vector_load %arg11[%get3A_366, %get3A_367, %get3A_368] {strides = array<i32>} : memref<2x125x16xf32, #tpu.memory_space<vmem>>, vector<1x1x16xf32>,
        %get3A_370 = vector.shape_cast %get3A_369 : vector<1x1x16xf32> to vector<16xf32>
        %add3A_371 = arith.addf %get3A_364, %get3A_370 : vector<16xf32>
        %mul3A_372 = arith.constant 2.000000e-01 : f32
        %mul3A_373 = vector.broadcast %mul3A_372 : f32 to vector<16xf32>
        %mul3A_374 = arith.mulf %mul3A_373, %add3A_371 : vector<16xf32>
        %max3A_375 = arith.maximumf %add3A_371, %mul3A_374 : vector<16xf32>
        %exp3A_376 = math.exp %max3A_375 : vector<16xf32>
        %swap3A_377 = arith.constant 0 : i32
        %swap3A_378 = arith.index_cast %swap3A_377 : i32 to index
        %swap3A_379 = arith.index_cast %add3A_358 : i32 to index
        %swap3A_380 = arith.constant 0 : index
        %swap3A_381 = tpu.vector_load %arg12[%swap3A_378, %swap3A_379, %swap3A_380] {strides = array<i32>} : memref<2x125x32xf32, #tpu.memory_space<vmem>>, vector<1x1x16xf32>,
        %swap3A_382 = vector.shape_cast %swap3A_381 : vector<1x1x16xf32> to vector<16xf32>
        %swap3A_383 = vector.shape_cast %exp3A_376 : vector<16xf32> to vector<1x1x16xf32>
        tpu.vector_store %arg12[%swap3A_378, %swap3A_379, %swap3A_380], %swap3A_383 {strides = array<i32>} : memref<2x125x32xf32, #tpu.memory_space<vmem>>, vector<1x1x16xf32>,
        %get3A_384 = arith.constant 0 : i32
        %get3A_385 = arith.index_cast %get3A_384 : i32 to index
        %get3A_386 = arith.index_cast %add3A_358 : i32 to index
        %get3A_387 = arith.constant 16 : index
        %get3A_388 = tpu.vector_load %arg10[%get3A_385, %get3A_386, %get3A_387] {strides = array<i32>} : memref<2x125x32xf32, #tpu.memory_space<vmem>>, vector<1x1x16xf32>,
        %get3A_389 = vector.shape_cast %get3A_388 : vector<1x1x16xf32> to vector<16xf32>
        %mul3A_390 = arith.mulf %exp3A_376, %get3A_389 : vector<16xf32>
        %swap3A_391 = arith.constant 0 : i32
        %swap3A_392 = arith.index_cast %swap3A_391 : i32 to index
        %swap3A_393 = arith.index_cast %add3A_358 : i32 to index
        %swap3A_394 = arith.constant 16 : index
        %swap3A_395 = tpu.vector_load %arg12[%swap3A_392, %swap3A_393, %swap3A_394] {strides = array<i32>} : memref<2x125x32xf32, #tpu.memory_space<vmem>>, vector<1x1x16xf32>,
        %swap3A_396 = vector.shape_cast %swap3A_395 : vector<1x1x16xf32> to vector<16xf32>
        %swap3A_397 = vector.shape_cast %mul3A_390 : vector<16xf32> to vector<1x1x16xf32>
        tpu.vector_store %arg12[%swap3A_392, %swap3A_393, %swap3A_394], %swap3A_397 {strides = array<i32>} : memref<2x125x32xf32, #tpu.memory_space<vmem>>, vector<1x1x16xf32>,
      }
      %scan3A_120 = arith.constant 25 : i32
      %dma_start3A_121 = arith.constant 0 : i32
      %dma_start3A_122 = arith.constant 0 : i32
      %dma_start3A_123 = arith.constant 0 : i32
      %dma_start3A_124 = tpu.memref_slice %arg12[%dma_start3A_121, %dma_start3A_122, %dma_start3A_123] : memref<2x125x32xf32, #tpu.memory_space<vmem>> -> memref<1x125x32xf32, #tpu.memory_space<vmem>>
      %dma_start3A_125 = tpu.memref_squeeze %dma_start3A_124 : memref<1x125x32xf32, #tpu.memory_space<vmem>> -> memref<125x32xf32, #tpu.memory_space<vmem>>
      %dma_start3A_126 = arith.constant 0 : i32
      %dma_start3A_127 = tpu.memref_slice %arg9[%mul3A_62, %dma_start3A_126] : memref<80x125xi32, #tpu.memory_space<vmem>> -> memref<1x125xi32, #tpu.memory_space<vmem>>
      %dma_start3A_128 = tpu.memref_squeeze %dma_start3A_127 : memref<1x125xi32, #tpu.memory_space<vmem>> -> memref<125xi32, #tpu.memory_space<vmem>>
      %dma_start3A_129 = arith.constant 0 : i32
      %dma_start3A_130 = arith.constant 0 : i32
      %dma_start3A_131 = tpu.memref_slice %arg13[%dma_start3A_129, %dma_start3A_130] : memref<10000x32xf32, #tpu.memory_space<vmem_shared>> -> memref<10000x32xf32, #tpu.memory_space<vmem_shared>>
      tpu.enqueue_indirect_dma source(%dma_start3A_125 : memref<125x32xf32, #tpu.memory_space<vmem>>) target(%dma_start3A_131 : memref<10000x32xf32, #tpu.memory_space<vmem_shared>>) offsets(%dma_start3A_128 : memref<125xi32, #tpu.memory_space<vmem>>) semaphore(%arg16 : memref<!tpu.dma_semaphore, #tpu.memory_space<semaphore_mem>>) {add = true}
      %add3A_132 = arith.constant 2 : i32
      %add3A_133 = arith.addi %mul3A_62, %add3A_132 : i32
      %lt3A = arith.constant 80 : i32
      %lt3A_134 = arith.cmpi slt, %add3A_133, %lt3A : i32
      %convert_element_type3A_135 = arith.extui %lt3A_134 : i1 to i32
      %cond3A_136 = arith.constant 0 : i32
      %cond3A_137 = arith.cmpi ne, %convert_element_type3A_135, %cond3A_136 : i32
      scf.if %cond3A_137 {
        %add3A_186 = arith.constant 2 : i32
        %add3A_187 = arith.addi %mul3A_62, %add3A_186 : i32
        %dma_start3A_188 = arith.constant 0 : i32
        %dma_start3A_189 = arith.constant 0 : i32
        %dma_start3A_190 = arith.constant 0 : i32
        %dma_start3A_191 = tpu.memref_slice %arg10[%dma_start3A_188, %dma_start3A_189, %dma_start3A_190] : memref<2x125x32xf32, #tpu.memory_space<vmem>> -> memref<1x125x32xf32, #tpu.memory_space<vmem>>
        %dma_start3A_192 = tpu.memref_squeeze %dma_start3A_191 : memref<1x125x32xf32, #tpu.memory_space<vmem>> -> memref<125x32xf32, #tpu.memory_space<vmem>>
        %dma_start3A_193 = arith.constant 0 : i32
        %dma_start3A_194 = tpu.memref_slice %arg8[%add3A_187, %dma_start3A_193] : memref<80x125xi32, #tpu.memory_space<vmem>> -> memref<1x125xi32, #tpu.memory_space<vmem>>
        %dma_start3A_195 = tpu.memref_squeeze %dma_start3A_194 : memref<1x125xi32, #tpu.memory_space<vmem>> -> memref<125xi32, #tpu.memory_space<vmem>>
        %dma_start3A_196 = arith.constant 0 : i32
        %dma_start3A_197 = arith.constant 0 : i32
        %dma_start3A_198 = tpu.memref_slice %arg4[%dma_start3A_196, %dma_start3A_197] : memref<10000x32xf32, #tpu.memory_space<hbm>> -> memref<10000x32xf32, #tpu.memory_space<hbm>>
        tpu.enqueue_indirect_dma source(%dma_start3A_198 : memref<10000x32xf32, #tpu.memory_space<hbm>>) target(%dma_start3A_192 : memref<125x32xf32, #tpu.memory_space<vmem>>) offsets(%dma_start3A_195 : memref<125xi32, #tpu.memory_space<vmem>>) semaphore(%arg14 : memref<!tpu.dma_semaphore, #tpu.memory_space<semaphore_mem>>)
        %dma_start3A_199 = arith.constant 0 : i32
        %dma_start3A_200 = arith.constant 0 : i32
        %dma_start3A_201 = arith.constant 0 : i32
        %dma_start3A_202 = tpu.memref_slice %arg11[%dma_start3A_199, %dma_start3A_200, %dma_start3A_201] : memref<2x125x16xf32, #tpu.memory_space<vmem>> -> memref<1x125x16xf32, #tpu.memory_space<vmem>>
        %dma_start3A_203 = tpu.memref_squeeze %dma_start3A_202 : memref<1x125x16xf32, #tpu.memory_space<vmem>> -> memref<125x16xf32, #tpu.memory_space<vmem>>
        %dma_start3A_204 = arith.constant 0 : i32
        %dma_start3A_205 = tpu.memref_slice %arg9[%add3A_187, %dma_start3A_204] : memref<80x125xi32, #tpu.memory_space<vmem>> -> memref<1x125xi32, #tpu.memory_space<vmem>>
        %dma_start3A_206 = tpu.memref_squeeze %dma_start3A_205 : memref<1x125xi32, #tpu.memory_space<vmem>> -> memref<125xi32, #tpu.memory_space<vmem>>
        %dma_start3A_207 = arith.constant 0 : i32
        %dma_start3A_208 = arith.constant 0 : i32
        %dma_start3A_209 = tpu.memref_slice %arg5[%dma_start3A_207, %dma_start3A_208] : memref<10000x16xf32, #tpu.memory_space<hbm>> -> memref<10000x16xf32, #tpu.memory_space<hbm>>
        tpu.enqueue_indirect_dma source(%dma_start3A_209 : memref<10000x16xf32, #tpu.memory_space<hbm>>) target(%dma_start3A_203 : memref<125x16xf32, #tpu.memory_space<vmem>>) offsets(%dma_start3A_206 : memref<125xi32, #tpu.memory_space<vmem>>) semaphore(%arg14 : memref<!tpu.dma_semaphore, #tpu.memory_space<semaphore_mem>>)
      } else {
      }
      %dma_wait3A_138 = arith.constant 0 : i32
      %dma_wait3A_139 = arith.constant 1 : i32
      %dma_wait3A_140 = arith.constant 0 : i32
      %dma_wait3A_141 = arith.constant 0 : i32
      %dma_wait3A_142 = tpu.memref_slice %arg10[%dma_wait3A_139, %dma_wait3A_140, %dma_wait3A_141] : memref<2x125x32xf32, #tpu.memory_space<vmem>> -> memref<1x125x32xf32, #tpu.memory_space<vmem>>
      %dma_wait3A_143 = tpu.memref_squeeze %dma_wait3A_142 : memref<1x125x32xf32, #tpu.memory_space<vmem>> -> memref<125x32xf32, #tpu.memory_space<vmem>>
      %dma_wait3A_144 = arith.constant 0 : i32
      %dma_wait3A_145 = tpu.memref_slice %arg8[%dma_wait3A_138, %dma_wait3A_144] : memref<80x125xi32, #tpu.memory_space<vmem>> -> memref<1x125xi32, #tpu.memory_space<vmem>>
      %dma_wait3A_146 = tpu.memref_squeeze %dma_wait3A_145 : memref<1x125xi32, #tpu.memory_space<vmem>> -> memref<125xi32, #tpu.memory_space<vmem>>
      %dma_wait3A_147 = arith.constant 0 : i32
      %dma_wait3A_148 = arith.constant 0 : i32
      %dma_wait3A_149 = tpu.memref_slice %arg4[%dma_wait3A_147, %dma_wait3A_148] : memref<10000x32xf32, #tpu.memory_space<hbm>> -> memref<10000x32xf32, #tpu.memory_space<hbm>>
      tpu.wait_indirect_dma semaphore(%arg15 : memref<!tpu.dma_semaphore, #tpu.memory_space<semaphore_mem>>) src(%dma_wait3A_149 : memref<10000x32xf32, #tpu.memory_space<hbm>>) dst(%dma_wait3A_143 : memref<125x32xf32, #tpu.memory_space<vmem>>)
      %dma_wait3A_150 = arith.constant 0 : i32
      %dma_wait3A_151 = arith.constant 1 : i32
      %dma_wait3A_152 = arith.constant 0 : i32
      %dma_wait3A_153 = arith.constant 0 : i32
      %dma_wait3A_154 = tpu.memref_slice %arg11[%dma_wait3A_151, %dma_wait3A_152, %dma_wait3A_153] : memref<2x125x16xf32, #tpu.memory_space<vmem>> -> memref<1x125x16xf32, #tpu.memory_space<vmem>>
      %dma_wait3A_155 = tpu.memref_squeeze %dma_wait3A_154 : memref<1x125x16xf32, #tpu.memory_space<vmem>> -> memref<125x16xf32, #tpu.memory_space<vmem>>
      %dma_wait3A_156 = arith.constant 0 : i32
      %dma_wait3A_157 = tpu.memref_slice %arg9[%dma_wait3A_150, %dma_wait3A_156] : memref<80x125xi32, #tpu.memory_space<vmem>> -> memref<1x125xi32, #tpu.memory_space<vmem>>
      %dma_wait3A_158 = tpu.memref_squeeze %dma_wait3A_157 : memref<1x125xi32, #tpu.memory_space<vmem>> -> memref<125xi32, #tpu.memory_space<vmem>>
      %dma_wait3A_159 = arith.constant 0 : i32
      %dma_wait3A_160 = arith.constant 0 : i32
      %dma_wait3A_161 = tpu.memref_slice %arg5[%dma_wait3A_159, %dma_wait3A_160] : memref<10000x16xf32, #tpu.memory_space<hbm>> -> memref<10000x16xf32, #tpu.memory_space<hbm>>
      tpu.wait_indirect_dma semaphore(%arg15 : memref<!tpu.dma_semaphore, #tpu.memory_space<semaphore_mem>>) src(%dma_wait3A_161 : memref<10000x16xf32, #tpu.memory_space<hbm>>) dst(%dma_wait3A_155 : memref<125x16xf32, #tpu.memory_space<vmem>>)
      %add3A_162 = arith.constant 1 : i32
      %add3A_163 = arith.addi %mul3A_62, %add3A_162 : i32
      %ge3A_164 = arith.constant 2 : i32
      %ge3A_165 = arith.cmpi sge, %add3A_163, %ge3A_164 : i32
      %convert_element_type3A_166 = arith.extui %ge3A_165 : i1 to i32
      %cond3A_167 = arith.constant 0 : i32
      %cond3A_168 = arith.cmpi ne, %convert_element_type3A_166, %cond3A_167 : i32
      scf.if %cond3A_168 {
        %dma_wait3A_186 = arith.constant 1 : i32
        %dma_wait3A_187 = arith.constant 0 : i32
        %dma_wait3A_188 = arith.constant 0 : i32
        %dma_wait3A_189 = arith.constant 0 : i32
        %dma_wait3A_190 = tpu.memref_slice %arg12[%dma_wait3A_186, %dma_wait3A_188, %dma_wait3A_189] : memref<2x125x32xf32, #tpu.memory_space<vmem>> -> memref<1x125x32xf32, #tpu.memory_space<vmem>>
        %dma_wait3A_191 = tpu.memref_squeeze %dma_wait3A_190 : memref<1x125x32xf32, #tpu.memory_space<vmem>> -> memref<125x32xf32, #tpu.memory_space<vmem>>
        %dma_wait3A_192 = arith.constant 0 : i32
        %dma_wait3A_193 = tpu.memref_slice %arg9[%dma_wait3A_187, %dma_wait3A_192] : memref<80x125xi32, #tpu.memory_space<vmem>> -> memref<1x125xi32, #tpu.memory_space<vmem>>
        %dma_wait3A_194 = tpu.memref_squeeze %dma_wait3A_193 : memref<1x125xi32, #tpu.memory_space<vmem>> -> memref<125xi32, #tpu.memory_space<vmem>>
        %dma_wait3A_195 = arith.constant 0 : i32
        %dma_wait3A_196 = arith.constant 0 : i32
        %dma_wait3A_197 = tpu.memref_slice %arg13[%dma_wait3A_195, %dma_wait3A_196] : memref<10000x32xf32, #tpu.memory_space<vmem_shared>> -> memref<10000x32xf32, #tpu.memory_space<vmem_shared>>
        tpu.wait_indirect_dma semaphore(%arg17 : memref<!tpu.dma_semaphore, #tpu.memory_space<semaphore_mem>>) src(%dma_wait3A_191 : memref<125x32xf32, #tpu.memory_space<vmem>>) dst(%dma_wait3A_197 : memref<10000x32xf32, #tpu.memory_space<vmem_shared>>)
      } else {
      }
      %scan3A_169 = arith.constant 0 : i32
      %scan3A_170 = arith.constant 0 : i32
      %scan3A_171 = arith.constant 25 : i32
      %scan3A_172 = arith.addi %scan3A_170, %scan3A_171 : i32
      %scan3A_173 = arith.constant 1 : i32
      scf.for %scan3A_186 = %scan3A_170 to %scan3A_172 step %scan3A_173  : i32 {
        %mul3A_187 = arith.constant 5 : i32
        %mul3A_188 = arith.muli %scan3A_186, %mul3A_187 : i32
        %add3A_189 = arith.constant 0 : i32
        %add3A_190 = arith.addi %mul3A_188, %add3A_189 : i32
        %get3A = arith.constant 1 : i32
        %get3A_191 = arith.index_cast %get3A : i32 to index
        %get3A_192 = arith.index_cast %add3A_190 : i32 to index
        %get3A_193 = arith.constant 0 : index
        %get3A_194 = tpu.vector_load %arg10[%get3A_191, %get3A_192, %get3A_193] {strides = array<i32>} : memref<2x125x32xf32, #tpu.memory_space<vmem>>, vector<1x1x16xf32>,
        %get3A_195 = vector.shape_cast %get3A_194 : vector<1x1x16xf32> to vector<16xf32>
        %get3A_196 = arith.constant 1 : i32
        %get3A_197 = arith.index_cast %get3A_196 : i32 to index
        %get3A_198 = arith.index_cast %add3A_190 : i32 to index
        %get3A_199 = arith.constant 0 : index
        %get3A_200 = tpu.vector_load %arg11[%get3A_197, %get3A_198, %get3A_199] {strides = array<i32>} : memref<2x125x16xf32, #tpu.memory_space<vmem>>, vector<1x1x16xf32>,
        %get3A_201 = vector.shape_cast %get3A_200 : vector<1x1x16xf32> to vector<16xf32>
        %add3A_202 = arith.addf %get3A_195, %get3A_201 : vector<16xf32>
        %mul3A_203 = arith.constant 2.000000e-01 : f32
        %mul3A_204 = vector.broadcast %mul3A_203 : f32 to vector<16xf32>
        %mul3A_205 = arith.mulf %mul3A_204, %add3A_202 : vector<16xf32>
        %max3A = arith.maximumf %add3A_202, %mul3A_205 : vector<16xf32>
        %exp3A = math.exp %max3A : vector<16xf32>
        %swap3A = arith.constant 1 : i32
        %swap3A_206 = arith.index_cast %swap3A : i32 to index
        %swap3A_207 = arith.index_cast %add3A_190 : i32 to index
        %swap3A_208 = arith.constant 0 : index
        %swap3A_209 = tpu.vector_load %arg12[%swap3A_206, %swap3A_207, %swap3A_208] {strides = array<i32>} : memref<2x125x32xf32, #tpu.memory_space<vmem>>, vector<1x1x16xf32>,
        %swap3A_210 = vector.shape_cast %swap3A_209 : vector<1x1x16xf32> to vector<16xf32>
        %swap3A_211 = vector.shape_cast %exp3A : vector<16xf32> to vector<1x1x16xf32>
        tpu.vector_store %arg12[%swap3A_206, %swap3A_207, %swap3A_208], %swap3A_211 {strides = array<i32>} : memref<2x125x32xf32, #tpu.memory_space<vmem>>, vector<1x1x16xf32>,
        %get3A_212 = arith.constant 1 : i32
        %get3A_213 = arith.index_cast %get3A_212 : i32 to index
        %get3A_214 = arith.index_cast %add3A_190 : i32 to index
        %get3A_215 = arith.constant 16 : index
        %get3A_216 = tpu.vector_load %arg10[%get3A_213, %get3A_214, %get3A_215] {strides = array<i32>} : memref<2x125x32xf32, #tpu.memory_space<vmem>>, vector<1x1x16xf32>,
        %get3A_217 = vector.shape_cast %get3A_216 : vector<1x1x16xf32> to vector<16xf32>
        %mul3A_218 = arith.mulf %exp3A, %get3A_217 : vector<16xf32>
        %swap3A_219 = arith.constant 1 : i32
        %swap3A_220 = arith.index_cast %swap3A_219 : i32 to index
        %swap3A_221 = arith.index_cast %add3A_190 : i32 to index
        %swap3A_222 = arith.constant 16 : index
        %swap3A_223 = tpu.vector_load %arg12[%swap3A_220, %swap3A_221, %swap3A_222] {strides = array<i32>} : memref<2x125x32xf32, #tpu.memory_space<vmem>>, vector<1x1x16xf32>,
        %swap3A_224 = vector.shape_cast %swap3A_223 : vector<1x1x16xf32> to vector<16xf32>
        %swap3A_225 = vector.shape_cast %mul3A_218 : vector<16xf32> to vector<1x1x16xf32>
        tpu.vector_store %arg12[%swap3A_220, %swap3A_221, %swap3A_222], %swap3A_225 {strides = array<i32>} : memref<2x125x32xf32, #tpu.memory_space<vmem>>, vector<1x1x16xf32>,
        %mul3A_226 = arith.constant 5 : i32
        %mul3A_227 = arith.muli %scan3A_186, %mul3A_226 : i32
        %add3A_228 = arith.constant 1 : i32
        %add3A_229 = arith.addi %mul3A_227, %add3A_228 : i32
        %get3A_230 = arith.constant 1 : i32
        %get3A_231 = arith.index_cast %get3A_230 : i32 to index
        %get3A_232 = arith.index_cast %add3A_229 : i32 to index
        %get3A_233 = arith.constant 0 : index
        %get3A_234 = tpu.vector_load %arg10[%get3A_231, %get3A_232, %get3A_233] {strides = array<i32>} : memref<2x125x32xf32, #tpu.memory_space<vmem>>, vector<1x1x16xf32>,
        %get3A_235 = vector.shape_cast %get3A_234 : vector<1x1x16xf32> to vector<16xf32>
        %get3A_236 = arith.constant 1 : i32
        %get3A_237 = arith.index_cast %get3A_236 : i32 to index
        %get3A_238 = arith.index_cast %add3A_229 : i32 to index
        %get3A_239 = arith.constant 0 : index
        %get3A_240 = tpu.vector_load %arg11[%get3A_237, %get3A_238, %get3A_239] {strides = array<i32>} : memref<2x125x16xf32, #tpu.memory_space<vmem>>, vector<1x1x16xf32>,
        %get3A_241 = vector.shape_cast %get3A_240 : vector<1x1x16xf32> to vector<16xf32>
        %add3A_242 = arith.addf %get3A_235, %get3A_241 : vector<16xf32>
        %mul3A_243 = arith.constant 2.000000e-01 : f32
        %mul3A_244 = vector.broadcast %mul3A_243 : f32 to vector<16xf32>
        %mul3A_245 = arith.mulf %mul3A_244, %add3A_242 : vector<16xf32>
        %max3A_246 = arith.maximumf %add3A_242, %mul3A_245 : vector<16xf32>
        %exp3A_247 = math.exp %max3A_246 : vector<16xf32>
        %swap3A_248 = arith.constant 1 : i32
        %swap3A_249 = arith.index_cast %swap3A_248 : i32 to index
        %swap3A_250 = arith.index_cast %add3A_229 : i32 to index
        %swap3A_251 = arith.constant 0 : index
        %swap3A_252 = tpu.vector_load %arg12[%swap3A_249, %swap3A_250, %swap3A_251] {strides = array<i32>} : memref<2x125x32xf32, #tpu.memory_space<vmem>>, vector<1x1x16xf32>,
        %swap3A_253 = vector.shape_cast %swap3A_252 : vector<1x1x16xf32> to vector<16xf32>
        %swap3A_254 = vector.shape_cast %exp3A_247 : vector<16xf32> to vector<1x1x16xf32>
        tpu.vector_store %arg12[%swap3A_249, %swap3A_250, %swap3A_251], %swap3A_254 {strides = array<i32>} : memref<2x125x32xf32, #tpu.memory_space<vmem>>, vector<1x1x16xf32>,
        %get3A_255 = arith.constant 1 : i32
        %get3A_256 = arith.index_cast %get3A_255 : i32 to index
        %get3A_257 = arith.index_cast %add3A_229 : i32 to index
        %get3A_258 = arith.constant 16 : index
        %get3A_259 = tpu.vector_load %arg10[%get3A_256, %get3A_257, %get3A_258] {strides = array<i32>} : memref<2x125x32xf32, #tpu.memory_space<vmem>>, vector<1x1x16xf32>,
        %get3A_260 = vector.shape_cast %get3A_259 : vector<1x1x16xf32> to vector<16xf32>
        %mul3A_261 = arith.mulf %exp3A_247, %get3A_260 : vector<16xf32>
        %swap3A_262 = arith.constant 1 : i32
        %swap3A_263 = arith.index_cast %swap3A_262 : i32 to index
        %swap3A_264 = arith.index_cast %add3A_229 : i32 to index
        %swap3A_265 = arith.constant 16 : index
        %swap3A_266 = tpu.vector_load %arg12[%swap3A_263, %swap3A_264, %swap3A_265] {strides = array<i32>} : memref<2x125x32xf32, #tpu.memory_space<vmem>>, vector<1x1x16xf32>,
        %swap3A_267 = vector.shape_cast %swap3A_266 : vector<1x1x16xf32> to vector<16xf32>
        %swap3A_268 = vector.shape_cast %mul3A_261 : vector<16xf32> to vector<1x1x16xf32>
        tpu.vector_store %arg12[%swap3A_263, %swap3A_264, %swap3A_265], %swap3A_268 {strides = array<i32>} : memref<2x125x32xf32, #tpu.memory_space<vmem>>, vector<1x1x16xf32>,
        %mul3A_269 = arith.constant 5 : i32
        %mul3A_270 = arith.muli %scan3A_186, %mul3A_269 : i32
        %add3A_271 = arith.constant 2 : i32
        %add3A_272 = arith.addi %mul3A_270, %add3A_271 : i32
        %get3A_273 = arith.constant 1 : i32
        %get3A_274 = arith.index_cast %get3A_273 : i32 to index
        %get3A_275 = arith.index_cast %add3A_272 : i32 to index
        %get3A_276 = arith.constant 0 : index
        %get3A_277 = tpu.vector_load %arg10[%get3A_274, %get3A_275, %get3A_276] {strides = array<i32>} : memref<2x125x32xf32, #tpu.memory_space<vmem>>, vector<1x1x16xf32>,
        %get3A_278 = vector.shape_cast %get3A_277 : vector<1x1x16xf32> to vector<16xf32>
        %get3A_279 = arith.constant 1 : i32
        %get3A_280 = arith.index_cast %get3A_279 : i32 to index
        %get3A_281 = arith.index_cast %add3A_272 : i32 to index
        %get3A_282 = arith.constant 0 : index
        %get3A_283 = tpu.vector_load %arg11[%get3A_280, %get3A_281, %get3A_282] {strides = array<i32>} : memref<2x125x16xf32, #tpu.memory_space<vmem>>, vector<1x1x16xf32>,
        %get3A_284 = vector.shape_cast %get3A_283 : vector<1x1x16xf32> to vector<16xf32>
        %add3A_285 = arith.addf %get3A_278, %get3A_284 : vector<16xf32>
        %mul3A_286 = arith.constant 2.000000e-01 : f32
        %mul3A_287 = vector.broadcast %mul3A_286 : f32 to vector<16xf32>
        %mul3A_288 = arith.mulf %mul3A_287, %add3A_285 : vector<16xf32>
        %max3A_289 = arith.maximumf %add3A_285, %mul3A_288 : vector<16xf32>
        %exp3A_290 = math.exp %max3A_289 : vector<16xf32>
        %swap3A_291 = arith.constant 1 : i32
        %swap3A_292 = arith.index_cast %swap3A_291 : i32 to index
        %swap3A_293 = arith.index_cast %add3A_272 : i32 to index
        %swap3A_294 = arith.constant 0 : index
        %swap3A_295 = tpu.vector_load %arg12[%swap3A_292, %swap3A_293, %swap3A_294] {strides = array<i32>} : memref<2x125x32xf32, #tpu.memory_space<vmem>>, vector<1x1x16xf32>,
        %swap3A_296 = vector.shape_cast %swap3A_295 : vector<1x1x16xf32> to vector<16xf32>
        %swap3A_297 = vector.shape_cast %exp3A_290 : vector<16xf32> to vector<1x1x16xf32>
        tpu.vector_store %arg12[%swap3A_292, %swap3A_293, %swap3A_294], %swap3A_297 {strides = array<i32>} : memref<2x125x32xf32, #tpu.memory_space<vmem>>, vector<1x1x16xf32>,
        %get3A_298 = arith.constant 1 : i32
        %get3A_299 = arith.index_cast %get3A_298 : i32 to index
        %get3A_300 = arith.index_cast %add3A_272 : i32 to index
        %get3A_301 = arith.constant 16 : index
        %get3A_302 = tpu.vector_load %arg10[%get3A_299, %get3A_300, %get3A_301] {strides = array<i32>} : memref<2x125x32xf32, #tpu.memory_space<vmem>>, vector<1x1x16xf32>,
        %get3A_303 = vector.shape_cast %get3A_302 : vector<1x1x16xf32> to vector<16xf32>
        %mul3A_304 = arith.mulf %exp3A_290, %get3A_303 : vector<16xf32>
        %swap3A_305 = arith.constant 1 : i32
        %swap3A_306 = arith.index_cast %swap3A_305 : i32 to index
        %swap3A_307 = arith.index_cast %add3A_272 : i32 to index
        %swap3A_308 = arith.constant 16 : index
        %swap3A_309 = tpu.vector_load %arg12[%swap3A_306, %swap3A_307, %swap3A_308] {strides = array<i32>} : memref<2x125x32xf32, #tpu.memory_space<vmem>>, vector<1x1x16xf32>,
        %swap3A_310 = vector.shape_cast %swap3A_309 : vector<1x1x16xf32> to vector<16xf32>
        %swap3A_311 = vector.shape_cast %mul3A_304 : vector<16xf32> to vector<1x1x16xf32>
        tpu.vector_store %arg12[%swap3A_306, %swap3A_307, %swap3A_308], %swap3A_311 {strides = array<i32>} : memref<2x125x32xf32, #tpu.memory_space<vmem>>, vector<1x1x16xf32>,
        %mul3A_312 = arith.constant 5 : i32
        %mul3A_313 = arith.muli %scan3A_186, %mul3A_312 : i32
        %add3A_314 = arith.constant 3 : i32
        %add3A_315 = arith.addi %mul3A_313, %add3A_314 : i32
        %get3A_316 = arith.constant 1 : i32
        %get3A_317 = arith.index_cast %get3A_316 : i32 to index
        %get3A_318 = arith.index_cast %add3A_315 : i32 to index
        %get3A_319 = arith.constant 0 : index
        %get3A_320 = tpu.vector_load %arg10[%get3A_317, %get3A_318, %get3A_319] {strides = array<i32>} : memref<2x125x32xf32, #tpu.memory_space<vmem>>, vector<1x1x16xf32>,
        %get3A_321 = vector.shape_cast %get3A_320 : vector<1x1x16xf32> to vector<16xf32>
        %get3A_322 = arith.constant 1 : i32
        %get3A_323 = arith.index_cast %get3A_322 : i32 to index
        %get3A_324 = arith.index_cast %add3A_315 : i32 to index
        %get3A_325 = arith.constant 0 : index
        %get3A_326 = tpu.vector_load %arg11[%get3A_323, %get3A_324, %get3A_325] {strides = array<i32>} : memref<2x125x16xf32, #tpu.memory_space<vmem>>, vector<1x1x16xf32>,
        %get3A_327 = vector.shape_cast %get3A_326 : vector<1x1x16xf32> to vector<16xf32>
        %add3A_328 = arith.addf %get3A_321, %get3A_327 : vector<16xf32>
        %mul3A_329 = arith.constant 2.000000e-01 : f32
        %mul3A_330 = vector.broadcast %mul3A_329 : f32 to vector<16xf32>
        %mul3A_331 = arith.mulf %mul3A_330, %add3A_328 : vector<16xf32>
        %max3A_332 = arith.maximumf %add3A_328, %mul3A_331 : vector<16xf32>
        %exp3A_333 = math.exp %max3A_332 : vector<16xf32>
        %swap3A_334 = arith.constant 1 : i32
        %swap3A_335 = arith.index_cast %swap3A_334 : i32 to index
        %swap3A_336 = arith.index_cast %add3A_315 : i32 to index
        %swap3A_337 = arith.constant 0 : index
        %swap3A_338 = tpu.vector_load %arg12[%swap3A_335, %swap3A_336, %swap3A_337] {strides = array<i32>} : memref<2x125x32xf32, #tpu.memory_space<vmem>>, vector<1x1x16xf32>,
        %swap3A_339 = vector.shape_cast %swap3A_338 : vector<1x1x16xf32> to vector<16xf32>
        %swap3A_340 = vector.shape_cast %exp3A_333 : vector<16xf32> to vector<1x1x16xf32>
        tpu.vector_store %arg12[%swap3A_335, %swap3A_336, %swap3A_337], %swap3A_340 {strides = array<i32>} : memref<2x125x32xf32, #tpu.memory_space<vmem>>, vector<1x1x16xf32>,
        %get3A_341 = arith.constant 1 : i32
        %get3A_342 = arith.index_cast %get3A_341 : i32 to index
        %get3A_343 = arith.index_cast %add3A_315 : i32 to index
        %get3A_344 = arith.constant 16 : index
        %get3A_345 = tpu.vector_load %arg10[%get3A_342, %get3A_343, %get3A_344] {strides = array<i32>} : memref<2x125x32xf32, #tpu.memory_space<vmem>>, vector<1x1x16xf32>,
        %get3A_346 = vector.shape_cast %get3A_345 : vector<1x1x16xf32> to vector<16xf32>
        %mul3A_347 = arith.mulf %exp3A_333, %get3A_346 : vector<16xf32>
        %swap3A_348 = arith.constant 1 : i32
        %swap3A_349 = arith.index_cast %swap3A_348 : i32 to index
        %swap3A_350 = arith.index_cast %add3A_315 : i32 to index
        %swap3A_351 = arith.constant 16 : index
        %swap3A_352 = tpu.vector_load %arg12[%swap3A_349, %swap3A_350, %swap3A_351] {strides = array<i32>} : memref<2x125x32xf32, #tpu.memory_space<vmem>>, vector<1x1x16xf32>,
        %swap3A_353 = vector.shape_cast %swap3A_352 : vector<1x1x16xf32> to vector<16xf32>
        %swap3A_354 = vector.shape_cast %mul3A_347 : vector<16xf32> to vector<1x1x16xf32>
        tpu.vector_store %arg12[%swap3A_349, %swap3A_350, %swap3A_351], %swap3A_354 {strides = array<i32>} : memref<2x125x32xf32, #tpu.memory_space<vmem>>, vector<1x1x16xf32>,
        %mul3A_355 = arith.constant 5 : i32
        %mul3A_356 = arith.muli %scan3A_186, %mul3A_355 : i32
        %add3A_357 = arith.constant 4 : i32
        %add3A_358 = arith.addi %mul3A_356, %add3A_357 : i32
        %get3A_359 = arith.constant 1 : i32
        %get3A_360 = arith.index_cast %get3A_359 : i32 to index
        %get3A_361 = arith.index_cast %add3A_358 : i32 to index
        %get3A_362 = arith.constant 0 : index
        %get3A_363 = tpu.vector_load %arg10[%get3A_360, %get3A_361, %get3A_362] {strides = array<i32>} : memref<2x125x32xf32, #tpu.memory_space<vmem>>, vector<1x1x16xf32>,
        %get3A_364 = vector.shape_cast %get3A_363 : vector<1x1x16xf32> to vector<16xf32>
        %get3A_365 = arith.constant 1 : i32
        %get3A_366 = arith.index_cast %get3A_365 : i32 to index
        %get3A_367 = arith.index_cast %add3A_358 : i32 to index
        %get3A_368 = arith.constant 0 : index
        %get3A_369 = tpu.vector_load %arg11[%get3A_366, %get3A_367, %get3A_368] {strides = array<i32>} : memref<2x125x16xf32, #tpu.memory_space<vmem>>, vector<1x1x16xf32>,
        %get3A_370 = vector.shape_cast %get3A_369 : vector<1x1x16xf32> to vector<16xf32>
        %add3A_371 = arith.addf %get3A_364, %get3A_370 : vector<16xf32>
        %mul3A_372 = arith.constant 2.000000e-01 : f32
        %mul3A_373 = vector.broadcast %mul3A_372 : f32 to vector<16xf32>
        %mul3A_374 = arith.mulf %mul3A_373, %add3A_371 : vector<16xf32>
        %max3A_375 = arith.maximumf %add3A_371, %mul3A_374 : vector<16xf32>
        %exp3A_376 = math.exp %max3A_375 : vector<16xf32>
        %swap3A_377 = arith.constant 1 : i32
        %swap3A_378 = arith.index_cast %swap3A_377 : i32 to index
        %swap3A_379 = arith.index_cast %add3A_358 : i32 to index
        %swap3A_380 = arith.constant 0 : index
        %swap3A_381 = tpu.vector_load %arg12[%swap3A_378, %swap3A_379, %swap3A_380] {strides = array<i32>} : memref<2x125x32xf32, #tpu.memory_space<vmem>>, vector<1x1x16xf32>,
        %swap3A_382 = vector.shape_cast %swap3A_381 : vector<1x1x16xf32> to vector<16xf32>
        %swap3A_383 = vector.shape_cast %exp3A_376 : vector<16xf32> to vector<1x1x16xf32>
        tpu.vector_store %arg12[%swap3A_378, %swap3A_379, %swap3A_380], %swap3A_383 {strides = array<i32>} : memref<2x125x32xf32, #tpu.memory_space<vmem>>, vector<1x1x16xf32>,
        %get3A_384 = arith.constant 1 : i32
        %get3A_385 = arith.index_cast %get3A_384 : i32 to index
        %get3A_386 = arith.index_cast %add3A_358 : i32 to index
        %get3A_387 = arith.constant 16 : index
        %get3A_388 = tpu.vector_load %arg10[%get3A_385, %get3A_386, %get3A_387] {strides = array<i32>} : memref<2x125x32xf32, #tpu.memory_space<vmem>>, vector<1x1x16xf32>,
        %get3A_389 = vector.shape_cast %get3A_388 : vector<1x1x16xf32> to vector<16xf32>
        %mul3A_390 = arith.mulf %exp3A_376, %get3A_389 : vector<16xf32>
        %swap3A_391 = arith.constant 1 : i32
        %swap3A_392 = arith.index_cast %swap3A_391 : i32 to index
        %swap3A_393 = arith.index_cast %add3A_358 : i32 to index
        %swap3A_394 = arith.constant 16 : index
        %swap3A_395 = tpu.vector_load %arg12[%swap3A_392, %swap3A_393, %swap3A_394] {strides = array<i32>} : memref<2x125x32xf32, #tpu.memory_space<vmem>>, vector<1x1x16xf32>,
        %swap3A_396 = vector.shape_cast %swap3A_395 : vector<1x1x16xf32> to vector<16xf32>
        %swap3A_397 = vector.shape_cast %mul3A_390 : vector<16xf32> to vector<1x1x16xf32>
        tpu.vector_store %arg12[%swap3A_392, %swap3A_393, %swap3A_394], %swap3A_397 {strides = array<i32>} : memref<2x125x32xf32, #tpu.memory_space<vmem>>, vector<1x1x16xf32>,
      }
      %scan3A_174 = arith.constant 25 : i32
      %dma_start3A_175 = arith.constant 1 : i32
      %dma_start3A_176 = arith.constant 0 : i32
      %dma_start3A_177 = arith.constant 0 : i32
      %dma_start3A_178 = tpu.memref_slice %arg12[%dma_start3A_175, %dma_start3A_176, %dma_start3A_177] : memref<2x125x32xf32, #tpu.memory_space<vmem>> -> memref<1x125x32xf32, #tpu.memory_space<vmem>>
      %dma_start3A_179 = tpu.memref_squeeze %dma_start3A_178 : memref<1x125x32xf32, #tpu.memory_space<vmem>> -> memref<125x32xf32, #tpu.memory_space<vmem>>
      %dma_start3A_180 = arith.constant 0 : i32
      %dma_start3A_181 = tpu.memref_slice %arg9[%add3A_163, %dma_start3A_180] : memref<80x125xi32, #tpu.memory_space<vmem>> -> memref<1x125xi32, #tpu.memory_space<vmem>>
      %dma_start3A_182 = tpu.memref_squeeze %dma_start3A_181 : memref<1x125xi32, #tpu.memory_space<vmem>> -> memref<125xi32, #tpu.memory_space<vmem>>
      %dma_start3A_183 = arith.constant 0 : i32
      %dma_start3A_184 = arith.constant 0 : i32
      %dma_start3A_185 = tpu.memref_slice %arg13[%dma_start3A_183, %dma_start3A_184] : memref<10000x32xf32, #tpu.memory_space<vmem_shared>> -> memref<10000x32xf32, #tpu.memory_space<vmem_shared>>
      tpu.enqueue_indirect_dma source(%dma_start3A_179 : memref<125x32xf32, #tpu.memory_space<vmem>>) target(%dma_start3A_185 : memref<10000x32xf32, #tpu.memory_space<vmem_shared>>) offsets(%dma_start3A_182 : memref<125xi32, #tpu.memory_space<vmem>>) semaphore(%arg17 : memref<!tpu.dma_semaphore, #tpu.memory_space<semaphore_mem>>) {add = true}
    }
    %scan3A_30 = arith.constant 40 : i32
    %dma_wait3A = arith.constant 0 : i32
    %dma_wait3A_31 = arith.constant 0 : i32
    %dma_wait3A_32 = arith.constant 0 : i32
    %dma_wait3A_33 = arith.constant 0 : i32
    %dma_wait3A_34 = tpu.memref_slice %arg12[%dma_wait3A, %dma_wait3A_32, %dma_wait3A_33] : memref<2x125x32xf32, #tpu.memory_space<vmem>> -> memref<1x125x32xf32, #tpu.memory_space<vmem>>
    %dma_wait3A_35 = tpu.memref_squeeze %dma_wait3A_34 : memref<1x125x32xf32, #tpu.memory_space<vmem>> -> memref<125x32xf32, #tpu.memory_space<vmem>>
    %dma_wait3A_36 = arith.constant 0 : i32
    %dma_wait3A_37 = tpu.memref_slice %arg9[%dma_wait3A_31, %dma_wait3A_36] : memref<80x125xi32, #tpu.memory_space<vmem>> -> memref<1x125xi32, #tpu.memory_space<vmem>>
    %dma_wait3A_38 = tpu.memref_squeeze %dma_wait3A_37 : memref<1x125xi32, #tpu.memory_space<vmem>> -> memref<125xi32, #tpu.memory_space<vmem>>
    %dma_wait3A_39 = arith.constant 0 : i32
    %dma_wait3A_40 = arith.constant 0 : i32
    %dma_wait3A_41 = tpu.memref_slice %arg13[%dma_wait3A_39, %dma_wait3A_40] : memref<10000x32xf32, #tpu.memory_space<vmem_shared>> -> memref<10000x32xf32, #tpu.memory_space<vmem_shared>>
    tpu.wait_indirect_dma semaphore(%arg16 : memref<!tpu.dma_semaphore, #tpu.memory_space<semaphore_mem>>) src(%dma_wait3A_35 : memref<125x32xf32, #tpu.memory_space<vmem>>) dst(%dma_wait3A_41 : memref<10000x32xf32, #tpu.memory_space<vmem_shared>>)
    %dma_wait3A_42 = arith.constant 1 : i32
    %dma_wait3A_43 = arith.constant 0 : i32
    %dma_wait3A_44 = arith.constant 0 : i32
    %dma_wait3A_45 = arith.constant 0 : i32
    %dma_wait3A_46 = tpu.memref_slice %arg12[%dma_wait3A_42, %dma_wait3A_44, %dma_wait3A_45] : memref<2x125x32xf32, #tpu.memory_space<vmem>> -> memref<1x125x32xf32, #tpu.memory_space<vmem>>
    %dma_wait3A_47 = tpu.memref_squeeze %dma_wait3A_46 : memref<1x125x32xf32, #tpu.memory_space<vmem>> -> memref<125x32xf32, #tpu.memory_space<vmem>>
    %dma_wait3A_48 = arith.constant 0 : i32
    %dma_wait3A_49 = tpu.memref_slice %arg9[%dma_wait3A_43, %dma_wait3A_48] : memref<80x125xi32, #tpu.memory_space<vmem>> -> memref<1x125xi32, #tpu.memory_space<vmem>>
    %dma_wait3A_50 = tpu.memref_squeeze %dma_wait3A_49 : memref<1x125xi32, #tpu.memory_space<vmem>> -> memref<125xi32, #tpu.memory_space<vmem>>
    %dma_wait3A_51 = arith.constant 0 : i32
    %dma_wait3A_52 = arith.constant 0 : i32
    %dma_wait3A_53 = tpu.memref_slice %arg13[%dma_wait3A_51, %dma_wait3A_52] : memref<10000x32xf32, #tpu.memory_space<vmem_shared>> -> memref<10000x32xf32, #tpu.memory_space<vmem_shared>>
    tpu.wait_indirect_dma semaphore(%arg17 : memref<!tpu.dma_semaphore, #tpu.memory_space<semaphore_mem>>) src(%dma_wait3A_47 : memref<125x32xf32, #tpu.memory_space<vmem>>) dst(%dma_wait3A_53 : memref<10000x32xf32, #tpu.memory_space<vmem_shared>>)
    %barrier3A_54 = arith.constant 0 : index
    tpu.barrier barrier_id(%barrier3A_54)
    %eq3A_55 = arith.constant 0 : i32
    %eq3A_56 = arith.cmpi eq, %arg1, %eq3A_55 : i32
    %convert_element_type3A_57 = arith.extui %eq3A_56 : i1 to i32
    %cond3A_58 = arith.constant 0 : i32
    %cond3A_59 = arith.cmpi ne, %convert_element_type3A_57, %cond3A_58 : i32
    scf.if %cond3A_59 {
      "tpu.region"() ({
        %run_scoped3A = tpu.sem_alloc : memref<!tpu.dma_semaphore, #tpu.memory_space<semaphore_mem>>
        %dma_start3A_60 = arith.constant 0 : i32
        %dma_start3A_61 = arith.constant 0 : i32
        %dma_start3A_62 = tpu.memref_slice %arg7[%arg0, %dma_start3A_60, %dma_start3A_61] : memref<2x10000x32xf32, #tpu.memory_space<hbm>> -> memref<1x10000x32xf32, #tpu.memory_space<hbm>>
        %dma_start3A_63 = tpu.memref_squeeze %dma_start3A_62 : memref<1x10000x32xf32, #tpu.memory_space<hbm>> -> memref<10000x32xf32, #tpu.memory_space<hbm>>
        tpu.enqueue_dma source(%arg13 : memref<10000x32xf32, #tpu.memory_space<vmem_shared>>) target(%dma_start3A_63 : memref<10000x32xf32, #tpu.memory_space<hbm>>) target_semaphore(%run_scoped3A : memref<!tpu.dma_semaphore, #tpu.memory_space<semaphore_mem>>)
        %dma_wait3A_64 = arith.constant 0 : i32
        %dma_wait3A_65 = arith.constant 0 : i32
        %dma_wait3A_66 = tpu.memref_slice %arg7[%arg0, %dma_wait3A_64, %dma_wait3A_65] : memref<2x10000x32xf32, #tpu.memory_space<hbm>> -> memref<1x10000x32xf32, #tpu.memory_space<hbm>>
        %dma_wait3A_67 = tpu.memref_squeeze %dma_wait3A_66 : memref<1x10000x32xf32, #tpu.memory_space<hbm>> -> memref<10000x32xf32, #tpu.memory_space<hbm>>
        tpu.wait_dma2 semaphore(%run_scoped3A : memref<!tpu.dma_semaphore, #tpu.memory_space<semaphore_mem>>) src(%arg13 : memref<10000x32xf32, #tpu.memory_space<vmem_shared>>) dst(%dma_wait3A_67 : memref<10000x32xf32, #tpu.memory_space<hbm>>)
        tpu.yield
      }) : () -> ()
    } else {
    }
    return
  }
}

module attributes {stable_mosaic.version = 14 : i64} {
  func.func @_pre1_body(%arg0: i32, %arg1: memref<1000x128xf32, #tpu.memory_space<vmem>>, %arg2: memref<128x64xf32, #tpu.memory_space<vmem>>, %arg3: memref<64x8xf32, #tpu.memory_space<vmem>>, %arg4: memref<64x8xf32, #tpu.memory_space<vmem>>, %arg5: memref<8x64xf32, #tpu.memory_space<vmem>>, %arg6: memref<64x64xf32, #tpu.memory_space<vmem>>, %arg7: memref<1000x80xf32, #tpu.memory_space<vmem>>, %arg8: memref<1000x16xf32, #tpu.memory_space<vmem>>, %arg9: memref<1000x80xf32, #tpu.memory_space<vmem>>) attributes {dimension_semantics = [#tpu.dimension_semantics<arbitrary>], iteration_bounds = array<i64: 10>, scalar_prefetch = 0 : i64, scratch_operands = 0 : i64, tpu.core_type = #tpu.core_type<tc>, window_params = [{transform_indices = @transform_0, window_bounds = array<i64: 1000, 128>}, {pipeline_mode = #tpu.pipeline_mode<synchronous>, transform_indices = @transform_1, window_bounds = array<i64: 128, 64>}, {pipeline_mode = #tpu.pipeline_mode<synchronous>, transform_indices = @transform_2, window_bounds = array<i64: 64, 8>}, {pipeline_mode = #tpu.pipeline_mode<synchronous>, transform_indices = @transform_3, window_bounds = array<i64: 64, 8>}, {pipeline_mode = #tpu.pipeline_mode<synchronous>, transform_indices = @transform_4, window_bounds = array<i64: 8, 64>}, {pipeline_mode = #tpu.pipeline_mode<synchronous>, transform_indices = @transform_5, window_bounds = array<i64: 64, 64>}, {transform_indices = @transform_6, window_bounds = array<i64: 1000, 80>}, {transform_indices = @transform_7, window_bounds = array<i64: 1000, 16>}, {transform_indices = @transform_8, window_bounds = array<i64: 1000, 80>}]} {
    %get3A = arith.constant 0 : index
    %get3A_0 = arith.constant 0 : index
    %get3A_1 = vector.load %arg1[%get3A, %get3A_0] : memref<1000x128xf32, #tpu.memory_space<vmem>>, vector<1000x128xf32>
    %get3A_2 = arith.constant 0 : index
    %get3A_3 = arith.constant 0 : index
    %get3A_4 = vector.load %arg2[%get3A_2, %get3A_3] : memref<128x64xf32, #tpu.memory_space<vmem>>, vector<128x64xf32>
    %dot_general3A = arith.constant dense<0.000000e+00> : vector<1000x64xf32>
    %dot_general3A_5 = tpu.matmul %get3A_1, %get3A_4, %dot_general3A {dimension_numbers = #tpu.dot_dimension_numbers<[1], [0], [0], [1], [0, 0, 1, 1], [], []>, transpose_lhs_hint = false} : vector<1000x128xf32>, vector<128x64xf32>, vector<1000x64xf32> -> vector<1000x64xf32>
    %get3A_6 = arith.constant 0 : index
    %get3A_7 = arith.constant 0 : index
    %get3A_8 = vector.load %arg3[%get3A_6, %get3A_7] : memref<64x8xf32, #tpu.memory_space<vmem>>, vector<64x8xf32>
    %dot_general3A_9 = arith.constant dense<0.000000e+00> : vector<1000x8xf32>
    %dot_general3A_10 = tpu.matmul %dot_general3A_5, %get3A_8, %dot_general3A_9 {dimension_numbers = #tpu.dot_dimension_numbers<[1], [0], [0], [1], [0, 0, 1, 1], [], []>, transpose_lhs_hint = false} : vector<1000x64xf32>, vector<64x8xf32>, vector<1000x8xf32> -> vector<1000x8xf32>
    %get3A_11 = arith.constant 0 : index
    %get3A_12 = arith.constant 0 : index
    %get3A_13 = vector.load %arg4[%get3A_11, %get3A_12] : memref<64x8xf32, #tpu.memory_space<vmem>>, vector<64x8xf32>
    %dot_general3A_14 = arith.constant dense<0.000000e+00> : vector<1000x8xf32>
    %dot_general3A_15 = tpu.matmul %dot_general3A_5, %get3A_13, %dot_general3A_14 {dimension_numbers = #tpu.dot_dimension_numbers<[1], [0], [0], [1], [0, 0, 1, 1], [], []>, transpose_lhs_hint = false} : vector<1000x64xf32>, vector<64x8xf32>, vector<1000x8xf32> -> vector<1000x8xf32>
    %get3A_16 = arith.constant 0 : index
    %get3A_17 = arith.constant 0 : index
    %get3A_18 = vector.load %arg6[%get3A_16, %get3A_17] : memref<64x64xf32, #tpu.memory_space<vmem>>, vector<64x64xf32>
    %dot_general3A_19 = arith.constant dense<0.000000e+00> : vector<1000x64xf32>
    %dot_general3A_20 = tpu.matmul %dot_general3A_5, %get3A_18, %dot_general3A_19 {dimension_numbers = #tpu.dot_dimension_numbers<[1], [0], [0], [1], [0, 0, 1, 1], [], []>, transpose_lhs_hint = false} : vector<1000x64xf32>, vector<64x64xf32>, vector<1000x64xf32> -> vector<1000x64xf32>
    %concatenate3A = tpu.concatenate %dot_general3A_10, %dot_general3A_10, %dot_general3A_20 in 1 : vector<1000x8xf32>, vector<1000x8xf32>, vector<1000x64xf32> -> vector<1000x80xf32>
    %swap3A = arith.constant 0 : index
    %swap3A_21 = arith.constant 0 : index
    %swap3A_22 = vector.load %arg7[%swap3A, %swap3A_21] : memref<1000x80xf32, #tpu.memory_space<vmem>>, vector<1000x80xf32>
    tpu.vector_store %arg7[%swap3A, %swap3A_21], %concatenate3A {strides = array<i32>} : memref<1000x80xf32, #tpu.memory_space<vmem>>, vector<1000x80xf32>,
    %concatenate3A_23 = tpu.concatenate %dot_general3A_15, %dot_general3A_15 in 1 : vector<1000x8xf32>, vector<1000x8xf32> -> vector<1000x16xf32>
    %swap3A_24 = arith.constant 0 : index
    %swap3A_25 = arith.constant 0 : index
    %swap3A_26 = vector.load %arg8[%swap3A_24, %swap3A_25] : memref<1000x16xf32, #tpu.memory_space<vmem>>, vector<1000x16xf32>
    tpu.vector_store %arg8[%swap3A_24, %swap3A_25], %concatenate3A_23 {strides = array<i32>} : memref<1000x16xf32, #tpu.memory_space<vmem>>, vector<1000x16xf32>,
    %add3A = arith.addf %dot_general3A_10, %dot_general3A_15 : vector<1000x8xf32>
    %mul3A = arith.constant 2.000000e-01 : f32
    %mul3A_27 = vector.broadcast %mul3A : f32 to vector<1000x8xf32>
    %mul3A_28 = arith.mulf %mul3A_27, %add3A : vector<1000x8xf32>
    %max3A = arith.maximumf %add3A, %mul3A_28 : vector<1000x8xf32>
    %exp3A = math.exp %max3A : vector<1000x8xf32>
    %get3A_29 = arith.constant 0 : index
    %get3A_30 = arith.constant 0 : index
    %get3A_31 = vector.load %arg5[%get3A_29, %get3A_30] : memref<8x64xf32, #tpu.memory_space<vmem>>, vector<8x64xf32>
    %dot_general3A_32 = arith.constant dense<0.000000e+00> : vector<1000x64xf32>
    %dot_general3A_33 = tpu.matmul %exp3A, %get3A_31, %dot_general3A_32 {dimension_numbers = #tpu.dot_dimension_numbers<[1], [0], [0], [1], [0, 0, 1, 1], [], []>, transpose_lhs_hint = false} : vector<1000x8xf32>, vector<8x64xf32>, vector<1000x64xf32> -> vector<1000x64xf32>
    %mul3A_34 = arith.mulf %dot_general3A_20, %dot_general3A_33 : vector<1000x64xf32>
    %concatenate3A_35 = tpu.concatenate %exp3A, %exp3A, %mul3A_34 in 1 : vector<1000x8xf32>, vector<1000x8xf32>, vector<1000x64xf32> -> vector<1000x80xf32>
    %swap3A_36 = arith.constant 0 : index
    %swap3A_37 = arith.constant 0 : index
    %swap3A_38 = vector.load %arg9[%swap3A_36, %swap3A_37] : memref<1000x80xf32, #tpu.memory_space<vmem>>, vector<1000x80xf32>
    tpu.vector_store %arg9[%swap3A_36, %swap3A_37], %concatenate3A_35 {strides = array<i32>} : memref<1000x80xf32, #tpu.memory_space<vmem>>, vector<1000x80xf32>,
    return
  }
  func.func @transform_0(%arg0: i32) -> (i32, i32) {
    %c0_i32 = arith.constant 0 : i32
    %c0_i32_0 = arith.constant 0 : i32
    return %arg0, %c0_i32 : i32, i32
  }
  func.func @transform_1(%arg0: i32) -> (i32, i32) {
    %c0_i32 = arith.constant 0 : i32
    %c0_i32_0 = arith.constant 0 : i32
    %c0_i32_1 = arith.constant 0 : i32
    return %c0_i32, %c0_i32_0 : i32, i32
  }
  func.func @transform_2(%arg0: i32) -> (i32, i32) {
    %c0_i32 = arith.constant 0 : i32
    %c0_i32_0 = arith.constant 0 : i32
    %c0_i32_1 = arith.constant 0 : i32
    return %c0_i32, %c0_i32_0 : i32, i32
  }
  func.func @transform_3(%arg0: i32) -> (i32, i32) {
    %c0_i32 = arith.constant 0 : i32
    %c0_i32_0 = arith.constant 0 : i32
    %c0_i32_1 = arith.constant 0 : i32
    return %c0_i32, %c0_i32_0 : i32, i32
  }
  func.func @transform_4(%arg0: i32) -> (i32, i32) {
    %c0_i32 = arith.constant 0 : i32
    %c0_i32_0 = arith.constant 0 : i32
    %c0_i32_1 = arith.constant 0 : i32
    return %c0_i32, %c0_i32_0 : i32, i32
  }
  func.func @transform_5(%arg0: i32) -> (i32, i32) {
    %c0_i32 = arith.constant 0 : i32
    %c0_i32_0 = arith.constant 0 : i32
    %c0_i32_1 = arith.constant 0 : i32
    return %c0_i32, %c0_i32_0 : i32, i32
  }
  func.func @transform_6(%arg0: i32) -> (i32, i32) {
    %c0_i32 = arith.constant 0 : i32
    %c0_i32_0 = arith.constant 0 : i32
    return %arg0, %c0_i32 : i32, i32
  }
  func.func @transform_7(%arg0: i32) -> (i32, i32) {
    %c0_i32 = arith.constant 0 : i32
    %c0_i32_0 = arith.constant 0 : i32
    return %arg0, %c0_i32 : i32, i32
  }
  func.func @transform_8(%arg0: i32) -> (i32, i32) {
    %c0_i32 = arith.constant 0 : i32
    %c0_i32_0 = arith.constant 0 : i32
    return %arg0, %c0_i32 : i32, i32
  }
}

module attributes {stable_mosaic.version = 14 : i64} {
  func.func @_mid_body(%arg0: i32, %arg1: memref<1000x80xf32, #tpu.memory_space<vmem>>, %arg2: memref<1000x80xf32, #tpu.memory_space<vmem>>, %arg3: memref<1000x80xf32, #tpu.memory_space<vmem>>, %arg4: memref<1x64xf32, #tpu.memory_space<vmem>>, %arg5: memref<8x64xf32, #tpu.memory_space<vmem>>, %arg6: memref<64x64xf32, #tpu.memory_space<vmem>>, %arg7: memref<64x16xf32, #tpu.memory_space<vmem>>, %arg8: memref<1x16xf32, #tpu.memory_space<vmem>>, %arg9: memref<1x16xf32, #tpu.memory_space<vmem>>, %arg10: memref<1000x32xf32, #tpu.memory_space<vmem>>, %arg11: memref<1000x16xf32, #tpu.memory_space<vmem>>, %arg12: memref<1000x32xf32, #tpu.memory_space<vmem>>) attributes {dimension_semantics = [#tpu.dimension_semantics<arbitrary>], iteration_bounds = array<i64: 10>, scalar_prefetch = 0 : i64, scratch_operands = 0 : i64, tpu.core_type = #tpu.core_type<tc>, window_params = [{transform_indices = @transform_0, window_bounds = array<i64: 1000, 80>}, {transform_indices = @transform_1, window_bounds = array<i64: 1000, 80>}, {transform_indices = @transform_2, window_bounds = array<i64: 1000, 80>}, {pipeline_mode = #tpu.pipeline_mode<synchronous>, transform_indices = @transform_3, window_bounds = array<i64: 1, 64>}, {pipeline_mode = #tpu.pipeline_mode<synchronous>, transform_indices = @transform_4, window_bounds = array<i64: 8, 64>}, {pipeline_mode = #tpu.pipeline_mode<synchronous>, transform_indices = @transform_5, window_bounds = array<i64: 64, 64>}, {pipeline_mode = #tpu.pipeline_mode<synchronous>, transform_indices = @transform_6, window_bounds = array<i64: 64, 16>}, {pipeline_mode = #tpu.pipeline_mode<synchronous>, transform_indices = @transform_7, window_bounds = array<i64: 1, 16>}, {pipeline_mode = #tpu.pipeline_mode<synchronous>, transform_indices = @transform_8, window_bounds = array<i64: 1, 16>}, {transform_indices = @transform_9, window_bounds = array<i64: 1000, 32>}, {transform_indices = @transform_10, window_bounds = array<i64: 1000, 16>}, {transform_indices = @transform_11, window_bounds = array<i64: 1000, 32>}]} {
    %get3A = arith.constant 0 : index
    %get3A_0 = arith.constant 0 : index
    %get3A_1 = vector.load %arg1[%get3A, %get3A_0] : memref<1000x80xf32, #tpu.memory_space<vmem>>, vector<1000x80xf32>
    %get3A_2 = arith.constant 0 : index
    %get3A_3 = arith.constant 0 : index
    %get3A_4 = vector.load %arg2[%get3A_2, %get3A_3] : memref<1000x80xf32, #tpu.memory_space<vmem>>, vector<1000x80xf32>
    %add3A = arith.addf %get3A_1, %get3A_4 : vector<1000x80xf32>
    %get3A_5 = arith.constant 0 : index
    %get3A_6 = arith.constant 0 : index
    %get3A_7 = vector.load %arg3[%get3A_5, %get3A_6] : memref<1000x80xf32, #tpu.memory_space<vmem>>, vector<1000x80xf32>
    %add3A_8 = arith.addf %add3A, %get3A_7 : vector<1000x80xf32>
    %slice3A = vector.extract_strided_slice %add3A_8 {offsets = [0, 0], sizes = [1000, 8], strides = [1, 1]} : vector<1000x80xf32> to vector<1000x8xf32>
    %slice3A_9 = vector.extract_strided_slice %add3A_8 {offsets = [0, 16], sizes = [1000, 64], strides = [1, 1]} : vector<1000x80xf32> to vector<1000x64xf32>
    %get3A_10 = arith.constant 0 : index
    %get3A_11 = arith.constant 0 : index
    %get3A_12 = vector.load %arg6[%get3A_10, %get3A_11] : memref<64x64xf32, #tpu.memory_space<vmem>>, vector<64x64xf32>
    %dot_general3A = arith.constant dense<0.000000e+00> : vector<1000x64xf32>
    %dot_general3A_13 = tpu.matmul %slice3A_9, %get3A_12, %dot_general3A {dimension_numbers = #tpu.dot_dimension_numbers<[1], [0], [0], [1], [0, 0, 1, 1], [], []>, transpose_lhs_hint = false} : vector<1000x64xf32>, vector<64x64xf32>, vector<1000x64xf32> -> vector<1000x64xf32>
    %add3A_14 = arith.constant 1.000000e-16 : f32
    %add3A_15 = vector.broadcast %add3A_14 : f32 to vector<1000x8xf32>
    %add3A_16 = arith.addf %slice3A, %add3A_15 : vector<1000x8xf32>
    %div3A = arith.constant 1.000000e+00 : f32
    %div3A_17 = vector.broadcast %div3A : f32 to vector<1000x8xf32>
    %div3A_18 = arith.divf %div3A_17, %add3A_16 : vector<1000x8xf32>
    %get3A_19 = arith.constant 0 : index
    %get3A_20 = arith.constant 0 : index
    %get3A_21 = vector.load %arg5[%get3A_19, %get3A_20] : memref<8x64xf32, #tpu.memory_space<vmem>>, vector<8x64xf32>
    %dot_general3A_22 = arith.constant dense<0.000000e+00> : vector<1000x64xf32>
    %dot_general3A_23 = tpu.matmul %div3A_18, %get3A_21, %dot_general3A_22 {dimension_numbers = #tpu.dot_dimension_numbers<[1], [0], [0], [1], [0, 0, 1, 1], [], []>, transpose_lhs_hint = false} : vector<1000x8xf32>, vector<8x64xf32>, vector<1000x64xf32> -> vector<1000x64xf32>
    %mul3A = arith.mulf %dot_general3A_13, %dot_general3A_23 : vector<1000x64xf32>
    %get3A_24 = arith.constant 0 : index
    %get3A_25 = arith.constant 0 : index
    %get3A_26 = vector.load %arg4[%get3A_24, %get3A_25] : memref<1x64xf32, #tpu.memory_space<vmem>>, vector<1x64xf32>
    %add3A_27 = vector.broadcast %get3A_26 : vector<1x64xf32> to vector<1000x64xf32>
    %add3A_28 = arith.addf %mul3A, %add3A_27 : vector<1000x64xf32>
    %gt3A = arith.constant 0.000000e+00 : f32
    %gt3A_29 = vector.broadcast %gt3A : f32 to vector<1000x64xf32>
    %gt3A_30 = arith.cmpf ogt, %add3A_28, %gt3A_29 : vector<1000x64xf32>
    %min3A = arith.constant 0.000000e+00 : f32
    %min3A_31 = vector.broadcast %min3A : f32 to vector<1000x64xf32>
    %min3A_32 = arith.minimumf %add3A_28, %min3A_31 : vector<1000x64xf32>
    %exp3A = math.exp %min3A_32 : vector<1000x64xf32>
    %sub3A = arith.constant 1.000000e+00 : f32
    %sub3A_33 = vector.broadcast %sub3A : f32 to vector<1000x64xf32>
    %sub3A_34 = arith.subf %exp3A, %sub3A_33 : vector<1000x64xf32>
    %select_n3A = arith.select %gt3A_30, %add3A_28, %sub3A_34 : vector<1000x64xi1>, vector<1000x64xf32>
    %get3A_35 = arith.constant 0 : index
    %get3A_36 = arith.constant 0 : index
    %get3A_37 = vector.load %arg7[%get3A_35, %get3A_36] : memref<64x16xf32, #tpu.memory_space<vmem>>, vector<64x16xf32>
    %dot_general3A_38 = arith.constant dense<0.000000e+00> : vector<1000x16xf32>
    %dot_general3A_39 = tpu.matmul %select_n3A, %get3A_37, %dot_general3A_38 {dimension_numbers = #tpu.dot_dimension_numbers<[1], [0], [0], [1], [0, 0, 1, 1], [], []>, transpose_lhs_hint = false} : vector<1000x64xf32>, vector<64x16xf32>, vector<1000x16xf32> -> vector<1000x16xf32>
    %get3A_40 = arith.constant 0 : index
    %get3A_41 = arith.constant 0 : index
    %get3A_42 = vector.load %arg8[%get3A_40, %get3A_41] : memref<1x16xf32, #tpu.memory_space<vmem>>, vector<1x16xf32>
    %mul3A_43 = vector.broadcast %get3A_42 : vector<1x16xf32> to vector<1000x16xf32>
    %mul3A_44 = arith.mulf %dot_general3A_39, %mul3A_43 : vector<1000x16xf32>
    %reduce_sum3A = arith.constant dense<0.000000e+00> : vector<1000xf32>
    %reduce_sum3A_45 = vector.multi_reduction <add>, %mul3A_44, %reduce_sum3A [1] : vector<1000x16xf32> to vector<1000xf32>
    %broadcast_in_dim3A = vector.shape_cast %reduce_sum3A_45 : vector<1000xf32> to vector<1000x1xf32>
    %get3A_46 = arith.constant 0 : index
    %get3A_47 = arith.constant 0 : index
    %get3A_48 = vector.load %arg9[%get3A_46, %get3A_47] : memref<1x16xf32, #tpu.memory_space<vmem>>, vector<1x16xf32>
    %mul3A_49 = vector.broadcast %get3A_48 : vector<1x16xf32> to vector<1000x16xf32>
    %mul3A_50 = arith.mulf %dot_general3A_39, %mul3A_49 : vector<1000x16xf32>
    %reduce_sum3A_51 = arith.constant dense<0.000000e+00> : vector<1000xf32>
    %reduce_sum3A_52 = vector.multi_reduction <add>, %mul3A_50, %reduce_sum3A_51 [1] : vector<1000x16xf32> to vector<1000xf32>
    %broadcast_in_dim3A_53 = vector.shape_cast %reduce_sum3A_52 : vector<1000xf32> to vector<1000x1xf32>
    %broadcast_in_dim3A_54 = arith.constant 1.000000e+00 : f32
    %broadcast_in_dim3A_55 = vector.broadcast %broadcast_in_dim3A_54 : f32 to vector<1x16xf32>
    %mul3A_56 = vector.broadcast %broadcast_in_dim3A : vector<1000x1xf32> to vector<1000x16xf32>
    %mul3A_57 = vector.broadcast %broadcast_in_dim3A_55 : vector<1x16xf32> to vector<1000x16xf32>
    %mul3A_58 = arith.mulf %mul3A_56, %mul3A_57 : vector<1000x16xf32>
    %concatenate3A = tpu.concatenate %mul3A_58, %dot_general3A_39 in 1 : vector<1000x16xf32>, vector<1000x16xf32> -> vector<1000x32xf32>
    %swap3A = arith.constant 0 : index
    %swap3A_59 = arith.constant 0 : index
    %swap3A_60 = vector.load %arg10[%swap3A, %swap3A_59] : memref<1000x32xf32, #tpu.memory_space<vmem>>, vector<1000x32xf32>
    tpu.vector_store %arg10[%swap3A, %swap3A_59], %concatenate3A {strides = array<i32>} : memref<1000x32xf32, #tpu.memory_space<vmem>>, vector<1000x32xf32>,
    %mul3A_61 = vector.broadcast %broadcast_in_dim3A_53 : vector<1000x1xf32> to vector<1000x16xf32>
    %mul3A_62 = vector.broadcast %broadcast_in_dim3A_55 : vector<1x16xf32> to vector<1000x16xf32>
    %mul3A_63 = arith.mulf %mul3A_61, %mul3A_62 : vector<1000x16xf32>
    %swap3A_64 = arith.constant 0 : index
    %swap3A_65 = arith.constant 0 : index
    %swap3A_66 = vector.load %arg11[%swap3A_64, %swap3A_65] : memref<1000x16xf32, #tpu.memory_space<vmem>>, vector<1000x16xf32>
    tpu.vector_store %arg11[%swap3A_64, %swap3A_65], %mul3A_63 {strides = array<i32>} : memref<1000x16xf32, #tpu.memory_space<vmem>>, vector<1000x16xf32>,
    %add3A_67 = arith.addf %broadcast_in_dim3A, %broadcast_in_dim3A_53 : vector<1000x1xf32>
    %mul3A_68 = arith.constant 2.000000e-01 : f32
    %mul3A_69 = vector.broadcast %mul3A_68 : f32 to vector<1000x1xf32>
    %mul3A_70 = arith.mulf %mul3A_69, %add3A_67 : vector<1000x1xf32>
    %max3A = arith.maximumf %add3A_67, %mul3A_70 : vector<1000x1xf32>
    %exp3A_71 = math.exp %max3A : vector<1000x1xf32>
    %mul3A_72 = vector.broadcast %exp3A_71 : vector<1000x1xf32> to vector<1000x16xf32>
    %mul3A_73 = vector.broadcast %broadcast_in_dim3A_55 : vector<1x16xf32> to vector<1000x16xf32>
    %mul3A_74 = arith.mulf %mul3A_72, %mul3A_73 : vector<1000x16xf32>
    %mul3A_75 = vector.broadcast %exp3A_71 : vector<1000x1xf32> to vector<1000x16xf32>
    %mul3A_76 = arith.mulf %dot_general3A_39, %mul3A_75 : vector<1000x16xf32>
    %concatenate3A_77 = tpu.concatenate %mul3A_74, %mul3A_76 in 1 : vector<1000x16xf32>, vector<1000x16xf32> -> vector<1000x32xf32>
    %swap3A_78 = arith.constant 0 : index
    %swap3A_79 = arith.constant 0 : index
    %swap3A_80 = vector.load %arg12[%swap3A_78, %swap3A_79] : memref<1000x32xf32, #tpu.memory_space<vmem>>, vector<1000x32xf32>
    tpu.vector_store %arg12[%swap3A_78, %swap3A_79], %concatenate3A_77 {strides = array<i32>} : memref<1000x32xf32, #tpu.memory_space<vmem>>, vector<1000x32xf32>,
    return
  }
  func.func @transform_0(%arg0: i32) -> (i32, i32) {
    %c0_i32 = arith.constant 0 : i32
    %c0_i32_0 = arith.constant 0 : i32
    return %arg0, %c0_i32 : i32, i32
  }
  func.func @transform_1(%arg0: i32) -> (i32, i32) {
    %c0_i32 = arith.constant 0 : i32
    %c0_i32_0 = arith.constant 0 : i32
    return %arg0, %c0_i32 : i32, i32
  }
  func.func @transform_2(%arg0: i32) -> (i32, i32) {
    %c0_i32 = arith.constant 0 : i32
    %c0_i32_0 = arith.constant 0 : i32
    return %arg0, %c0_i32 : i32, i32
  }
  func.func @transform_3(%arg0: i32) -> (i32, i32) {
    %c0_i32 = arith.constant 0 : i32
    %c0_i32_0 = arith.constant 0 : i32
    %c0_i32_1 = arith.constant 0 : i32
    return %c0_i32, %c0_i32_0 : i32, i32
  }
  func.func @transform_4(%arg0: i32) -> (i32, i32) {
    %c0_i32 = arith.constant 0 : i32
    %c0_i32_0 = arith.constant 0 : i32
    %c0_i32_1 = arith.constant 0 : i32
    return %c0_i32, %c0_i32_0 : i32, i32
  }
  func.func @transform_5(%arg0: i32) -> (i32, i32) {
    %c0_i32 = arith.constant 0 : i32
    %c0_i32_0 = arith.constant 0 : i32
    %c0_i32_1 = arith.constant 0 : i32
    return %c0_i32, %c0_i32_0 : i32, i32
  }
  func.func @transform_6(%arg0: i32) -> (i32, i32) {
    %c0_i32 = arith.constant 0 : i32
    %c0_i32_0 = arith.constant 0 : i32
    %c0_i32_1 = arith.constant 0 : i32
    return %c0_i32, %c0_i32_0 : i32, i32
  }
  func.func @transform_7(%arg0: i32) -> (i32, i32) {
    %c0_i32 = arith.constant 0 : i32
    %c0_i32_0 = arith.constant 0 : i32
    %c0_i32_1 = arith.constant 0 : i32
    return %c0_i32, %c0_i32_0 : i32, i32
  }
  func.func @transform_8(%arg0: i32) -> (i32, i32) {
    %c0_i32 = arith.constant 0 : i32
    %c0_i32_0 = arith.constant 0 : i32
    %c0_i32_1 = arith.constant 0 : i32
    return %c0_i32, %c0_i32_0 : i32, i32
  }
  func.func @transform_9(%arg0: i32) -> (i32, i32) {
    %c0_i32 = arith.constant 0 : i32
    %c0_i32_0 = arith.constant 0 : i32
    return %arg0, %c0_i32 : i32, i32
  }
  func.func @transform_10(%arg0: i32) -> (i32, i32) {
    %c0_i32 = arith.constant 0 : i32
    %c0_i32_0 = arith.constant 0 : i32
    return %arg0, %c0_i32 : i32, i32
  }
  func.func @transform_11(%arg0: i32) -> (i32, i32) {
    %c0_i32 = arith.constant 0 : i32
    %c0_i32_0 = arith.constant 0 : i32
    return %arg0, %c0_i32 : i32, i32
  }
}

module attributes {stable_mosaic.version = 14 : i64} {
  func.func @_fin_body(%arg0: i32, %arg1: memref<1000x32xf32, #tpu.memory_space<vmem>>, %arg2: memref<1000x32xf32, #tpu.memory_space<vmem>>, %arg3: memref<1000x32xf32, #tpu.memory_space<vmem>>, %arg4: memref<1x16xf32, #tpu.memory_space<vmem>>, %arg5: memref<1000x16xf32, #tpu.memory_space<vmem>>) attributes {dimension_semantics = [#tpu.dimension_semantics<arbitrary>], iteration_bounds = array<i64: 10>, scalar_prefetch = 0 : i64, scratch_operands = 0 : i64, tpu.core_type = #tpu.core_type<tc>, window_params = [{transform_indices = @transform_0, window_bounds = array<i64: 1000, 32>}, {transform_indices = @transform_1, window_bounds = array<i64: 1000, 32>}, {transform_indices = @transform_2, window_bounds = array<i64: 1000, 32>}, {pipeline_mode = #tpu.pipeline_mode<synchronous>, transform_indices = @transform_3, window_bounds = array<i64: 1, 16>}, {transform_indices = @transform_4, window_bounds = array<i64: 1000, 16>}]} {
    %get3A = arith.constant 0 : index
    %get3A_0 = arith.constant 0 : index
    %get3A_1 = vector.load %arg1[%get3A, %get3A_0] : memref<1000x32xf32, #tpu.memory_space<vmem>>, vector<1000x32xf32>
    %get3A_2 = arith.constant 0 : index
    %get3A_3 = arith.constant 0 : index
    %get3A_4 = vector.load %arg2[%get3A_2, %get3A_3] : memref<1000x32xf32, #tpu.memory_space<vmem>>, vector<1000x32xf32>
    %add3A = arith.addf %get3A_1, %get3A_4 : vector<1000x32xf32>
    %get3A_5 = arith.constant 0 : index
    %get3A_6 = arith.constant 0 : index
    %get3A_7 = vector.load %arg3[%get3A_5, %get3A_6] : memref<1000x32xf32, #tpu.memory_space<vmem>>, vector<1000x32xf32>
    %add3A_8 = arith.addf %add3A, %get3A_7 : vector<1000x32xf32>
    %slice3A = vector.extract_strided_slice %add3A_8 {offsets = [0, 0], sizes = [1000, 1], strides = [1, 1]} : vector<1000x32xf32> to vector<1000x1xf32>
    %slice3A_9 = vector.extract_strided_slice %add3A_8 {offsets = [0, 16], sizes = [1000, 16], strides = [1, 1]} : vector<1000x32xf32> to vector<1000x16xf32>
    %add3A_10 = arith.constant 1.000000e-16 : f32
    %add3A_11 = vector.broadcast %add3A_10 : f32 to vector<1000x1xf32>
    %add3A_12 = arith.addf %slice3A, %add3A_11 : vector<1000x1xf32>
    %div3A = vector.broadcast %add3A_12 : vector<1000x1xf32> to vector<1000x16xf32>
    %div3A_13 = arith.divf %slice3A_9, %div3A : vector<1000x16xf32>
    %get3A_14 = arith.constant 0 : index
    %get3A_15 = arith.constant 0 : index
    %get3A_16 = vector.load %arg4[%get3A_14, %get3A_15] : memref<1x16xf32, #tpu.memory_space<vmem>>, vector<1x16xf32>
    %add3A_17 = vector.broadcast %get3A_16 : vector<1x16xf32> to vector<1000x16xf32>
    %add3A_18 = arith.addf %div3A_13, %add3A_17 : vector<1000x16xf32>
    %reduce_max3A = arith.constant dense<0xFF800000> : vector<1000xf32>
    %reduce_max3A_19 = vector.multi_reduction <maximumf>, %add3A_18, %reduce_max3A [1] : vector<1000x16xf32> to vector<1000xf32>
    %broadcast_in_dim3A = vector.shape_cast %reduce_max3A_19 : vector<1000xf32> to vector<1000x1xf32>
    %sub3A = vector.broadcast %broadcast_in_dim3A : vector<1000x1xf32> to vector<1000x16xf32>
    %sub3A_20 = arith.subf %add3A_18, %sub3A : vector<1000x16xf32>
    %exp3A = math.exp %sub3A_20 : vector<1000x16xf32>
    %reduce_sum3A = arith.constant dense<0.000000e+00> : vector<1000xf32>
    %reduce_sum3A_21 = vector.multi_reduction <add>, %exp3A, %reduce_sum3A [1] : vector<1000x16xf32> to vector<1000xf32>
    %broadcast_in_dim3A_22 = vector.shape_cast %reduce_sum3A_21 : vector<1000xf32> to vector<1000x1xf32>
    %log3A = math.log %broadcast_in_dim3A_22 : vector<1000x1xf32>
    %sub3A_23 = vector.broadcast %log3A : vector<1000x1xf32> to vector<1000x16xf32>
    %sub3A_24 = arith.subf %sub3A_20, %sub3A_23 : vector<1000x16xf32>
    %swap3A = arith.constant 0 : index
    %swap3A_25 = arith.constant 0 : index
    %swap3A_26 = vector.load %arg5[%swap3A, %swap3A_25] : memref<1000x16xf32, #tpu.memory_space<vmem>>, vector<1000x16xf32>
    tpu.vector_store %arg5[%swap3A, %swap3A_25], %sub3A_24 {strides = array<i32>} : memref<1000x16xf32, #tpu.memory_space<vmem>>, vector<1000x16xf32>,
    return
  }
  func.func @transform_0(%arg0: i32) -> (i32, i32) {
    %c0_i32 = arith.constant 0 : i32
    %c0_i32_0 = arith.constant 0 : i32
    return %arg0, %c0_i32 : i32, i32
  }
  func.func @transform_1(%arg0: i32) -> (i32, i32) {
    %c0_i32 = arith.constant 0 : i32
    %c0_i32_0 = arith.constant 0 : i32
    return %arg0, %c0_i32 : i32, i32
  }
  func.func @transform_2(%arg0: i32) -> (i32, i32) {
    %c0_i32 = arith.constant 0 : i32
    %c0_i32_0 = arith.constant 0 : i32
    return %arg0, %c0_i32 : i32, i32
  }
  func.func @transform_3(%arg0: i32) -> (i32, i32) {
    %c0_i32 = arith.constant 0 : i32
    %c0_i32_0 = arith.constant 0 : i32
    %c0_i32_1 = arith.constant 0 : i32
    return %c0_i32, %c0_i32_0 : i32, i32
  }
  func.func @transform_4(%arg0: i32) -> (i32, i32) {
    %c0_i32 = arith.constant 0 : i32
    %c0_i32_0 = arith.constant 0 : i32
    return %arg0, %c0_i32 : i32, i32
  }
}

</mosaic_0001>

<sc_bundles>
// kernel: kernel.10.cloned.1.call-start
scs
__scs_entry_jumppad:
0x0: {  	(pc) =	sbr.rel $0x88, $3  }
0x1: {  	(tag) =	ssettag $0x0;
	lr =	simm.s32 $0x1  }
0x2: {  	[smem:$0x3F97] =	sst lr;
	_ =	strace $0xD0000000  }
0x3: {  	_ = 	snop  }
0x4: {  	_ = 	snop  }
0x5: {  	_ = 	snop  }
0x6: {  	_ = 	snop  }
0x7: {  	_ = 	snop  }
__scs_overlays_trampoline_lowered:
0x8: {  	[smem:$0x3FA6] =	sst s0  }
0x9: {  	[smem:$0x3FA7] =	sst s1  }
0xa: {  	[smem:$0x3FA8] =	sst s2  }
0xb: {  	[smem:$0x3FA9] =	sst s3  }
0xc: {  	[smem:$0x3FAA] =	sst s4  }
0xd: {  	[smem:$0x3FAB] =	sst s5  }
0xe: {  	[smem:$0x3FAC] =	sst s6  }
0xf: {  	[smem:$0x3FAD] =	sst s7  }
0x10: {  	[smem:$0x3FAE] =	sst s8  }
0x11: {  	[smem:$0x3FAF] =	sst s9;
	s0 =	simm.s32 @!p0 $0x0  }
0x12: {  	s1 =	sld [smem:$0x3F95];
	s0 =	simm.s32 @p0 $0x1  }
0x13: {  	[smem:$0x3FB0] =	sst s0;
	s0 =	simm.s32 @!p1 $0x0  }
0x14: {  	s2 =	sld [smem:$0x3F94];
	s0 =	simm.s32 @p1 $0x1  }
0x15: {  	[smem:$0x3FB1] =	sst s0;
	s0 =	simm.s32 @!p2 $0x0  }
0x16: {  	s3 =	sld [smem:$0x3FDB];
	s0 =	simm.s32 @p2 $0x1  }
0x17: {  	s4 =	simm.s32 $0x1BF5;
	[smem:$0x3FB3] =	sst s0  }
0x18: {  	s0 =	sld [smem:$0x3F96];
	_ =	swait.ge [sflag:s4], $0x0  }
0x19: {  	s7 =	sld [smem:$0x3F97]  }
0x1a: {  	s8 =	sadd.s32 $0xFFFFE003, lr  }
0x1b: {  	s9 =	sadd.s32 $0xFFFFFEF7, lr;
	s5 =	simm.s32 $0xFFFFFFFF;
	p2 =	slt.u32 s8, $0xFFFFF086  }
0x1c: {  	p1 =	slt.u32 s9, $0xF7A;
	s5 =	simm.s32 @!p2 $0x0  }
0x1d: {  	s5 =	simm.s32 @p1 $0x1;
	p0 =	seq.s32 s7, s2  }
0x1e: {  	s7 =	smul.u32 @!p0 $0xF7A, s2;
	p2 =	seq.s32 @!p0 s5, $0x0  }
0x1f: {  	s9 =	smul.u32 $0xF7A, s1;
	s8 =	simm.s32 @!p0 $0x1BF5;
	p2 =	por !p2, p0  }
0x20: {  	[sflag:s8] =	ssyncset.s32 @!p0 $0xFFFFF086;
	s6 =	sadd.s32 @!p0 s3, s7;
	s7 =	simm.s32 @!p0 $0x108  }
0x21: {  	s3 =	sadd.s32 s3, s9;
	s6 =	sadd.s32 @!p0 $0x88, s6;
	s7 =	simm.s32 @p2 $0x1082  }
0x22: {  	[simem:s7], [sflag:s8] =	dma.local @!p0 [hbm:s6], $0xF7A  }
0x23: {  	s9 =	sor.u32 $0xD0000000, s2;
	s6 =	simm.s32 $0x108;
	_ =	swait.ge @!p0 [sflag:s8], $0x0  }
0x24: {  	s3 =	sadd.s32 $0x88, s3;
	s6 =	simm.s32 @!p1 $0x1082;
	[sflag:s4] =	ssyncset.s32 $0xFFFFF086  }
0x25: {  	[simem:s6], [sflag:s4] =	dma.local [hbm:s3], $0xF7A  }
0x26: {  	[smem:$0x3F97] =	sst s1;
	(tag) =	ssettag s2;
	_ =	strace s9  }
0x27: {  	s1 =	sld [smem:$0x3FA7]  }
0x28: {  	s2 =	sld [smem:$0x3FA8]  }
0x29: {  	s4 =	sld [smem:$0x3FAA]  }
0x2a: {  	p0 =	seq.s32 s5, $0x0;
	s5 =	sld [smem:$0x3FAB]  }
0x2b: {  	s6 =	sld [smem:$0x3FAC]  }
0x2c: {  	s7 =	sld [smem:$0x3FAD]  }
0x2d: {  	s3 =	simm.s32 $0x108;
	s8 =	sld [smem:$0x3FAE]  }
0x2e: {  	s3 =	simm.s32 @!p0 $0x1082;
	s9 =	sld [smem:$0x3FAF]  }
0x2f: {  	lr =	sadd.s32 s0, s3;
	s0 =	sld [smem:$0x3FA6]  }
0x30: {  	s3 =	sld [smem:$0x3FA9]  }
0x31: {  	[smem:$0x3FB2] =	sst s10  }
0x32: {  	s10 =	sld [smem:$0x3FB0];
	_ =	sdelay $0x3  }
0x33: {  	p0 =	seq.s32 s10, $0x1;
	s10 =	sld [smem:$0x3FB2];
	_ =	sdelay $0x3  }
0x34: {  	[smem:$0x3FB2] =	sst s10  }
0x35: {  	s10 =	sld [smem:$0x3FB1];
	_ =	sdelay $0x3  }
0x36: {  	p1 =	seq.s32 s10, $0x1;
	s10 =	sld [smem:$0x3FB2];
	_ =	sdelay $0x3  }
0x37: {  	[smem:$0x3FB2] =	sst s10  }
0x38: {  	s10 =	sld [smem:$0x3FB3]  }
0x39: {  	_ = 	snop;
	(pc) =	sbr.ind lr, $3  }
0x3a: {  	_ = 	snop  }
0x3b: {  	_ = 	snop  }
0x3c: {  	p2 =	seq.s32 s10, $0x1;
	s10 =	sld [smem:$0x3FB2]  }
0x3d: {  	_ =	shalt  }
0x3e: {  	_ =	shalt  }
0x3f: {  	_ =	shalt  }
0x40: {  	_ =	shalt  }
0x41: {  	_ =	shalt  }
0x42: {  	_ =	shalt  }
0x43: {  	_ =	shalt  }
0x44: {  	_ =	shalt  }
0x45: {  	_ =	shalt  }
0x46: {  	_ =	shalt  }
0x47: {  	_ =	shalt  }
0x48: {  	_ =	shalt  }
0x49: {  	_ =	shalt  }
0x4a: {  	_ =	shalt  }
0x4b: {  	_ =	shalt  }
0x4c: {  	_ =	shalt  }
0x4d: {  	_ =	shalt  }
0x4e: {  	_ =	shalt  }
0x4f: {  	_ =	shalt  }
0x50: {  	_ =	shalt  }
0x51: {  	_ =	shalt  }
0x52: {  	_ =	shalt  }
0x53: {  	_ =	shalt  }
0x54: {  	_ =	shalt  }
0x55: {  	_ =	shalt  }
0x56: {  	_ =	shalt  }
0x57: {  	_ =	shalt  }
0x58: {  	_ =	shalt  }
0x59: {  	_ =	shalt  }
0x5a: {  	_ =	shalt  }
0x5b: {  	_ =	shalt  }
0x5c: {  	_ =	shalt  }
0x5d: {  	_ =	shalt  }
0x5e: {  	_ =	shalt  }
0x5f: {  	_ =	shalt  }
0x60: {  	_ =	shalt  }
0x61: {  	_ =	shalt  }
0x62: {  	_ =	shalt  }
0x63: {  	_ =	shalt  }
0x64: {  	_ =	shalt  }
0x65: {  	_ =	shalt  }
0x66: {  	_ =	shalt  }
0x67: {  	_ =	shalt  }
0x68: {  	_ =	shalt  }
0x69: {  	_ =	shalt  }
0x6a: {  	_ =	shalt  }
0x6b: {  	_ =	shalt  }
0x6c: {  	_ =	shalt  }
0x6d: {  	_ =	shalt  }
0x6e: {  	_ =	shalt  }
0x6f: {  	_ =	shalt  }
0x70: {  	_ =	shalt  }
0x71: {  	_ =	shalt  }
0x72: {  	_ =	shalt  }
0x73: {  	_ =	shalt  }
0x74: {  	_ =	shalt  }
0x75: {  	_ =	shalt  }
0x76: {  	_ =	shalt  }
0x77: {  	_ =	shalt  }
0x78: {  	_ =	shalt  }
0x79: {  	_ =	shalt  }
0x7a: {  	_ =	shalt  }
0x7b: {  	_ =	shalt  }
0x7c: {  	_ =	shalt  }
0x7d: {  	_ =	shalt  }
0x7e: {  	_ =	shalt  }
0x7f: {  	_ =	shalt  }
0x80: {  	_ =	shalt  }
0x81: {  	_ =	shalt  }
0x82: {  	_ =	shalt  }
0x83: {  	_ =	shalt  }
0x84: {  	_ =	shalt  }
0x85: {  	_ =	shalt  }
0x86: {  	_ =	shalt  }
0x87: {  	_ =	shalt  }
.Lfunc_end0:
.L_simem_size_0:
called_computation.1_lowered:
.L_overlay_start_0:
0x88: {  	s2 =	sld [smem:$0x3FD9]  }
0x89: {  	s3 =	sld [smem:$0x3FFE];
	_ =	sdelay $0x1  }
0x8a: {  	s1 =	srdreg.scid  }
0x8b: {  	s0 =	sand.u32 $0x1, s1  }
0x8c: {  	s17 =	sshll.u32 s0, $0xA;
	s2 =	sadd.s32 s3, s2  }
0x8d: {  	s2 =	sadd.s32 s2, s17  }
0x8e: {  	[smem:$0x3FBE] =	sst s2  }
0x8f: {  	_ = 	snop  }
0x90: {  	s2 =	sld [smem:$0x3FD0];
	(tm) =	ssettm $0x1  }
0x91: {  	s18 =	sld [smem:$0x3FFB];
	_ =	sdelay $0x3  }
0x92: {  	_ =	strace s18  }
0x93: {  	s3 =	sld [smem:$0x3FFC];
	_ =	sdelay $0x3  }
0x94: {  	_ =	strace s3  }
0x95: {  	s3 =	sld [smem:$0x3FFD];
	_ =	sdelay $0x3  }
0x96: {  	_ =	strace s3  }
0x97: {  	_ =	strace $0x8FFFFFFF  }
0x98: {  	s19 =	sld [smem:$0x3FDB];
	_ =	sdelay $0x1  }
0x99: {  	s4 =	simm.s32 $_scs_section_size  }
0x9a: {  	s5 =	simm.s32 $_size__tile_overlayer_lowered;
	s6 =	simm.s32 $_tile_overlayer_lowered  }
0x9b: {  	s22 =	simm.s32 $0x1BFF;
	s21 =	sshll.u32 s6, $0x1;
	s3 =	sadd.s32 s4, s19  }
0x9c: {  	s7 =	simm.s32 $0x0;
	s20 =	sshll.u32 s5, $0x1;
	s5 =	sadd.s32 s21, s3  }
0x9d: {  	[timem:s7], [sflag:s22] =	dma.local [hbm:s5], s20  }
0x9e: {  	_ =	swait.ge [sflag:s22], s20  }
0x9f: {  	s4 =	ssub.s32 $0x0, s20;
	[sflag:s22] =	ssyncset.done $0x0  }
0xa0: {  	[sflag:s22] =	ssyncadd.s32 s4;
	_ =	sdelay $0x1  }
0xa1: {  	s23 =	simm.s32 $0x1B8B  }
0xa2: {  	_ =	swait.ge [sflag:s23], $0x1  }
0xa3: {  	[sflag:s23] =	ssyncset.done $0x0  }
0xa4: {  	s25 =	simm.s32 $0x1B8E;
	s24 =	sld [smem:$0x3FFE];
	[sflag:s23] =	ssyncadd.s32 $0xFFFFFFFF  }
0xa5: {  	s26 =	simm.s32 $execute0_lowered;
	[smem:$0x3FD2] =	sst s25  }
0xa6: {  	s5 =	sshll.u32 s26, $0x1;
	_ =	strace $0x80000049;
	[dreg:$0x1] =	wrdreg $0xFFFFFFFF  }
0xa7: {  	s28 =	simm.s32 $_size_execute0_lowered;
	s3 =	sadd.s32 s3, s5;
	[dreg:$0x0] =	wrdreg $0x0  }
0xa8: {  	s5 =	sshll.u32 s28, $0x1;
	[dreg:$0x2] =	wrdreg s3  }
0xa9: {  	[dreg:$0x3] =	wrdreg s5  }
0xaa: {  	[dreg:$0x4] =	wrdreg $0xC0  }
0xab: {  	_ =	task [dreg:s7], $0x5FFFF  }
0xac: {  	[dreg:$0x1] =	wrdreg $0xFFFFFFFF  }
0xad: {  	[dreg:$0x0] =	wrdreg $0x60  }
0xae: {  	[dreg:$0x2] =	wrdreg s24  }
0xaf: {  	[dreg:$0x3] =	wrdreg s2  }
0xb0: {  	[dreg:$0x4] =	wrdreg $0x9E200  }
0xb1: {  	[dreg:$0x5] =	wrdreg $0x9  }
0xb2: {  	_ =	task.clear_ibuf [dreg:s7], $0x6FFFF;
	_ =	strace $0x90000049  }
0xb3: {  	s29 =	simm.s32 $0x9;
	_ =	strace $0x8000004B  }
0xb4: {  	_ =	swait.ge [sflag:s29], $0x1  }
0xb5: {  	[sflag:s29] =	ssyncadd.s32 $0xFFFFFFFF  }
0xb6: {  	_ =	strace $0x9000004B  }
0xb7: {  	_ =	sfence  }
0xb8: {  	s30 =	sld [smem:$0x0];
	_ =	sdelay $0x2  }
0xb9: {  	s31 =	sshll.u32 s1, $0xD;
	s1 =	sshrl.u32 s1, $0x2  }
0xba: {  	s3 =	sand.u32 $0x4000, s31;
	s1 =	sadd.s32 s1, s30  }
0xbb: {  	s0 =	sor.u32 s3, s0;
	s1 =	sshll.u32 s1, $0x11  }
0xbc: {  	s0 =	sor.u32 s1, s0  }
0xbd: {  	s0 =	sadd.s32 $0x8F2B, s0  }
0xbe: {  	[sflag:s0] =	ssyncadd.remote.s32 $0x1  }
0xbf: {  	_ =	sfence.sel $0xFFFF  }
0xc0: {  	[dreg:$0x0] =	wrdreg $0xFFFFFFFF;
	(pc) =	sbr.abs _section_cstart, $3  }
0xc1: {  	[dreg:$0x1] =	wrdreg $0xFFFFFFFF  }
0xc2: {  	_ =	task.clear_ibuf [dreg:s7], $0x2FFFF;
	_ =	strace $0x9FFFFFFF  }
0xc3: {  	(tm) =	ssettm $0x7FFFFFFF  }
tec
execute0_lowered:
.L_overlay_start_1:
0x0: {  	(tag) =	ssettag $0x1  }
0x1: {  	s6 =	rddreg [dreg:$0x0]  }
0x2: {  	s0 =	rddreg [dreg:$0x1]  }
0x3: {  	s1 =	srdreg.scid;
	s10 =	stileid.u32  }
0x4: {  	s2 =	rddreg [dreg:$0x2];
	s3 =	simm.s32 $0x0;
	s12 =	simm.s32 $0x2800  }
0x5: {  	s13 =	simm.s32 $0x7D;
	s14 =	simm.s32 $0x5000;
	s15 =	simm.s32 $0x6F40  }
0x6: {  	s16 =	simm.s32 $0x5FA0;
	s17 =	simm.s32 $0x7710;
	s18 =	simm.s32 $0x1  }
0x7: {  	s19 =	simm.s32 $0x7EE0;
	s20 =	simm.s32 $0x2;
	s21 =	simm.s32 $0x8E80  }
0x8: {  	s22 =	simm.s32 $0x3;
	s23 =	simm.s32 $0x4;
	s24 =	simm.s32 $0x0  }
0x9: {  	s5 =	sand.u32 $0x1, s1;
	s4 =	sshll.u32 s10, $0x1;
	[smem:$0x7FF] =	sst s3  }
0xa: {  	p0 =	sne.s32 s10, $0x0;
	s4 =	sor.u32 s5, s4;
	s7 =	smul.u32 $0x9C40, s5  }
0xb: {  	_ =	strace $0x8000004A;
	s9 =	ssub.s32 $0x2, s5;
	s4 =	smul.u32 $0x500, s4  }
0xc: {  	s5 =	sadd.s32 $0xB400, s6;
	s10 =	sshrl.u32 @!p0 s2, $0x3;
	s31 =	sshrl.u32 s9, $0x1  }
0xd: {  	s11 =	sadd.s32 s7, s6;
	s9 =	ssub.s32 s9, s31;
	s8 =	sadd.s32 s4, s6  }
0xe: {  	s4 =	sadd.s32 $0x1600, s6;
	s9 =	smax.u32 s9, $0x1;
	s6 =	sadd.s32 $0x4B000, s8  }
0xf: {  	s7 =	sadd.s32 $0x41000, s8;
	s8 =	sadd.s32 $0x15200, s11;
	s11 =	simm.s32 $0x5  }
.LBB2_1:
0x10: {  	s25 =	simm.s32 @!p0 $0x1C05  }
0x11: {  	[spmem:s10], [sflag:s25] =	dma.local @!p0 [hbm:s5], $0x9C40  }
0x12: {  	s25 =	simm.s32 @!p0 $0x5  }
0x13: {  	_ =	swait.ge @!p0 [sflag:s25], $0x9C40  }
0x14: {  	[sflag:s25] =	ssyncset.done @!p0 $0x0  }
0x15: {  	[sflag:s25] =	ssyncadd.s32 @!p0 $0xFFFF63C0  }
0x16: {  	[bflag:$0x0] =	sbarrier.arrive $0xFFFF  }
0x17: {  	[tilespmem:s3], [sflag:$0x5] =	stream.linear.gather [hbm4b:s6+s3], $0x2800, $0x38;
	[tilespmem:$0xEC40] =	vst v63  }
0x18: {  	_ =	swait.ge [sflag:s11], $0x2800  }
0x19: {  	[sflag:s11] =	ssyncset.done $0x0  }
0x1a: {  	[sflag:s11] =	ssyncadd.s32 $0xFFFFD800  }
0x1b: {  	[tilespmem:s12], [sflag:$0x5] =	stream.linear.gather [hbm4b:s7+s3], $0x2800, $0x38;
	[tilespmem:$0xEC40] =	vst v63  }
0x1c: {  	_ =	swait.ge [sflag:s11], $0x2800  }
0x1d: {  	[sflag:s11] =	ssyncset.done $0x0  }
0x1e: {  	[sflag:s11] =	ssyncadd.s32 $0xFFFFD800  }
0x1f: {  	[tilespmem:s14], [sflag:$0x1] =	stream.indirect.gather [hbm4b:s4+s13], $0x20, s3, s13, $0xb8;
	[tilespmem:$0xEC40] =	vst v63  }
0x20: {  	s25 =	simm.s32 $0x0  }
0x21: {  	[tilespmem:s15], [sflag:$0x1] =	stream.indirect.gather [hbm4b:s0+s13], $0x10, s12, s13, $0xb8;
	[tilespmem:$0xEC40] =	vst v63  }
.LBB2_2:
0x22: {  	s28 =	sshll.u32 s25, $0x8  }
0x23: {  	s26 =	sor.u32 $0x80, s28  }
0x24: {  	[tilespmem:s16], [sflag:$0x2] =	stream.indirect.gather [hbm4b:s4+s13], $0x20, s26, s13, $0xb8;
	[tilespmem:$0xEC40] =	vst v63  }
0x25: {  	s26 =	sadd.s32 $0x2880, s28  }
0x26: {  	[tilespmem:s17], [sflag:$0x2] =	stream.indirect.gather [hbm4b:s0+s13], $0x10, s26, s13, $0xb8;
	[tilespmem:$0xEC40] =	vst v63  }
0x27: {  	_ =	swait.ge [sflag:s18], $0xFA0  }
0x28: {  	[sflag:s18] =	ssyncset.done $0x0  }
0x29: {  	[sflag:s18] =	ssyncadd.s32 $0xFFFFF060  }
0x2a: {  	_ =	swait.ge [sflag:s18], $0x7D0  }
0x2b: {  	p1 =	seq.s32 s25, $0x0;
	[sflag:s18] =	ssyncset.done $0x0  }
0x2c: {  	s29 =	simm.s32 @!p1 $0x3;
	[sflag:s18] =	ssyncadd.s32 $0xFFFFF830  }
0x2d: {  	_ =	swait.ge @!p1 [sflag:s29], $0xFA0  }
0x2e: {  	[sflag:s29] =	ssyncset.done @!p1 $0x0  }
0x2f: {  	[sflag:s29] =	ssyncadd.s32 @!p1 $0xFFFFF060;
	s29 =	simm.s32 $0x0  }
0x30: {  	s30 =	simm.s32 $0x6F60;
	s31 =	simm.s32 $0x280;
	v0 =	vld [tilespmem:s29+$0x5000]  }
.LBB2_3:
0x31: {  	p2 =	sne.s32 s31, $0x3C00;
	v1 =	vld [tilespmem:s30+$0xFFFFFFE0];
	_ =	sdelay $0x4  }
0x32: {  	v0 =	vadd.f32 v1, v0;
	_ =	sdelay $0x1  }
0x33: {  	v1 =	vmul.f32 $2.000000030e-01, v0;
	_ =	sdelay $0x1  }
0x34: {  	v0 =	vmax.f32 v0, v1  }
0x35: {  	v0 =	vmul.f32 $1.442695020e+00, v0;
	_ =	sdelay $0x1  }
0x36: {  	(erf) = vpow2.f32 v0;
	_ =	sdelay $0x4  }
0x37: {  	v0 =	vld [tilespmem:s29+$0x5010];
	_ =	sdelay $0x3  }
0x38: {  	v1 =	vpop (erf)  }
0x39: {  	[tilespmem:s29+$0x7EE0] =	vst v1;
	v0 =	vmul.f32 v1, v0;
	_ =	sdelay $0x1  }
0x3a: {  	[tilespmem:s29+$0x7EF0] =	vst v0;
	v0 =	vld [tilespmem:s29+$0x5020]  }
0x3b: {  	v1 =	vld [tilespmem:s30+$0xFFFFFFF0];
	_ =	sdelay $0x4  }
0x3c: {  	v0 =	vadd.f32 v1, v0;
	_ =	sdelay $0x1  }
0x3d: {  	v1 =	vmul.f32 $2.000000030e-01, v0;
	_ =	sdelay $0x1  }
0x3e: {  	v0 =	vmax.f32 v0, v1  }
0x3f: {  	v0 =	vmul.f32 $1.442695020e+00, v0;
	_ =	sdelay $0x1  }
0x40: {  	(erf) = vpow2.f32 v0;
	_ =	sdelay $0x4  }
0x41: {  	v0 =	vld [tilespmem:s29+$0x5030];
	_ =	sdelay $0x3  }
0x42: {  	v1 =	vpop (erf)  }
0x43: {  	[tilespmem:s29+$0x7F00] =	vst v1;
	v0 =	vmul.f32 v1, v0;
	_ =	sdelay $0x1  }
0x44: {  	[tilespmem:s29+$0x7F10] =	vst v0;
	v0 =	vld [tilespmem:s29+$0x5040]  }
0x45: {  	v1 =	vld [tilespmem:s30+$0x0];
	_ =	sdelay $0x4  }
0x46: {  	v0 =	vadd.f32 v1, v0;
	_ =	sdelay $0x1  }
0x47: {  	v1 =	vmul.f32 $2.000000030e-01, v0;
	_ =	sdelay $0x1  }
0x48: {  	v0 =	vmax.f32 v0, v1  }
0x49: {  	v0 =	vmul.f32 $1.442695020e+00, v0;
	_ =	sdelay $0x1  }
0x4a: {  	(erf) = vpow2.f32 v0;
	_ =	sdelay $0x4  }
0x4b: {  	v0 =	vld [tilespmem:s29+$0x5050];
	_ =	sdelay $0x3  }
0x4c: {  	v1 =	vpop (erf)  }
0x4d: {  	v0 =	vmul.f32 v1, v0  }
0x4e: {  	[tilespmem:s29+$0x7F20] =	vst v1  }
0x4f: {  	[tilespmem:s29+$0x7F30] =	vst v0;
	v0 =	vld [tilespmem:s29+$0x5060]  }
0x50: {  	v1 =	vld [tilespmem:s30+$0x10];
	_ =	sdelay $0x4  }
0x51: {  	v0 =	vadd.f32 v1, v0;
	_ =	sdelay $0x1  }
0x52: {  	v1 =	vmul.f32 $2.000000030e-01, v0;
	_ =	sdelay $0x1  }
0x53: {  	v0 =	vmax.f32 v0, v1  }
0x54: {  	v0 =	vmul.f32 $1.442695020e+00, v0;
	_ =	sdelay $0x1  }
0x55: {  	(erf) = vpow2.f32 v0;
	_ =	sdelay $0x4  }
0x56: {  	v0 =	vld [tilespmem:s29+$0x5070];
	_ =	sdelay $0x3  }
0x57: {  	v1 =	vpop (erf)  }
0x58: {  	[tilespmem:s29+$0x7F40] =	vst v1;
	v0 =	vmul.f32 v1, v0;
	_ =	sdelay $0x1  }
0x59: {  	[tilespmem:s29+$0x7F50] =	vst v0;
	v0 =	vld [tilespmem:s29+$0x5080]  }
0x5a: {  	v1 =	vld [tilespmem:s30+$0x20];
	_ =	sdelay $0x4  }
0x5b: {  	v0 =	vadd.f32 v1, v0;
	_ =	sdelay $0x1  }
0x5c: {  	v1 =	vmul.f32 $2.000000030e-01, v0;
	_ =	sdelay $0x1  }
0x5d: {  	v0 =	vmax.f32 v0, v1  }
0x5e: {  	v0 =	vmul.f32 $1.442695020e+00, v0;
	_ =	sdelay $0x1  }
0x5f: {  	(erf) = vpow2.f32 v0;
	_ =	sdelay $0x4  }
0x60: {  	v0 =	vld [tilespmem:s29+$0x5090];
	_ =	sdelay $0x2  }
.Ltmp0:
0x61: {  	(pc) =	sbr.rel @p2 .LBB2_3-.Ltmp0, $4  }
0x62: {  	v1 =	vpop (erf)  }
0x63: {  	[tilespmem:s29+$0x7F60] =	vst v1;
	v1 =	vmul.f32 v1, v0  }
0x64: {  	s1 =	sshra.s32 s31, $0x2  }
0x65: {  	s31 =	sadd.s32 $0x280, s31;
	s30 =	sadd.s32 $0x50, s30;
	v0 =	vld [tilespmem:s1+$0x5000];
	[tilespmem:s29+$0x7F70] =	vst v1;
	s29 =	smov.u32 s1  }
0x66: {  	v1 =	vld [tilespmem:s30+$0xFFFFFFE0];
	_ =	sdelay $0x4  }
0x67: {  	v0 =	vadd.f32 v1, v0;
	_ =	sdelay $0x1  }
0x68: {  	v1 =	vmul.f32 $2.000000030e-01, v0;
	_ =	sdelay $0x1  }
0x69: {  	v0 =	vmax.f32 v0, v1  }
0x6a: {  	v0 =	vmul.f32 $1.442695020e+00, v0;
	_ =	sdelay $0x1  }
0x6b: {  	(erf) = vpow2.f32 v0;
	_ =	sdelay $0x4  }
0x6c: {  	v0 =	vld [tilespmem:s29+$0x5010];
	_ =	sdelay $0x3  }
0x6d: {  	v1 =	vpop (erf)  }
0x6e: {  	v0 =	vmul.f32 v1, v0  }
0x6f: {  	[tilespmem:s29+$0x7EE0] =	vst v1  }
0x70: {  	[tilespmem:s29+$0x7EF0] =	vst v0;
	v0 =	vld [tilespmem:s29+$0x5020]  }
0x71: {  	v1 =	vld [tilespmem:s30+$0xFFFFFFF0];
	_ =	sdelay $0x4  }
0x72: {  	v0 =	vadd.f32 v1, v0;
	_ =	sdelay $0x1  }
0x73: {  	v1 =	vmul.f32 $2.000000030e-01, v0;
	_ =	sdelay $0x1  }
0x74: {  	v0 =	vmax.f32 v0, v1  }
0x75: {  	v0 =	vmul.f32 $1.442695020e+00, v0;
	_ =	sdelay $0x1  }
0x76: {  	(erf) = vpow2.f32 v0;
	_ =	sdelay $0x4  }
0x77: {  	v0 =	vld [tilespmem:s29+$0x5030];
	_ =	sdelay $0x3  }
0x78: {  	v1 =	vpop (erf)  }
0x79: {  	v0 =	vmul.f32 v1, v0  }
0x7a: {  	[tilespmem:s29+$0x7F00] =	vst v1  }
0x7b: {  	[tilespmem:s29+$0x7F10] =	vst v0;
	v0 =	vld [tilespmem:s29+$0x5040]  }
0x7c: {  	v1 =	vld [tilespmem:s30+$0x0];
	_ =	sdelay $0x4  }
0x7d: {  	v0 =	vadd.f32 v1, v0;
	_ =	sdelay $0x1  }
0x7e: {  	v1 =	vmul.f32 $2.000000030e-01, v0;
	_ =	sdelay $0x1  }
0x7f: {  	v0 =	vmax.f32 v0, v1  }
0x80: {  	v0 =	vmul.f32 $1.442695020e+00, v0;
	_ =	sdelay $0x1  }
0x81: {  	(erf) = vpow2.f32 v0;
	_ =	sdelay $0x4  }
0x82: {  	v0 =	vld [tilespmem:s29+$0x5050];
	_ =	sdelay $0x3  }
0x83: {  	v1 =	vpop (erf)  }
0x84: {  	v0 =	vmul.f32 v1, v0  }
0x85: {  	[tilespmem:s29+$0x7F20] =	vst v1  }
0x86: {  	[tilespmem:s29+$0x7F30] =	vst v0;
	v0 =	vld [tilespmem:s29+$0x5060]  }
0x87: {  	v1 =	vld [tilespmem:s30+$0x10];
	_ =	sdelay $0x4  }
0x88: {  	v0 =	vadd.f32 v1, v0;
	_ =	sdelay $0x1  }
0x89: {  	v1 =	vmul.f32 $2.000000030e-01, v0;
	_ =	sdelay $0x1  }
0x8a: {  	v0 =	vmax.f32 v0, v1  }
0x8b: {  	v0 =	vmul.f32 $1.442695020e+00, v0;
	_ =	sdelay $0x1  }
0x8c: {  	(erf) = vpow2.f32 v0;
	_ =	sdelay $0x4  }
0x8d: {  	v0 =	vld [tilespmem:s29+$0x5070];
	_ =	sdelay $0x3  }
0x8e: {  	v1 =	vpop (erf)  }
0x8f: {  	v0 =	vmul.f32 v1, v0  }
0x90: {  	[tilespmem:s29+$0x7F40] =	vst v1  }
0x91: {  	[tilespmem:s29+$0x7F50] =	vst v0;
	v0 =	vld [tilespmem:s29+$0x5080]  }
0x92: {  	v1 =	vld [tilespmem:s30+$0x20];
	_ =	sdelay $0x4  }
0x93: {  	v0 =	vadd.f32 v1, v0;
	_ =	sdelay $0x1  }
0x94: {  	v1 =	vmul.f32 $2.000000030e-01, v0;
	_ =	sdelay $0x1  }
0x95: {  	v0 =	vmax.f32 v0, v1  }
0x96: {  	v0 =	vmul.f32 $1.442695020e+00, v0;
	_ =	sdelay $0x1  }
0x97: {  	(erf) = vpow2.f32 v0;
	_ =	sdelay $0x4  }
0x98: {  	v0 =	vld [tilespmem:s29+$0x5090];
	_ =	sdelay $0x3  }
0x99: {  	v1 =	vpop (erf)  }
0x9a: {  	v0 =	vmul.f32 v1, v0  }
0x9b: {  	s1 =	sand.u32 $0x3FFFFF00, s28;
	[tilespmem:s29+$0x7F60] =	vst v1  }
0x9c: {  	p2 =	seq.s32 s25, $0x27;
	s1 =	sadd.s32 $0x2800, s1;
	[tilespmem:s29+$0x7F70] =	vst v0  }
0x9d: {  	[spmem:s2] =	stream.indirect.scatter.add.f32 [tilespmem:s19], [sflag:$0x3], $0x20, s1, s13, $0xb8;
	[tilespmem:$0xEC40] =	vst v63  }
0x9e: {  	s30 =	simm.s32 @!p2 $0x5000;
	s29 =	simm.s32 @!p2 $0x7D;
	s1 =	sadd.s32 @!p2 $0x100, s28  }
0x9f: {  	[tilespmem:s30], [sflag:$0x1] =	stream.indirect.gather @!p2 [hbm4b:s4+s29], $0x20, s1, s29, $0xb8;
	[tilespmem:$0xEC40] =	vst v63  }
0xa0: {  	s1 =	sadd.s32 @!p2 $0x2900, s28;
	s28 =	simm.s32 @!p2 $0x6F40  }
0xa1: {  	[tilespmem:s28], [sflag:$0x1] =	stream.indirect.gather @!p2 [hbm4b:s0+s29], $0x10, s1, s29, $0xb8;
	[tilespmem:$0xEC40] =	vst v63  }
0xa2: {  	_ =	swait.ge [sflag:s20], $0xFA0  }
0xa3: {  	[sflag:s20] =	ssyncset.done $0x0  }
0xa4: {  	[sflag:s20] =	ssyncadd.s32 $0xFFFFF060  }
0xa5: {  	_ =	swait.ge [sflag:s20], $0x7D0  }
0xa6: {  	[sflag:s20] =	ssyncset.done $0x0  }
0xa7: {  	s1 =	simm.s32 @!p1 $0x4;
	[sflag:s20] =	ssyncadd.s32 $0xFFFFF830  }
0xa8: {  	_ =	swait.ge @!p1 [sflag:s1], $0xFA0  }
0xa9: {  	[sflag:s1] =	ssyncset.done @!p1 $0x0  }
0xaa: {  	s28 =	simm.s32 $0x0;
	[sflag:s1] =	ssyncadd.s32 @!p1 $0xFFFFF060  }
0xab: {  	s30 =	simm.s32 $0x280;
	s29 =	simm.s32 $0x7750;
	v0 =	vld [tilespmem:s28+$0x5FA0]  }
.LBB2_5:
0xac: {  	p1 =	sne.s32 s30, $0x3C00;
	v1 =	vld [tilespmem:s29+$0xFFFFFFC0];
	_ =	sdelay $0x4  }
0xad: {  	v0 =	vadd.f32 v1, v0;
	_ =	sdelay $0x1  }
0xae: {  	v1 =	vmul.f32 $2.000000030e-01, v0;
	_ =	sdelay $0x1  }
0xaf: {  	v0 =	vmax.f32 v0, v1  }
0xb0: {  	v0 =	vmul.f32 $1.442695020e+00, v0;
	_ =	sdelay $0x1  }
0xb1: {  	(erf) = vpow2.f32 v0;
	_ =	sdelay $0x4  }
0xb2: {  	v0 =	vld [tilespmem:s28+$0x5FB0];
	_ =	sdelay $0x3  }
0xb3: {  	v1 =	vpop (erf)  }
0xb4: {  	[tilespmem:s28+$0x8E80] =	vst v1;
	v0 =	vmul.f32 v1, v0;
	_ =	sdelay $0x1  }
0xb5: {  	[tilespmem:s28+$0x8E90] =	vst v0;
	v0 =	vld [tilespmem:s28+$0x5FC0]  }
0xb6: {  	v1 =	vld [tilespmem:s29+$0xFFFFFFD0];
	_ =	sdelay $0x4  }
0xb7: {  	v0 =	vadd.f32 v1, v0;
	_ =	sdelay $0x1  }
0xb8: {  	v1 =	vmul.f32 $2.000000030e-01, v0;
	_ =	sdelay $0x1  }
0xb9: {  	v0 =	vmax.f32 v0, v1  }
0xba: {  	v0 =	vmul.f32 $1.442695020e+00, v0;
	_ =	sdelay $0x1  }
0xbb: {  	(erf) = vpow2.f32 v0;
	_ =	sdelay $0x4  }
0xbc: {  	v0 =	vld [tilespmem:s28+$0x5FD0];
	_ =	sdelay $0x3  }
0xbd: {  	v1 =	vpop (erf)  }
0xbe: {  	[tilespmem:s28+$0x8EA0] =	vst v1;
	v0 =	vmul.f32 v1, v0;
	_ =	sdelay $0x1  }
0xbf: {  	[tilespmem:s28+$0x8EB0] =	vst v0;
	v0 =	vld [tilespmem:s28+$0x5FE0]  }
0xc0: {  	v1 =	vld [tilespmem:s29+$0xFFFFFFE0];
	_ =	sdelay $0x4  }
0xc1: {  	v0 =	vadd.f32 v1, v0;
	_ =	sdelay $0x1  }
0xc2: {  	v1 =	vmul.f32 $2.000000030e-01, v0;
	_ =	sdelay $0x1  }
0xc3: {  	v0 =	vmax.f32 v0, v1  }
0xc4: {  	v0 =	vmul.f32 $1.442695020e+00, v0;
	_ =	sdelay $0x1  }
0xc5: {  	(erf) = vpow2.f32 v0;
	_ =	sdelay $0x4  }
0xc6: {  	v0 =	vld [tilespmem:s28+$0x5FF0];
	_ =	sdelay $0x3  }
0xc7: {  	v1 =	vpop (erf)  }
0xc8: {  	v0 =	vmul.f32 v1, v0  }
0xc9: {  	[tilespmem:s28+$0x8EC0] =	vst v1  }
0xca: {  	[tilespmem:s28+$0x8ED0] =	vst v0;
	v0 =	vld [tilespmem:s28+$0x6000]  }
0xcb: {  	v1 =	vld [tilespmem:s29+$0xFFFFFFF0];
	_ =	sdelay $0x4  }
0xcc: {  	v0 =	vadd.f32 v1, v0;
	_ =	sdelay $0x1  }
0xcd: {  	v1 =	vmul.f32 $2.000000030e-01, v0;
	_ =	sdelay $0x1  }
0xce: {  	v0 =	vmax.f32 v0, v1  }
0xcf: {  	v0 =	vmul.f32 $1.442695020e+00, v0;
	_ =	sdelay $0x1  }
0xd0: {  	(erf) = vpow2.f32 v0;
	_ =	sdelay $0x4  }
0xd1: {  	v0 =	vld [tilespmem:s28+$0x6010];
	_ =	sdelay $0x3  }
0xd2: {  	v1 =	vpop (erf)  }
0xd3: {  	[tilespmem:s28+$0x8EE0] =	vst v1;
	v0 =	vmul.f32 v1, v0;
	_ =	sdelay $0x1  }
0xd4: {  	[tilespmem:s28+$0x8EF0] =	vst v0;
	v0 =	vld [tilespmem:s28+$0x6020]  }
0xd5: {  	v1 =	vld [tilespmem:s29+$0x0];
	_ =	sdelay $0x4  }
0xd6: {  	v0 =	vadd.f32 v1, v0;
	_ =	sdelay $0x1  }
0xd7: {  	v1 =	vmul.f32 $2.000000030e-01, v0;
	_ =	sdelay $0x1  }
0xd8: {  	v0 =	vmax.f32 v0, v1  }
0xd9: {  	v0 =	vmul.f32 $1.442695020e+00, v0;
	_ =	sdelay $0x1  }
0xda: {  	(erf) = vpow2.f32 v0;
	_ =	sdelay $0x4  }
0xdb: {  	v0 =	vld [tilespmem:s28+$0x6030];
	_ =	sdelay $0x2  }
.Ltmp1:
0xdc: {  	(pc) =	sbr.rel @p1 .LBB2_5-.Ltmp1, $4  }
0xdd: {  	v1 =	vpop (erf)  }
0xde: {  	[tilespmem:s28+$0x8F00] =	vst v1;
	v1 =	vmul.f32 v1, v0  }
0xdf: {  	s1 =	sshra.s32 s30, $0x2  }
0xe0: {  	s30 =	sadd.s32 $0x280, s30;
	s29 =	sadd.s32 $0x50, s29;
	v0 =	vld [tilespmem:s1+$0x5FA0];
	[tilespmem:s28+$0x8F10] =	vst v1;
	s28 =	smov.u32 s1  }
0xe1: {  	v1 =	vld [tilespmem:s29+$0xFFFFFFC0];
	_ =	sdelay $0x4  }
0xe2: {  	v0 =	vadd.f32 v1, v0;
	_ =	sdelay $0x1  }
0xe3: {  	v1 =	vmul.f32 $2.000000030e-01, v0;
	_ =	sdelay $0x1  }
0xe4: {  	v0 =	vmax.f32 v0, v1  }
0xe5: {  	v0 =	vmul.f32 $1.442695020e+00, v0;
	_ =	sdelay $0x1  }
0xe6: {  	(erf) = vpow2.f32 v0;
	_ =	sdelay $0x4  }
0xe7: {  	v50 =	vld [tilespmem:s28+$0x5FB0];
	_ =	sdelay $0x3  }
0xe8: {  	v51 =	vpop (erf)  }
0xe9: {  	v0 =	vmul.f32 v51, v50  }
0xea: {  	[tilespmem:s28+$0x8E80] =	vst v51  }
0xeb: {  	v52 =	vld [tilespmem:s28+$0x5FC0];
	[tilespmem:s28+$0x8E90] =	vst v0  }
0xec: {  	v1 =	vld [tilespmem:s29+$0xFFFFFFD0];
	_ =	sdelay $0x4  }
0xed: {  	v0 =	vadd.f32 v1, v52;
	_ =	sdelay $0x1  }
0xee: {  	v1 =	vmul.f32 $2.000000030e-01, v0;
	_ =	sdelay $0x1  }
0xef: {  	v0 =	vmax.f32 v0, v1  }
0xf0: {  	v0 =	vmul.f32 $1.442695020e+00, v0;
	_ =	sdelay $0x1  }
0xf1: {  	(erf) = vpow2.f32 v0;
	_ =	sdelay $0x4  }
0xf2: {  	v53 =	vld [tilespmem:s28+$0x5FD0];
	_ =	sdelay $0x3  }
0xf3: {  	v54 =	vpop (erf)  }
0xf4: {  	v0 =	vmul.f32 v54, v53  }
0xf5: {  	[tilespmem:s28+$0x8EA0] =	vst v54  }
0xf6: {  	v55 =	vld [tilespmem:s28+$0x5FE0];
	[tilespmem:s28+$0x8EB0] =	vst v0  }
0xf7: {  	v1 =	vld [tilespmem:s29+$0xFFFFFFE0];
	_ =	sdelay $0x4  }
0xf8: {  	v0 =	vadd.f32 v1, v55;
	_ =	sdelay $0x1  }
0xf9: {  	v1 =	vmul.f32 $2.000000030e-01, v0;
	_ =	sdelay $0x1  }
0xfa: {  	v0 =	vmax.f32 v0, v1  }
0xfb: {  	v0 =	vmul.f32 $1.442695020e+00, v0;
	_ =	sdelay $0x1  }
0xfc: {  	(erf) = vpow2.f32 v0;
	_ =	sdelay $0x4  }
0xfd: {  	v56 =	vld [tilespmem:s28+$0x5FF0];
	_ =	sdelay $0x3  }
0xfe: {  	v57 =	vpop (erf)  }
0xff: {  	v0 =	vmul.f32 v57, v56  }
0x100: {  	[tilespmem:s28+$0x8EC0] =	vst v57  }
0x101: {  	v58 =	vld [tilespmem:s28+$0x6000];
	[tilespmem:s28+$0x8ED0] =	vst v0  }
0x102: {  	v1 =	vld [tilespmem:s29+$0xFFFFFFF0];
	_ =	sdelay $0x4  }
0x103: {  	v0 =	vadd.f32 v1, v58;
	_ =	sdelay $0x1  }
0x104: {  	v1 =	vmul.f32 $2.000000030e-01, v0;
	_ =	sdelay $0x1  }
0x105: {  	v0 =	vmax.f32 v0, v1  }
0x106: {  	v0 =	vmul.f32 $1.442695020e+00, v0;
	_ =	sdelay $0x1  }
0x107: {  	(erf) = vpow2.f32 v0;
	_ =	sdelay $0x4  }
0x108: {  	v59 =	vld [tilespmem:s28+$0x6010];
	_ =	sdelay $0x3  }
0x109: {  	v60 =	vpop (erf)  }
0x10a: {  	v0 =	vmul.f32 v60, v59  }
0x10b: {  	[tilespmem:s28+$0x8EE0] =	vst v60  }
0x10c: {  	v61 =	vld [tilespmem:s28+$0x6020];
	[tilespmem:s28+$0x8EF0] =	vst v0  }
0x10d: {  	v1 =	vld [tilespmem:s29+$0x0];
	_ =	sdelay $0x4  }
0x10e: {  	v0 =	vadd.f32 v1, v61;
	_ =	sdelay $0x1  }
0x10f: {  	v1 =	vmul.f32 $2.000000030e-01, v0;
	_ =	sdelay $0x1  }
0x110: {  	v0 =	vmax.f32 v0, v1  }
0x111: {  	v0 =	vmul.f32 $1.442695020e+00, v0;
	_ =	sdelay $0x1  }
0x112: {  	(erf) = vpow2.f32 v0;
	_ =	sdelay $0x4  }
0x113: {  	v62 =	vld [tilespmem:s28+$0x6030];
	_ =	sdelay $0x1  }
0x114: {  	s25 =	sadd.s32 $0x1, s25  }
0x115: {  	p1 =	sne.s32 s25, $0x28  }
.Ltmp2:
0x116: {  	v63 =	vpop (erf);
	(pc) =	sbr.rel @p1 .LBB2_2-.Ltmp2, $4  }
0x117: {  	v0 =	vmul.f32 v63, v62  }
0x118: {  	[tilespmem:s28+$0x8F00] =	vst v63  }
0x119: {  	[tilespmem:s28+$0x8F10] =	vst v0  }
0x11a: {  	[spmem:s2] =	stream.indirect.scatter.add.f32 [tilespmem:s21], [sflag:$0x4], $0x20, s26, s13, $0xb8;
	[tilespmem:$0xEC40] =	vst v63  }
0x11b: {  	_ =	swait.ge [sflag:s22], $0xFA0  }
0x11c: {  	[sflag:s22] =	ssyncset.done $0x0  }
0x11d: {  	[sflag:s22] =	ssyncadd.s32 $0xFFFFF060  }
0x11e: {  	_ =	swait.ge [sflag:s23], $0xFA0  }
0x11f: {  	[sflag:s23] =	ssyncset.done $0x0  }
0x120: {  	s24 =	sadd.s32 $0x1, s24;
	[sflag:s23] =	ssyncadd.s32 $0xFFFFF060  }
0x121: {  	s1 =	simm.s32 @!p0 $0x1C05;
	p1 =	sne.s32 s24, s9;
	[bflag:$0x0] =	sbarrier.arrive $0xFFFF  }
0x122: {  	[hbm:s8], [sflag:s1] =	dma.local @!p0 [spmem:s10], $0x9C40  }
.Ltmp3:
0x123: {  	_ = 	snop;
	(pc) =	sbr.rel @p1 .LBB2_1-.Ltmp3, $4  }
0x124: {  	s1 =	simm.s32 @!p0 $0x5  }
0x125: {  	_ =	swait.ge @!p0 [sflag:s1], $0x9C40  }
0x126: {  	[sflag:s1] =	ssyncset.done @!p0 $0x0  }
0x127: {  	[sflag:s1] =	ssyncadd.s32 @!p0 $0xFFFF63C0  }
0x128: {  	_ =	sfence.sel $0x180000  }
0x129: {  	[bflag:$0x0] =	sbarrier.arrive $0xFFFF  }
0x12a: {  	_ =	strace $0x9000004A  }
0x12b: {  	[bflag:$0x2] =	sbarrier.arrive $0xFFFF  }
0x12c: {  	s0 =	rddreg [dreg:$0x3]  }
0x12d: {  	s0 =	sadd.s32 @!p0 $0x100000, s0  }
0x12e: {  	[sflag:s0] =	ssyncadd.tile.s32 @!p0 $0x1;
	_ =	shalt  }
.Lfunc_end2:
_tile_overlayer_lowered:
.L_overlay_start_2:
0x12f: {  	(tag) =	ssettag $0x2  }
0x130: {  	s0 =	rddreg [dreg:$0x0];
	s2 =	stileid.u32  }
0x131: {  	s1 =	rddreg [dreg:$0x1];
	p0 =	sne.s32 s2, $0x0  }
0x132: {  	s3 =	rddreg [dreg:$0x2];
	[bflag:$0x3] =	sbarrier.arrive $0xFFFF;
	s2 =	simm.s32 @!p0 $0x1C05  }
0x133: {  	[timem:s3], [sflag:s2] =	dma.local @!p0 [hbm:s0], s1  }
0x134: {  	s0 =	simm.s32 @!p0 $0x5  }
0x135: {  	_ =	swait.ge @!p0 [sflag:s0], s1  }
0x136: {  	s1 =	ssub.s32 @!p0 $0x0, s1;
	[sflag:s0] =	ssyncset.done @!p0 $0x0  }
0x137: {  	[sflag:s0] =	ssyncadd.s32 @!p0 s1  }
0x138: {  	[bflag:$0x3] =	sbarrier.arrive $0xFFFF  }
0x139: {  	_ =	shalt  }

// kernel: kernel.7.cloned.1.call-start
scs
__scs_entry_jumppad:
0x0: {  	(pc) =	sbr.rel $0x88, $3  }
0x1: {  	(tag) =	ssettag $0x0;
	lr =	simm.s32 $0x1  }
0x2: {  	[smem:$0x3F97] =	sst lr;
	_ =	strace $0xD0000000  }
0x3: {  	_ = 	snop  }
0x4: {  	_ = 	snop  }
0x5: {  	_ = 	snop  }
0x6: {  	_ = 	snop  }
0x7: {  	_ = 	snop  }
__scs_overlays_trampoline_lowered:
0x8: {  	[smem:$0x3FA6] =	sst s0  }
0x9: {  	[smem:$0x3FA7] =	sst s1  }
0xa: {  	[smem:$0x3FA8] =	sst s2  }
0xb: {  	[smem:$0x3FA9] =	sst s3  }
0xc: {  	[smem:$0x3FAA] =	sst s4  }
0xd: {  	[smem:$0x3FAB] =	sst s5  }
0xe: {  	[smem:$0x3FAC] =	sst s6  }
0xf: {  	[smem:$0x3FAD] =	sst s7  }
0x10: {  	[smem:$0x3FAE] =	sst s8  }
0x11: {  	[smem:$0x3FAF] =	sst s9;
	s0 =	simm.s32 @!p0 $0x0  }
0x12: {  	s1 =	sld [smem:$0x3F95];
	s0 =	simm.s32 @p0 $0x1  }
0x13: {  	[smem:$0x3FB0] =	sst s0;
	s0 =	simm.s32 @!p1 $0x0  }
0x14: {  	s2 =	sld [smem:$0x3F94];
	s0 =	simm.s32 @p1 $0x1  }
0x15: {  	[smem:$0x3FB1] =	sst s0;
	s0 =	simm.s32 @!p2 $0x0  }
0x16: {  	s3 =	sld [smem:$0x3FDB];
	s0 =	simm.s32 @p2 $0x1  }
0x17: {  	s4 =	simm.s32 $0x1BF5;
	[smem:$0x3FB3] =	sst s0  }
0x18: {  	s0 =	sld [smem:$0x3F96];
	_ =	swait.ge [sflag:s4], $0x0  }
0x19: {  	s7 =	sld [smem:$0x3F97]  }
0x1a: {  	s8 =	sadd.s32 $0xFFFFE003, lr  }
0x1b: {  	s9 =	sadd.s32 $0xFFFFFEF7, lr;
	s5 =	simm.s32 $0xFFFFFFFF;
	p2 =	slt.u32 s8, $0xFFFFF086  }
0x1c: {  	p1 =	slt.u32 s9, $0xF7A;
	s5 =	simm.s32 @!p2 $0x0  }
0x1d: {  	s5 =	simm.s32 @p1 $0x1;
	p0 =	seq.s32 s7, s2  }
0x1e: {  	s7 =	smul.u32 @!p0 $0xF7A, s2;
	p2 =	seq.s32 @!p0 s5, $0x0  }
0x1f: {  	s9 =	smul.u32 $0xF7A, s1;
	s8 =	simm.s32 @!p0 $0x1BF5;
	p2 =	por !p2, p0  }
0x20: {  	[sflag:s8] =	ssyncset.s32 @!p0 $0xFFFFF086;
	s6 =	sadd.s32 @!p0 s3, s7;
	s7 =	simm.s32 @!p0 $0x108  }
0x21: {  	s3 =	sadd.s32 s3, s9;
	s6 =	sadd.s32 @!p0 $0x88, s6;
	s7 =	simm.s32 @p2 $0x1082  }
0x22: {  	[simem:s7], [sflag:s8] =	dma.local @!p0 [hbm:s6], $0xF7A  }
0x23: {  	s9 =	sor.u32 $0xD0000000, s2;
	s6 =	simm.s32 $0x108;
	_ =	swait.ge @!p0 [sflag:s8], $0x0  }
0x24: {  	s3 =	sadd.s32 $0x88, s3;
	s6 =	simm.s32 @!p1 $0x1082;
	[sflag:s4] =	ssyncset.s32 $0xFFFFF086  }
0x25: {  	[simem:s6], [sflag:s4] =	dma.local [hbm:s3], $0xF7A  }
0x26: {  	[smem:$0x3F97] =	sst s1;
	(tag) =	ssettag s2;
	_ =	strace s9  }
0x27: {  	s1 =	sld [smem:$0x3FA7]  }
0x28: {  	s2 =	sld [smem:$0x3FA8]  }
0x29: {  	s4 =	sld [smem:$0x3FAA]  }
0x2a: {  	p0 =	seq.s32 s5, $0x0;
	s5 =	sld [smem:$0x3FAB]  }
0x2b: {  	s6 =	sld [smem:$0x3FAC]  }
0x2c: {  	s7 =	sld [smem:$0x3FAD]  }
0x2d: {  	s3 =	simm.s32 $0x108;
	s8 =	sld [smem:$0x3FAE]  }
0x2e: {  	s3 =	simm.s32 @!p0 $0x1082;
	s9 =	sld [smem:$0x3FAF]  }
0x2f: {  	lr =	sadd.s32 s0, s3;
	s0 =	sld [smem:$0x3FA6]  }
0x30: {  	s3 =	sld [smem:$0x3FA9]  }
0x31: {  	[smem:$0x3FB2] =	sst s10  }
0x32: {  	s10 =	sld [smem:$0x3FB0];
	_ =	sdelay $0x3  }
0x33: {  	p0 =	seq.s32 s10, $0x1;
	s10 =	sld [smem:$0x3FB2];
	_ =	sdelay $0x3  }
0x34: {  	[smem:$0x3FB2] =	sst s10  }
0x35: {  	s10 =	sld [smem:$0x3FB1];
	_ =	sdelay $0x3  }
0x36: {  	p1 =	seq.s32 s10, $0x1;
	s10 =	sld [smem:$0x3FB2];
	_ =	sdelay $0x3  }
0x37: {  	[smem:$0x3FB2] =	sst s10  }
0x38: {  	s10 =	sld [smem:$0x3FB3]  }
0x39: {  	_ = 	snop;
	(pc) =	sbr.ind lr, $3  }
0x3a: {  	_ = 	snop  }
0x3b: {  	_ = 	snop  }
0x3c: {  	p2 =	seq.s32 s10, $0x1;
	s10 =	sld [smem:$0x3FB2]  }
0x3d: {  	_ =	shalt  }
0x3e: {  	_ =	shalt  }
0x3f: {  	_ =	shalt  }
0x40: {  	_ =	shalt  }
0x41: {  	_ =	shalt  }
0x42: {  	_ =	shalt  }
0x43: {  	_ =	shalt  }
0x44: {  	_ =	shalt  }
0x45: {  	_ =	shalt  }
0x46: {  	_ =	shalt  }
0x47: {  	_ =	shalt  }
0x48: {  	_ =	shalt  }
0x49: {  	_ =	shalt  }
0x4a: {  	_ =	shalt  }
0x4b: {  	_ =	shalt  }
0x4c: {  	_ =	shalt  }
0x4d: {  	_ =	shalt  }
0x4e: {  	_ =	shalt  }
0x4f: {  	_ =	shalt  }
0x50: {  	_ =	shalt  }
0x51: {  	_ =	shalt  }
0x52: {  	_ =	shalt  }
0x53: {  	_ =	shalt  }
0x54: {  	_ =	shalt  }
0x55: {  	_ =	shalt  }
0x56: {  	_ =	shalt  }
0x57: {  	_ =	shalt  }
0x58: {  	_ =	shalt  }
0x59: {  	_ =	shalt  }
0x5a: {  	_ =	shalt  }
0x5b: {  	_ =	shalt  }
0x5c: {  	_ =	shalt  }
0x5d: {  	_ =	shalt  }
0x5e: {  	_ =	shalt  }
0x5f: {  	_ =	shalt  }
0x60: {  	_ =	shalt  }
0x61: {  	_ =	shalt  }
0x62: {  	_ =	shalt  }
0x63: {  	_ =	shalt  }
0x64: {  	_ =	shalt  }
0x65: {  	_ =	shalt  }
0x66: {  	_ =	shalt  }
0x67: {  	_ =	shalt  }
0x68: {  	_ =	shalt  }
0x69: {  	_ =	shalt  }
0x6a: {  	_ =	shalt  }
0x6b: {  	_ =	shalt  }
0x6c: {  	_ =	shalt  }
0x6d: {  	_ =	shalt  }
0x6e: {  	_ =	shalt  }
0x6f: {  	_ =	shalt  }
0x70: {  	_ =	shalt  }
0x71: {  	_ =	shalt  }
0x72: {  	_ =	shalt  }
0x73: {  	_ =	shalt  }
0x74: {  	_ =	shalt  }
0x75: {  	_ =	shalt  }
0x76: {  	_ =	shalt  }
0x77: {  	_ =	shalt  }
0x78: {  	_ =	shalt  }
0x79: {  	_ =	shalt  }
0x7a: {  	_ =	shalt  }
0x7b: {  	_ =	shalt  }
0x7c: {  	_ =	shalt  }
0x7d: {  	_ =	shalt  }
0x7e: {  	_ =	shalt  }
0x7f: {  	_ =	shalt  }
0x80: {  	_ =	shalt  }
0x81: {  	_ =	shalt  }
0x82: {  	_ =	shalt  }
0x83: {  	_ =	shalt  }
0x84: {  	_ =	shalt  }
0x85: {  	_ =	shalt  }
0x86: {  	_ =	shalt  }
0x87: {  	_ =	shalt  }
.Lfunc_end0:
.L_simem_size_0:
called_computation_lowered:
.L_overlay_start_0:
0x88: {  	s2 =	sld [smem:$0x3FD9]  }
0x89: {  	s3 =	sld [smem:$0x3FFE];
	_ =	sdelay $0x1  }
0x8a: {  	s1 =	srdreg.scid  }
0x8b: {  	s0 =	sand.u32 $0x1, s1  }
0x8c: {  	s17 =	sshll.u32 s0, $0xA;
	s2 =	sadd.s32 s3, s2  }
0x8d: {  	s2 =	sadd.s32 s2, s17  }
0x8e: {  	[smem:$0x3FBE] =	sst s2  }
0x8f: {  	_ = 	snop  }
0x90: {  	s2 =	sld [smem:$0x3FD0];
	(tm) =	ssettm $0x1  }
0x91: {  	s18 =	sld [smem:$0x3FFB];
	_ =	sdelay $0x3  }
0x92: {  	_ =	strace s18  }
0x93: {  	s3 =	sld [smem:$0x3FFC];
	_ =	sdelay $0x3  }
0x94: {  	_ =	strace s3  }
0x95: {  	s3 =	sld [smem:$0x3FFD];
	_ =	sdelay $0x3  }
0x96: {  	_ =	strace s3  }
0x97: {  	_ =	strace $0x8FFFFFFF  }
0x98: {  	s19 =	sld [smem:$0x3FDB];
	_ =	sdelay $0x1  }
0x99: {  	s4 =	simm.s32 $_scs_section_size  }
0x9a: {  	s5 =	simm.s32 $_size__tile_overlayer_lowered;
	s6 =	simm.s32 $_tile_overlayer_lowered  }
0x9b: {  	s22 =	simm.s32 $0x1BFF;
	s21 =	sshll.u32 s6, $0x1;
	s3 =	sadd.s32 s4, s19  }
0x9c: {  	s7 =	simm.s32 $0x0;
	s20 =	sshll.u32 s5, $0x1;
	s5 =	sadd.s32 s21, s3  }
0x9d: {  	[timem:s7], [sflag:s22] =	dma.local [hbm:s5], s20  }
0x9e: {  	_ =	swait.ge [sflag:s22], s20  }
0x9f: {  	s4 =	ssub.s32 $0x0, s20;
	[sflag:s22] =	ssyncset.done $0x0  }
0xa0: {  	[sflag:s22] =	ssyncadd.s32 s4;
	_ =	sdelay $0x1  }
0xa1: {  	s23 =	simm.s32 $0x1B8B  }
0xa2: {  	_ =	swait.ge [sflag:s23], $0x1  }
0xa3: {  	[sflag:s23] =	ssyncset.done $0x0  }
0xa4: {  	s25 =	simm.s32 $0x1B8E;
	s24 =	sld [smem:$0x3FFE];
	[sflag:s23] =	ssyncadd.s32 $0xFFFFFFFF  }
0xa5: {  	s26 =	simm.s32 $execute0_lowered;
	[smem:$0x3FD2] =	sst s25  }
0xa6: {  	s5 =	sshll.u32 s26, $0x1;
	_ =	strace $0x80000046;
	[dreg:$0x1] =	wrdreg $0xFFFFFFFF  }
0xa7: {  	s28 =	simm.s32 $_size_execute0_lowered;
	s3 =	sadd.s32 s3, s5;
	[dreg:$0x0] =	wrdreg $0x0  }
0xa8: {  	s5 =	sshll.u32 s28, $0x1;
	[dreg:$0x2] =	wrdreg s3  }
0xa9: {  	[dreg:$0x3] =	wrdreg s5  }
0xaa: {  	[dreg:$0x4] =	wrdreg $0xC0  }
0xab: {  	_ =	task [dreg:s7], $0x5FFFF  }
0xac: {  	[dreg:$0x1] =	wrdreg $0xFFFFFFFF  }
0xad: {  	[dreg:$0x0] =	wrdreg $0x60  }
0xae: {  	[dreg:$0x2] =	wrdreg s24  }
0xaf: {  	[dreg:$0x3] =	wrdreg s2  }
0xb0: {  	[dreg:$0x4] =	wrdreg $0xFBE00  }
0xb1: {  	[dreg:$0x5] =	wrdreg $0x9  }
0xb2: {  	_ =	task.clear_ibuf [dreg:s7], $0x6FFFF;
	_ =	strace $0x90000046  }
0xb3: {  	s29 =	simm.s32 $0x9;
	_ =	strace $0x80000048  }
0xb4: {  	_ =	swait.ge [sflag:s29], $0x1  }
0xb5: {  	[sflag:s29] =	ssyncadd.s32 $0xFFFFFFFF  }
0xb6: {  	_ =	strace $0x90000048  }
0xb7: {  	_ =	sfence  }
0xb8: {  	s30 =	sld [smem:$0x0];
	_ =	sdelay $0x2  }
0xb9: {  	s31 =	sshll.u32 s1, $0xD;
	s1 =	sshrl.u32 s1, $0x2  }
0xba: {  	s3 =	sand.u32 $0x4000, s31;
	s1 =	sadd.s32 s1, s30  }
0xbb: {  	s0 =	sor.u32 s3, s0;
	s1 =	sshll.u32 s1, $0x11  }
0xbc: {  	s0 =	sor.u32 s1, s0  }
0xbd: {  	s0 =	sadd.s32 $0x8F2B, s0  }
0xbe: {  	[sflag:s0] =	ssyncadd.remote.s32 $0x1  }
0xbf: {  	_ =	sfence.sel $0xFFFF  }
0xc0: {  	[dreg:$0x0] =	wrdreg $0xFFFFFFFF;
	(pc) =	sbr.abs _section_cstart, $3  }
0xc1: {  	[dreg:$0x1] =	wrdreg $0xFFFFFFFF  }
0xc2: {  	_ =	task.clear_ibuf [dreg:s7], $0x2FFFF;
	_ =	strace $0x9FFFFFFF  }
0xc3: {  	(tm) =	ssettm $0x7FFFFFFF  }
tec
execute0_lowered:
.L_overlay_start_1:
0x0: {  	(tag) =	ssettag $0x1  }
0x1: {  	s6 =	rddreg [dreg:$0x0]  }
0x2: {  	s0 =	rddreg [dreg:$0x1]  }
0x3: {  	s1 =	srdreg.scid;
	s10 =	stileid.u32  }
0x4: {  	s2 =	rddreg [dreg:$0x2];
	s3 =	simm.s32 $0x0;
	s12 =	simm.s32 $0x2800  }
0x5: {  	s13 =	simm.s32 $0x7D;
	s14 =	simm.s32 $0x5000;
	s15 =	simm.s32 $0x9E20  }
0x6: {  	s16 =	simm.s32 $0x7710;
	s17 =	simm.s32 $0xA5F0;
	s18 =	simm.s32 $0x1  }
0x7: {  	s19 =	simm.s32 $0xADC0;
	s20 =	simm.s32 $0x2;
	s21 =	simm.s32 $0xD4D0  }
0x8: {  	s22 =	simm.s32 $0x3;
	s23 =	simm.s32 $0x4;
	s24 =	simm.s32 $0x0  }
0x9: {  	s5 =	sand.u32 $0x1, s1;
	s4 =	sshll.u32 s10, $0x1;
	[smem:$0x7FF] =	sst s3  }
0xa: {  	p0 =	sne.s32 s10, $0x0;
	s4 =	sor.u32 s5, s4;
	s7 =	smul.u32 $0x186A0, s5  }
0xb: {  	_ =	strace $0x80000047;
	s9 =	ssub.s32 $0x2, s5;
	s4 =	smul.u32 $0x500, s4  }
0xc: {  	s5 =	sadd.s32 $0x55000, s6;
	s10 =	sshrl.u32 @!p0 s2, $0x3;
	s31 =	sshrl.u32 s9, $0x1  }
0xd: {  	s11 =	sadd.s32 s7, s6;
	s9 =	ssub.s32 s9, s31;
	s8 =	sadd.s32 s4, s6  }
0xe: {  	s4 =	sadd.s32 $0x28800, s6;
	s9 =	smax.u32 s9, $0x1;
	s6 =	sadd.s32 $0x4B000, s8  }
0xf: {  	s7 =	sadd.s32 $0x41000, s8;
	s8 =	sadd.s32 $0x6D800, s11;
	s11 =	simm.s32 $0x5  }
.LBB2_1:
0x10: {  	s25 =	simm.s32 @!p0 $0x1C05  }
0x11: {  	[spmem:s10], [sflag:s25] =	dma.local @!p0 [hbm:s5], $0x186A0  }
0x12: {  	s25 =	simm.s32 @!p0 $0x5  }
0x13: {  	_ =	swait.ge @!p0 [sflag:s25], $0x186A0  }
0x14: {  	[sflag:s25] =	ssyncset.done @!p0 $0x0  }
0x15: {  	[sflag:s25] =	ssyncadd.s32 @!p0 $0xFFFE7960  }
0x16: {  	[bflag:$0x0] =	sbarrier.arrive $0xFFFF  }
0x17: {  	[tilespmem:s3], [sflag:$0x5] =	stream.linear.gather [hbm4b:s6+s3], $0x2800, $0x38;
	[tilespmem:$0x1BF30] =	vst v63  }
0x18: {  	_ =	swait.ge [sflag:s11], $0x2800  }
0x19: {  	[sflag:s11] =	ssyncset.done $0x0  }
0x1a: {  	[sflag:s11] =	ssyncadd.s32 $0xFFFFD800  }
0x1b: {  	[tilespmem:s12], [sflag:$0x5] =	stream.linear.gather [hbm4b:s7+s3], $0x2800, $0x38;
	[tilespmem:$0x1BF30] =	vst v63  }
0x1c: {  	_ =	swait.ge [sflag:s11], $0x2800  }
0x1d: {  	[sflag:s11] =	ssyncset.done $0x0  }
0x1e: {  	[sflag:s11] =	ssyncadd.s32 $0xFFFFD800  }
0x1f: {  	[tilespmem:s14], [sflag:$0x1] =	stream.indirect.gather [hbm4b:s4+s13], $0x50, s3, s13, $0xb8;
	[tilespmem:$0x1BF30] =	vst v63  }
0x20: {  	s25 =	simm.s32 $0x0  }
0x21: {  	[tilespmem:s15], [sflag:$0x1] =	stream.indirect.gather [hbm4b:s0+s13], $0x10, s12, s13, $0xb8;
	[tilespmem:$0x1BF30] =	vst v63  }
.LBB2_2:
0x22: {  	s28 =	sshll.u32 s25, $0x8  }
0x23: {  	s26 =	sor.u32 $0x80, s28  }
0x24: {  	[tilespmem:s16], [sflag:$0x2] =	stream.indirect.gather [hbm4b:s4+s13], $0x50, s26, s13, $0xb8;
	[tilespmem:$0x1BF30] =	vst v63  }
0x25: {  	s26 =	sadd.s32 $0x2880, s28  }
0x26: {  	[tilespmem:s17], [sflag:$0x2] =	stream.indirect.gather [hbm4b:s0+s13], $0x10, s26, s13, $0xb8;
	[tilespmem:$0x1BF30] =	vst v63  }
0x27: {  	_ =	swait.ge [sflag:s18], $0x2710  }
0x28: {  	[sflag:s18] =	ssyncset.done $0x0  }
0x29: {  	[sflag:s18] =	ssyncadd.s32 $0xFFFFD8F0  }
0x2a: {  	_ =	swait.ge [sflag:s18], $0x7D0  }
0x2b: {  	p1 =	seq.s32 s25, $0x0;
	[sflag:s18] =	ssyncset.done $0x0  }
0x2c: {  	s29 =	simm.s32 @!p1 $0x3;
	[sflag:s18] =	ssyncadd.s32 $0xFFFFF830  }
0x2d: {  	_ =	swait.ge @!p1 [sflag:s29], $0x2710  }
0x2e: {  	[sflag:s29] =	ssyncset.done @!p1 $0x0  }
0x2f: {  	[sflag:s29] =	ssyncadd.s32 @!p1 $0xFFFFD8F0;
	s29 =	simm.s32 $0x0  }
0x30: {  	s30 =	simm.s32 $0x9E40;
	v0 =	vld [tilespmem:s29+$0x5000]  }
0x31: {  	v1 =	vld [tilespmem:s30+$0xFFFFFFE0];
	_ =	sdelay $0x4  }
0x32: {  	v0 =	vadd.f32 v1, v0;
	_ =	sdelay $0x1  }
0x33: {  	v1 =	vmul.f32 $2.000000030e-01, v0;
	_ =	sdelay $0x1  }
0x34: {  	v0 =	vmax.f32 v0, v1  }
0x35: {  	v0 =	vmul.f32 $1.442695020e+00, v0;
	_ =	sdelay $0x1  }
0x36: {  	(erf) = vpow2.f32 v0;
	_ =	sdelay $0x4  }
0x37: {  	v0 =	vld [tilespmem:s29+$0x5010]  }
0x38: {  	v1 =	vld [tilespmem:s29+$0x5040]  }
0x39: {  	v2 =	vld [tilespmem:s29+$0x5020]  }
0x3a: {  	v3 =	vld [tilespmem:s29+$0x5030]  }
0x3b: {  	v4 =	vpop (erf)  }
0x3c: {  	v0 =	vmul.f32 v4, v0  }
0x3d: {  	[tilespmem:s29+$0xADC0] =	vst v4;
	v1 =	vmul.f32 v1, v4  }
0x3e: {  	v2 =	vmul.f32 v4, v2;
	[tilespmem:s29+$0xADD0] =	vst v0  }
0x3f: {  	v0 =	vmul.f32 v3, v4;
	[tilespmem:s29+$0xAE00] =	vst v1  }
0x40: {  	[tilespmem:s29+$0xADE0] =	vst v2  }
0x41: {  	[tilespmem:s29+$0xADF0] =	vst v0;
	v0 =	vld [tilespmem:s29+$0x5050]  }
0x42: {  	v1 =	vld [tilespmem:s30+$0xFFFFFFF0];
	_ =	sdelay $0x4  }
0x43: {  	v0 =	vadd.f32 v1, v0;
	_ =	sdelay $0x1  }
0x44: {  	v1 =	vmul.f32 $2.000000030e-01, v0;
	_ =	sdelay $0x1  }
0x45: {  	v0 =	vmax.f32 v0, v1  }
0x46: {  	v0 =	vmul.f32 $1.442695020e+00, v0;
	_ =	sdelay $0x1  }
0x47: {  	(erf) = vpow2.f32 v0;
	_ =	sdelay $0x4  }
0x48: {  	v0 =	vld [tilespmem:s29+$0x5060]  }
0x49: {  	v1 =	vld [tilespmem:s29+$0x5090]  }
0x4a: {  	v2 =	vld [tilespmem:s29+$0x5070]  }
0x4b: {  	v3 =	vld [tilespmem:s29+$0x5080]  }
0x4c: {  	v61 =	vpop (erf)  }
0x4d: {  	v0 =	vmul.f32 v61, v0  }
0x4e: {  	[tilespmem:s29+$0xAE10] =	vst v61;
	v1 =	vmul.f32 v1, v61  }
0x4f: {  	v2 =	vmul.f32 v61, v2;
	[tilespmem:s29+$0xAE20] =	vst v0  }
0x50: {  	v0 =	vmul.f32 v3, v61;
	[tilespmem:s29+$0xAE50] =	vst v1  }
0x51: {  	[tilespmem:s29+$0xAE30] =	vst v2  }
0x52: {  	[tilespmem:s29+$0xAE40] =	vst v0;
	v0 =	vld [tilespmem:s29+$0x50A0]  }
0x53: {  	v1 =	vld [tilespmem:s30+$0x0];
	_ =	sdelay $0x4  }
0x54: {  	v0 =	vadd.f32 v1, v0;
	_ =	sdelay $0x1  }
0x55: {  	v1 =	vmul.f32 $2.000000030e-01, v0;
	_ =	sdelay $0x1  }
0x56: {  	v0 =	vmax.f32 v0, v1  }
0x57: {  	v0 =	vmul.f32 $1.442695020e+00, v0;
	_ =	sdelay $0x1  }
0x58: {  	(erf) = vpow2.f32 v0;
	_ =	sdelay $0x4  }
0x59: {  	v0 =	vld [tilespmem:s29+$0x50B0]  }
0x5a: {  	v1 =	vld [tilespmem:s29+$0x50C0]  }
0x5b: {  	v2 =	vld [tilespmem:s29+$0x50E0]  }
0x5c: {  	v3 =	vld [tilespmem:s29+$0x50D0]  }
0x5d: {  	v62 =	vpop (erf)  }
0x5e: {  	v0 =	vmul.f32 v62, v0  }
0x5f: {  	[tilespmem:s29+$0xAE60] =	vst v62;
	v1 =	vmul.f32 v62, v1  }
0x60: {  	v2 =	vmul.f32 v2, v62;
	[tilespmem:s29+$0xAE70] =	vst v0  }
0x61: {  	v0 =	vmul.f32 v3, v62;
	[tilespmem:s29+$0xAE80] =	vst v1  }
0x62: {  	[tilespmem:s29+$0xAEA0] =	vst v2  }
0x63: {  	[tilespmem:s29+$0xAE90] =	vst v0;
	v0 =	vld [tilespmem:s29+$0x50F0]  }
0x64: {  	v1 =	vld [tilespmem:s30+$0x10];
	_ =	sdelay $0x4  }
0x65: {  	v0 =	vadd.f32 v1, v0;
	_ =	sdelay $0x1  }
0x66: {  	v1 =	vmul.f32 $2.000000030e-01, v0;
	_ =	sdelay $0x1  }
0x67: {  	v0 =	vmax.f32 v0, v1  }
0x68: {  	v0 =	vmul.f32 $1.442695020e+00, v0;
	_ =	sdelay $0x1  }
0x69: {  	(erf) = vpow2.f32 v0;
	_ =	sdelay $0x4  }
0x6a: {  	v0 =	vld [tilespmem:s29+$0x5100]  }
0x6b: {  	v1 =	vld [tilespmem:s29+$0x5110]  }
0x6c: {  	v2 =	vld [tilespmem:s29+$0x5120]  }
0x6d: {  	v3 =	vld [tilespmem:s29+$0x5130]  }
0x6e: {  	v63 =	vpop (erf)  }
0x6f: {  	v0 =	vmul.f32 v63, v0  }
0x70: {  	[tilespmem:s29+$0xAEB0] =	vst v63;
	v1 =	vmul.f32 v63, v1  }
0x71: {  	v2 =	vmul.f32 v2, v63;
	[tilespmem:s29+$0xAEC0] =	vst v0  }
0x72: {  	v0 =	vmul.f32 v3, v63;
	[tilespmem:s29+$0xAED0] =	vst v1  }
0x73: {  	[tilespmem:s29+$0xAEE0] =	vst v2  }
0x74: {  	[tilespmem:s29+$0xAEF0] =	vst v0;
	v0 =	vld [tilespmem:s29+$0x5140]  }
0x75: {  	s31 =	simm.s32 $0x640;
	v1 =	vld [tilespmem:s30+$0x20]  }
.LBB2_3:
0x76: {  	p2 =	sne.s32 s31, $0x9600  }
0x77: {  	s30 =	sadd.s32 $0x50, s30;
	s1 =	smov.u32 s31;
	s31 =	sadd.s32 $0x640, s31  }
0x78: {  	_ =	sdelay $0x1  }
0x79: {  	v0 =	vadd.f32 v1, v0;
	_ =	sdelay $0x1  }
0x7a: {  	v1 =	vmul.f32 $2.000000030e-01, v0;
	_ =	sdelay $0x1  }
0x7b: {  	v0 =	vmax.f32 v0, v1  }
0x7c: {  	v0 =	vmul.f32 $1.442695020e+00, v0;
	_ =	sdelay $0x1  }
0x7d: {  	(erf) = vpow2.f32 v0;
	_ =	sdelay $0x1  }
0x7e: {  	v0 =	vld [tilespmem:s29+$0x5180]  }
0x7f: {  	v1 =	vld [tilespmem:s29+$0x5170]  }
0x80: {  	v2 =	vld [tilespmem:s29+$0x5160]  }
0x81: {  	s1 =	sshra.s32 s1, $0x2;
	v3 =	vld [tilespmem:s29+$0x5150]  }
0x82: {  	v4 =	vld [tilespmem:s1+$0x5000];
	_ =	sdelay $0x2  }
0x83: {  	v5 =	vpop (erf)  }
0x84: {  	[tilespmem:s29+$0xAF00] =	vst v5;
	v3 =	vmul.f32 v5, v3;
	v2 =	vmul.f32 v5, v2  }
0x85: {  	v1 =	vmul.f32 v1, v5;
	v0 =	vmul.f32 v0, v5  }
0x86: {  	[tilespmem:s29+$0xAF10] =	vst v3  }
0x87: {  	[tilespmem:s29+$0xAF30] =	vst v1  }
0x88: {  	[tilespmem:s29+$0xAF40] =	vst v0  }
0x89: {  	[tilespmem:s29+$0xAF20] =	vst v2;
	s29 =	smov.u32 s1  }
0x8a: {  	v0 =	vld [tilespmem:s30+$0xFFFFFFE0];
	_ =	sdelay $0x4  }
0x8b: {  	v0 =	vadd.f32 v0, v4;
	_ =	sdelay $0x1  }
0x8c: {  	v1 =	vmul.f32 $2.000000030e-01, v0;
	_ =	sdelay $0x1  }
0x8d: {  	v0 =	vmax.f32 v0, v1  }
0x8e: {  	v0 =	vmul.f32 $1.442695020e+00, v0;
	_ =	sdelay $0x1  }
0x8f: {  	(erf) = vpow2.f32 v0;
	_ =	sdelay $0x2  }
0x90: {  	v0 =	vld [tilespmem:s29+$0x5030]  }
0x91: {  	v1 =	vld [tilespmem:s29+$0x5040]  }
0x92: {  	v2 =	vld [tilespmem:s29+$0x5010]  }
0x93: {  	v3 =	vld [tilespmem:s29+$0x5020];
	_ =	sdelay $0x2  }
0x94: {  	v4 =	vpop (erf)  }
0x95: {  	[tilespmem:s29+$0xADC0] =	vst v4;
	v2 =	vmul.f32 v4, v2;
	v1 =	vmul.f32 v1, v4  }
0x96: {  	v0 =	vmul.f32 v0, v4;
	v3 =	vmul.f32 v4, v3  }
0x97: {  	[tilespmem:s29+$0xADD0] =	vst v2  }
0x98: {  	[tilespmem:s29+$0xAE00] =	vst v1  }
0x99: {  	[tilespmem:s29+$0xADE0] =	vst v3  }
0x9a: {  	[tilespmem:s29+$0xADF0] =	vst v0;
	v0 =	vld [tilespmem:s29+$0x5050]  }
0x9b: {  	v1 =	vld [tilespmem:s30+$0xFFFFFFF0];
	_ =	sdelay $0x4  }
0x9c: {  	v0 =	vadd.f32 v1, v0;
	_ =	sdelay $0x1  }
0x9d: {  	v1 =	vmul.f32 $2.000000030e-01, v0;
	_ =	sdelay $0x1  }
0x9e: {  	v0 =	vmax.f32 v0, v1  }
0x9f: {  	v0 =	vmul.f32 $1.442695020e+00, v0;
	_ =	sdelay $0x1  }
0xa0: {  	(erf) = vpow2.f32 v0;
	_ =	sdelay $0x2  }
0xa1: {  	v0 =	vld [tilespmem:s29+$0x5090]  }
0xa2: {  	v1 =	vld [tilespmem:s29+$0x5070]  }
0xa3: {  	v2 =	vld [tilespmem:s29+$0x5060]  }
0xa4: {  	v3 =	vld [tilespmem:s29+$0x5080];
	_ =	sdelay $0x2  }
0xa5: {  	v4 =	vpop (erf)  }
0xa6: {  	[tilespmem:s29+$0xAE10] =	vst v4;
	v2 =	vmul.f32 v4, v2;
	v1 =	vmul.f32 v4, v1  }
0xa7: {  	v0 =	vmul.f32 v0, v4;
	v3 =	vmul.f32 v3, v4  }
0xa8: {  	[tilespmem:s29+$0xAE20] =	vst v2  }
0xa9: {  	[tilespmem:s29+$0xAE50] =	vst v0  }
0xaa: {  	[tilespmem:s29+$0xAE30] =	vst v1  }
0xab: {  	[tilespmem:s29+$0xAE40] =	vst v3;
	v0 =	vld [tilespmem:s29+$0x50A0]  }
0xac: {  	v1 =	vld [tilespmem:s30+$0x0];
	_ =	sdelay $0x4  }
0xad: {  	v0 =	vadd.f32 v1, v0;
	_ =	sdelay $0x1  }
0xae: {  	v1 =	vmul.f32 $2.000000030e-01, v0;
	_ =	sdelay $0x1  }
0xaf: {  	v0 =	vmax.f32 v0, v1  }
0xb0: {  	v0 =	vmul.f32 $1.442695020e+00, v0;
	_ =	sdelay $0x1  }
0xb1: {  	(erf) = vpow2.f32 v0;
	_ =	sdelay $0x2  }
0xb2: {  	v0 =	vld [tilespmem:s29+$0x50E0]  }
0xb3: {  	v1 =	vld [tilespmem:s29+$0x50C0]  }
0xb4: {  	v2 =	vld [tilespmem:s29+$0x50B0]  }
0xb5: {  	v3 =	vld [tilespmem:s29+$0x50D0];
	_ =	sdelay $0x2  }
0xb6: {  	v4 =	vpop (erf)  }
0xb7: {  	[tilespmem:s29+$0xAE60] =	vst v4;
	v2 =	vmul.f32 v4, v2;
	v1 =	vmul.f32 v4, v1  }
0xb8: {  	v0 =	vmul.f32 v0, v4;
	v3 =	vmul.f32 v3, v4  }
0xb9: {  	[tilespmem:s29+$0xAE70] =	vst v2  }
0xba: {  	[tilespmem:s29+$0xAE80] =	vst v1  }
0xbb: {  	[tilespmem:s29+$0xAEA0] =	vst v0  }
0xbc: {  	[tilespmem:s29+$0xAE90] =	vst v3;
	v0 =	vld [tilespmem:s29+$0x50F0]  }
0xbd: {  	v1 =	vld [tilespmem:s30+$0x10];
	_ =	sdelay $0x4  }
0xbe: {  	v0 =	vadd.f32 v1, v0;
	_ =	sdelay $0x1  }
0xbf: {  	v1 =	vmul.f32 $2.000000030e-01, v0;
	_ =	sdelay $0x1  }
0xc0: {  	v0 =	vmax.f32 v0, v1  }
0xc1: {  	v0 =	vmul.f32 $1.442695020e+00, v0;
	_ =	sdelay $0x1  }
0xc2: {  	(erf) = vpow2.f32 v0;
	_ =	sdelay $0x2  }
0xc3: {  	v0 =	vld [tilespmem:s29+$0x5130]  }
0xc4: {  	v1 =	vld [tilespmem:s29+$0x5110]  }
0xc5: {  	v2 =	vld [tilespmem:s29+$0x5100]  }
0xc6: {  	v3 =	vld [tilespmem:s29+$0x5120];
	_ =	sdelay $0x2  }
0xc7: {  	v4 =	vpop (erf)  }
0xc8: {  	[tilespmem:s29+$0xAEB0] =	vst v4;
	v2 =	vmul.f32 v4, v2;
	v1 =	vmul.f32 v4, v1  }
0xc9: {  	v0 =	vmul.f32 v0, v4;
	v3 =	vmul.f32 v3, v4  }
.Ltmp0:
0xca: {  	[tilespmem:s29+$0xAEC0] =	vst v2;
	(pc) =	sbr.rel @p2 .LBB2_3-.Ltmp0, $4  }
0xcb: {  	[tilespmem:s29+$0xAED0] =	vst v1  }
0xcc: {  	[tilespmem:s29+$0xAEE0] =	vst v3  }
0xcd: {  	[tilespmem:s29+$0xAEF0] =	vst v0;
	v0 =	vld [tilespmem:s29+$0x5140]  }
0xce: {  	v1 =	vld [tilespmem:s30+$0x20]  }
0xcf: {  	_ =	sdelay $0x3  }
0xd0: {  	v0 =	vadd.f32 v1, v0;
	_ =	sdelay $0x1  }
0xd1: {  	v1 =	vmul.f32 $2.000000030e-01, v0;
	_ =	sdelay $0x1  }
0xd2: {  	v0 =	vmax.f32 v0, v1  }
0xd3: {  	v0 =	vmul.f32 $1.442695020e+00, v0;
	_ =	sdelay $0x1  }
0xd4: {  	(erf) = vpow2.f32 v0;
	_ =	sdelay $0x4  }
0xd5: {  	v0 =	vld [tilespmem:s29+$0x5150]  }
0xd6: {  	v1 =	vld [tilespmem:s29+$0x5170]  }
0xd7: {  	v2 =	vld [tilespmem:s29+$0x5180]  }
0xd8: {  	v3 =	vld [tilespmem:s29+$0x5160]  }
0xd9: {  	v4 =	vpop (erf)  }
0xda: {  	v0 =	vmul.f32 v4, v0  }
0xdb: {  	[tilespmem:s29+$0xAF00] =	vst v4;
	v1 =	vmul.f32 v1, v4  }
0xdc: {  	v2 =	vmul.f32 v2, v4;
	[tilespmem:s29+$0xAF10] =	vst v0  }
0xdd: {  	v0 =	vmul.f32 v4, v3;
	[tilespmem:s29+$0xAF30] =	vst v1  }
0xde: {  	s1 =	sand.u32 $0x3FFFFF00, s28;
	[tilespmem:s29+$0xAF40] =	vst v2  }
0xdf: {  	p2 =	seq.s32 s25, $0x27;
	s1 =	sadd.s32 $0x2800, s1;
	[tilespmem:s29+$0xAF20] =	vst v0  }
0xe0: {  	[spmem:s2] =	stream.indirect.scatter.add.f32 [tilespmem:s19], [sflag:$0x3], $0x50, s1, s13, $0xb8;
	[tilespmem:$0x1BF30] =	vst v63  }
0xe1: {  	s30 =	simm.s32 @!p2 $0x5000;
	s29 =	simm.s32 @!p2 $0x7D;
	s1 =	sadd.s32 @!p2 $0x100, s28  }
0xe2: {  	[tilespmem:s30], [sflag:$0x1] =	stream.indirect.gather @!p2 [hbm4b:s4+s29], $0x50, s1, s29, $0xb8;
	[tilespmem:$0x1BF30] =	vst v63  }
0xe3: {  	s1 =	sadd.s32 @!p2 $0x2900, s28;
	s28 =	simm.s32 @!p2 $0x9E20  }
0xe4: {  	[tilespmem:s28], [sflag:$0x1] =	stream.indirect.gather @!p2 [hbm4b:s0+s29], $0x10, s1, s29, $0xb8;
	[tilespmem:$0x1BF30] =	vst v63  }
0xe5: {  	_ =	swait.ge [sflag:s20], $0x2710  }
0xe6: {  	[sflag:s20] =	ssyncset.done $0x0  }
0xe7: {  	[sflag:s20] =	ssyncadd.s32 $0xFFFFD8F0  }
0xe8: {  	_ =	swait.ge [sflag:s20], $0x7D0  }
0xe9: {  	[sflag:s20] =	ssyncset.done $0x0  }
0xea: {  	s1 =	simm.s32 @!p1 $0x4;
	[sflag:s20] =	ssyncadd.s32 $0xFFFFF830  }
0xeb: {  	_ =	swait.ge @!p1 [sflag:s1], $0x2710  }
0xec: {  	[sflag:s1] =	ssyncset.done @!p1 $0x0  }
0xed: {  	s28 =	simm.s32 $0x0;
	[sflag:s1] =	ssyncadd.s32 @!p1 $0xFFFFD8F0  }
0xee: {  	s29 =	simm.s32 $0xA630;
	v0 =	vld [tilespmem:s28+$0x7710]  }
0xef: {  	v1 =	vld [tilespmem:s29+$0xFFFFFFC0];
	_ =	sdelay $0x4  }
0xf0: {  	v0 =	vadd.f32 v1, v0;
	_ =	sdelay $0x1  }
0xf1: {  	v1 =	vmul.f32 $2.000000030e-01, v0;
	_ =	sdelay $0x1  }
0xf2: {  	v0 =	vmax.f32 v0, v1  }
0xf3: {  	v0 =	vmul.f32 $1.442695020e+00, v0;
	_ =	sdelay $0x1  }
0xf4: {  	(erf) = vpow2.f32 v0;
	_ =	sdelay $0x4  }
0xf5: {  	v0 =	vld [tilespmem:s28+$0x7720]  }
0xf6: {  	v1 =	vld [tilespmem:s28+$0x7750]  }
0xf7: {  	v2 =	vld [tilespmem:s28+$0x7730]  }
0xf8: {  	v3 =	vld [tilespmem:s28+$0x7740]  }
0xf9: {  	v60 =	vpop (erf)  }
0xfa: {  	v0 =	vmul.f32 v60, v0  }
0xfb: {  	[tilespmem:s28+$0xD4D0] =	vst v60;
	v1 =	vmul.f32 v1, v60  }
0xfc: {  	v2 =	vmul.f32 v60, v2;
	[tilespmem:s28+$0xD4E0] =	vst v0  }
0xfd: {  	v0 =	vmul.f32 v3, v60;
	[tilespmem:s28+$0xD510] =	vst v1  }
0xfe: {  	[tilespmem:s28+$0xD4F0] =	vst v2  }
0xff: {  	[tilespmem:s28+$0xD500] =	vst v0;
	v0 =	vld [tilespmem:s28+$0x7760]  }
0x100: {  	v1 =	vld [tilespmem:s29+$0xFFFFFFD0];
	_ =	sdelay $0x4  }
0x101: {  	v0 =	vadd.f32 v1, v0;
	_ =	sdelay $0x1  }
0x102: {  	v1 =	vmul.f32 $2.000000030e-01, v0;
	_ =	sdelay $0x1  }
0x103: {  	v0 =	vmax.f32 v0, v1  }
0x104: {  	v0 =	vmul.f32 $1.442695020e+00, v0;
	_ =	sdelay $0x1  }
0x105: {  	(erf) = vpow2.f32 v0;
	_ =	sdelay $0x4  }
0x106: {  	v0 =	vld [tilespmem:s28+$0x7770]  }
0x107: {  	v1 =	vld [tilespmem:s28+$0x77A0]  }
0x108: {  	v2 =	vld [tilespmem:s28+$0x7780]  }
0x109: {  	v3 =	vld [tilespmem:s28+$0x7790]  }
0x10a: {  	v61 =	vpop (erf)  }
0x10b: {  	v0 =	vmul.f32 v61, v0  }
0x10c: {  	[tilespmem:s28+$0xD520] =	vst v61;
	v1 =	vmul.f32 v1, v61  }
0x10d: {  	v2 =	vmul.f32 v61, v2;
	[tilespmem:s28+$0xD530] =	vst v0  }
0x10e: {  	v0 =	vmul.f32 v3, v61;
	[tilespmem:s28+$0xD560] =	vst v1  }
0x10f: {  	[tilespmem:s28+$0xD540] =	vst v2  }
0x110: {  	[tilespmem:s28+$0xD550] =	vst v0;
	v0 =	vld [tilespmem:s28+$0x77B0]  }
0x111: {  	v1 =	vld [tilespmem:s29+$0xFFFFFFE0];
	_ =	sdelay $0x4  }
0x112: {  	v0 =	vadd.f32 v1, v0;
	_ =	sdelay $0x1  }
0x113: {  	v1 =	vmul.f32 $2.000000030e-01, v0;
	_ =	sdelay $0x1  }
0x114: {  	v0 =	vmax.f32 v0, v1  }
0x115: {  	v0 =	vmul.f32 $1.442695020e+00, v0;
	_ =	sdelay $0x1  }
0x116: {  	(erf) = vpow2.f32 v0;
	_ =	sdelay $0x4  }
0x117: {  	v0 =	vld [tilespmem:s28+$0x77C0]  }
0x118: {  	v1 =	vld [tilespmem:s28+$0x77D0]  }
0x119: {  	v2 =	vld [tilespmem:s28+$0x77F0]  }
0x11a: {  	v3 =	vld [tilespmem:s28+$0x77E0]  }
0x11b: {  	v62 =	vpop (erf)  }
0x11c: {  	v0 =	vmul.f32 v62, v0  }
0x11d: {  	[tilespmem:s28+$0xD570] =	vst v62;
	v1 =	vmul.f32 v62, v1  }
0x11e: {  	v2 =	vmul.f32 v2, v62;
	[tilespmem:s28+$0xD580] =	vst v0  }
0x11f: {  	v0 =	vmul.f32 v3, v62;
	[tilespmem:s28+$0xD590] =	vst v1  }
0x120: {  	[tilespmem:s28+$0xD5B0] =	vst v2  }
0x121: {  	[tilespmem:s28+$0xD5A0] =	vst v0;
	v0 =	vld [tilespmem:s28+$0x7800]  }
0x122: {  	v1 =	vld [tilespmem:s29+$0xFFFFFFF0];
	_ =	sdelay $0x4  }
0x123: {  	v0 =	vadd.f32 v1, v0;
	_ =	sdelay $0x1  }
0x124: {  	v1 =	vmul.f32 $2.000000030e-01, v0;
	_ =	sdelay $0x1  }
0x125: {  	v0 =	vmax.f32 v0, v1  }
0x126: {  	v0 =	vmul.f32 $1.442695020e+00, v0;
	_ =	sdelay $0x1  }
0x127: {  	(erf) = vpow2.f32 v0;
	_ =	sdelay $0x4  }
0x128: {  	v0 =	vld [tilespmem:s28+$0x7810]  }
0x129: {  	v1 =	vld [tilespmem:s28+$0x7820]  }
0x12a: {  	v2 =	vld [tilespmem:s28+$0x7830]  }
0x12b: {  	v3 =	vld [tilespmem:s28+$0x7840]  }
0x12c: {  	v63 =	vpop (erf)  }
0x12d: {  	v0 =	vmul.f32 v63, v0  }
0x12e: {  	[tilespmem:s28+$0xD5C0] =	vst v63;
	v1 =	vmul.f32 v63, v1  }
0x12f: {  	v2 =	vmul.f32 v2, v63;
	[tilespmem:s28+$0xD5D0] =	vst v0  }
0x130: {  	v0 =	vmul.f32 v3, v63;
	[tilespmem:s28+$0xD5E0] =	vst v1  }
0x131: {  	[tilespmem:s28+$0xD5F0] =	vst v2  }
0x132: {  	[tilespmem:s28+$0xD600] =	vst v0;
	v0 =	vld [tilespmem:s28+$0x7850]  }
0x133: {  	s30 =	simm.s32 $0x640;
	v1 =	vld [tilespmem:s29+$0x0]  }
.LBB2_5:
0x134: {  	p1 =	sne.s32 s30, $0x9600  }
0x135: {  	s29 =	sadd.s32 $0x50, s29;
	s1 =	smov.u32 s30;
	s30 =	sadd.s32 $0x640, s30  }
0x136: {  	_ =	sdelay $0x1  }
0x137: {  	v0 =	vadd.f32 v1, v0;
	_ =	sdelay $0x1  }
0x138: {  	v1 =	vmul.f32 $2.000000030e-01, v0;
	_ =	sdelay $0x1  }
0x139: {  	v0 =	vmax.f32 v0, v1  }
0x13a: {  	v0 =	vmul.f32 $1.442695020e+00, v0;
	_ =	sdelay $0x1  }
0x13b: {  	(erf) = vpow2.f32 v0;
	_ =	sdelay $0x1  }
0x13c: {  	v0 =	vld [tilespmem:s28+$0x7890]  }
0x13d: {  	v1 =	vld [tilespmem:s28+$0x7880]  }
0x13e: {  	v2 =	vld [tilespmem:s28+$0x7870]  }
0x13f: {  	s1 =	sshra.s32 s1, $0x2;
	v3 =	vld [tilespmem:s28+$0x7860]  }
0x140: {  	v4 =	vld [tilespmem:s1+$0x7710];
	_ =	sdelay $0x2  }
0x141: {  	v5 =	vpop (erf)  }
0x142: {  	[tilespmem:s28+$0xD610] =	vst v5;
	v3 =	vmul.f32 v5, v3;
	v2 =	vmul.f32 v5, v2  }
0x143: {  	v1 =	vmul.f32 v1, v5;
	v0 =	vmul.f32 v0, v5  }
0x144: {  	[tilespmem:s28+$0xD620] =	vst v3  }
0x145: {  	[tilespmem:s28+$0xD640] =	vst v1  }
0x146: {  	[tilespmem:s28+$0xD650] =	vst v0  }
0x147: {  	[tilespmem:s28+$0xD630] =	vst v2;
	s28 =	smov.u32 s1  }
0x148: {  	v0 =	vld [tilespmem:s29+$0xFFFFFFC0];
	_ =	sdelay $0x4  }
0x149: {  	v0 =	vadd.f32 v0, v4;
	_ =	sdelay $0x1  }
0x14a: {  	v1 =	vmul.f32 $2.000000030e-01, v0;
	_ =	sdelay $0x1  }
0x14b: {  	v0 =	vmax.f32 v0, v1  }
0x14c: {  	v0 =	vmul.f32 $1.442695020e+00, v0;
	_ =	sdelay $0x1  }
0x14d: {  	(erf) = vpow2.f32 v0;
	_ =	sdelay $0x2  }
0x14e: {  	v0 =	vld [tilespmem:s28+$0x7740]  }
0x14f: {  	v1 =	vld [tilespmem:s28+$0x7750]  }
0x150: {  	v2 =	vld [tilespmem:s28+$0x7720]  }
0x151: {  	v3 =	vld [tilespmem:s28+$0x7730];
	_ =	sdelay $0x2  }
0x152: {  	v4 =	vpop (erf)  }
0x153: {  	[tilespmem:s28+$0xD4D0] =	vst v4;
	v2 =	vmul.f32 v4, v2;
	v1 =	vmul.f32 v1, v4  }
0x154: {  	v0 =	vmul.f32 v0, v4;
	v3 =	vmul.f32 v4, v3  }
0x155: {  	[tilespmem:s28+$0xD4E0] =	vst v2  }
0x156: {  	[tilespmem:s28+$0xD510] =	vst v1  }
0x157: {  	[tilespmem:s28+$0xD4F0] =	vst v3  }
0x158: {  	[tilespmem:s28+$0xD500] =	vst v0;
	v0 =	vld [tilespmem:s28+$0x7760]  }
0x159: {  	v1 =	vld [tilespmem:s29+$0xFFFFFFD0];
	_ =	sdelay $0x4  }
0x15a: {  	v0 =	vadd.f32 v1, v0;
	_ =	sdelay $0x1  }
0x15b: {  	v1 =	vmul.f32 $2.000000030e-01, v0;
	_ =	sdelay $0x1  }
0x15c: {  	v0 =	vmax.f32 v0, v1  }
0x15d: {  	v0 =	vmul.f32 $1.442695020e+00, v0;
	_ =	sdelay $0x1  }
0x15e: {  	(erf) = vpow2.f32 v0;
	_ =	sdelay $0x2  }
0x15f: {  	v0 =	vld [tilespmem:s28+$0x77A0]  }
0x160: {  	v1 =	vld [tilespmem:s28+$0x7780]  }
0x161: {  	v2 =	vld [tilespmem:s28+$0x7770]  }
0x162: {  	v3 =	vld [tilespmem:s28+$0x7790];
	_ =	sdelay $0x2  }
0x163: {  	v4 =	vpop (erf)  }
0x164: {  	[tilespmem:s28+$0xD520] =	vst v4;
	v2 =	vmul.f32 v4, v2;
	v1 =	vmul.f32 v4, v1  }
0x165: {  	v0 =	vmul.f32 v0, v4;
	v3 =	vmul.f32 v3, v4  }
0x166: {  	[tilespmem:s28+$0xD530] =	vst v2  }
0x167: {  	[tilespmem:s28+$0xD560] =	vst v0  }
0x168: {  	[tilespmem:s28+$0xD540] =	vst v1  }
0x169: {  	[tilespmem:s28+$0xD550] =	vst v3;
	v0 =	vld [tilespmem:s28+$0x77B0]  }
0x16a: {  	v1 =	vld [tilespmem:s29+$0xFFFFFFE0];
	_ =	sdelay $0x4  }
0x16b: {  	v0 =	vadd.f32 v1, v0;
	_ =	sdelay $0x1  }
0x16c: {  	v1 =	vmul.f32 $2.000000030e-01, v0;
	_ =	sdelay $0x1  }
0x16d: {  	v0 =	vmax.f32 v0, v1  }
0x16e: {  	v0 =	vmul.f32 $1.442695020e+00, v0;
	_ =	sdelay $0x1  }
0x16f: {  	(erf) = vpow2.f32 v0;
	_ =	sdelay $0x2  }
0x170: {  	v0 =	vld [tilespmem:s28+$0x77F0]  }
0x171: {  	v1 =	vld [tilespmem:s28+$0x77D0]  }
0x172: {  	v2 =	vld [tilespmem:s28+$0x77C0]  }
0x173: {  	v3 =	vld [tilespmem:s28+$0x77E0];
	_ =	sdelay $0x2  }
0x174: {  	v4 =	vpop (erf)  }
0x175: {  	[tilespmem:s28+$0xD570] =	vst v4;
	v2 =	vmul.f32 v4, v2;
	v1 =	vmul.f32 v4, v1  }
0x176: {  	v0 =	vmul.f32 v0, v4;
	v3 =	vmul.f32 v3, v4  }
0x177: {  	[tilespmem:s28+$0xD580] =	vst v2  }
0x178: {  	[tilespmem:s28+$0xD590] =	vst v1  }
0x179: {  	[tilespmem:s28+$0xD5B0] =	vst v0  }
0x17a: {  	[tilespmem:s28+$0xD5A0] =	vst v3;
	v0 =	vld [tilespmem:s28+$0x7800]  }
0x17b: {  	v1 =	vld [tilespmem:s29+$0xFFFFFFF0];
	_ =	sdelay $0x4  }
0x17c: {  	v0 =	vadd.f32 v1, v0;
	_ =	sdelay $0x1  }
0x17d: {  	v1 =	vmul.f32 $2.000000030e-01, v0;
	_ =	sdelay $0x1  }
0x17e: {  	v0 =	vmax.f32 v0, v1  }
0x17f: {  	v0 =	vmul.f32 $1.442695020e+00, v0;
	_ =	sdelay $0x1  }
0x180: {  	(erf) = vpow2.f32 v0;
	_ =	sdelay $0x2  }
0x181: {  	v0 =	vld [tilespmem:s28+$0x7840]  }
0x182: {  	v1 =	vld [tilespmem:s28+$0x7820]  }
0x183: {  	v2 =	vld [tilespmem:s28+$0x7810]  }
0x184: {  	v3 =	vld [tilespmem:s28+$0x7830];
	_ =	sdelay $0x2  }
0x185: {  	v4 =	vpop (erf)  }
0x186: {  	[tilespmem:s28+$0xD5C0] =	vst v4;
	v2 =	vmul.f32 v4, v2;
	v1 =	vmul.f32 v4, v1  }
0x187: {  	v0 =	vmul.f32 v0, v4;
	v3 =	vmul.f32 v3, v4  }
.Ltmp1:
0x188: {  	[tilespmem:s28+$0xD5D0] =	vst v2;
	(pc) =	sbr.rel @p1 .LBB2_5-.Ltmp1, $4  }
0x189: {  	[tilespmem:s28+$0xD5E0] =	vst v1  }
0x18a: {  	[tilespmem:s28+$0xD5F0] =	vst v3  }
0x18b: {  	[tilespmem:s28+$0xD600] =	vst v0;
	v0 =	vld [tilespmem:s28+$0x7850]  }
0x18c: {  	v1 =	vld [tilespmem:s29+$0x0]  }
0x18d: {  	_ =	sdelay $0x3  }
0x18e: {  	v0 =	vadd.f32 v1, v0;
	_ =	sdelay $0x1  }
0x18f: {  	v1 =	vmul.f32 $2.000000030e-01, v0;
	_ =	sdelay $0x1  }
0x190: {  	v0 =	vmax.f32 v0, v1  }
0x191: {  	v0 =	vmul.f32 $1.442695020e+00, v0;
	_ =	sdelay $0x1  }
0x192: {  	(erf) = vpow2.f32 v0;
	_ =	sdelay $0x4  }
0x193: {  	v61 =	vld [tilespmem:s28+$0x7860]  }
0x194: {  	v62 =	vld [tilespmem:s28+$0x7880]  }
0x195: {  	v2 =	vld [tilespmem:s28+$0x7890]  }
0x196: {  	v3 =	vld [tilespmem:s28+$0x7870]  }
0x197: {  	v4 =	vpop (erf)  }
0x198: {  	s25 =	sadd.s32 $0x1, s25;
	v0 =	vmul.f32 v4, v61  }
0x199: {  	p1 =	sne.s32 s25, $0x28;
	[tilespmem:s28+$0xD610] =	vst v4;
	v1 =	vmul.f32 v62, v4  }
.Ltmp2:
0x19a: {  	v2 =	vmul.f32 v2, v4;
	[tilespmem:s28+$0xD620] =	vst v0;
	(pc) =	sbr.rel @p1 .LBB2_2-.Ltmp2, $4  }
0x19b: {  	v63 =	vmul.f32 v4, v3;
	[tilespmem:s28+$0xD640] =	vst v1  }
0x19c: {  	[tilespmem:s28+$0xD650] =	vst v2  }
0x19d: {  	[tilespmem:s28+$0xD630] =	vst v63  }
0x19e: {  	[spmem:s2] =	stream.indirect.scatter.add.f32 [tilespmem:s21], [sflag:$0x4], $0x50, s26, s13, $0xb8;
	[tilespmem:$0x1BF30] =	vst v63  }
0x19f: {  	_ =	swait.ge [sflag:s22], $0x2710  }
0x1a0: {  	[sflag:s22] =	ssyncset.done $0x0  }
0x1a1: {  	[sflag:s22] =	ssyncadd.s32 $0xFFFFD8F0  }
0x1a2: {  	_ =	swait.ge [sflag:s23], $0x2710  }
0x1a3: {  	[sflag:s23] =	ssyncset.done $0x0  }
0x1a4: {  	s24 =	sadd.s32 $0x1, s24;
	[sflag:s23] =	ssyncadd.s32 $0xFFFFD8F0  }
0x1a5: {  	s1 =	simm.s32 @!p0 $0x1C05;
	p1 =	sne.s32 s24, s9;
	[bflag:$0x0] =	sbarrier.arrive $0xFFFF  }
0x1a6: {  	[hbm:s8], [sflag:s1] =	dma.local @!p0 [spmem:s10], $0x186A0  }
.Ltmp3:
0x1a7: {  	_ = 	snop;
	(pc) =	sbr.rel @p1 .LBB2_1-.Ltmp3, $4  }
0x1a8: {  	s1 =	simm.s32 @!p0 $0x5  }
0x1a9: {  	_ =	swait.ge @!p0 [sflag:s1], $0x186A0  }
0x1aa: {  	[sflag:s1] =	ssyncset.done @!p0 $0x0  }
0x1ab: {  	[sflag:s1] =	ssyncadd.s32 @!p0 $0xFFFE7960  }
0x1ac: {  	_ =	sfence.sel $0x180000  }
0x1ad: {  	[bflag:$0x0] =	sbarrier.arrive $0xFFFF  }
0x1ae: {  	_ =	strace $0x90000047  }
0x1af: {  	[bflag:$0x2] =	sbarrier.arrive $0xFFFF  }
0x1b0: {  	s0 =	rddreg [dreg:$0x3]  }
0x1b1: {  	s0 =	sadd.s32 @!p0 $0x100000, s0  }
0x1b2: {  	[sflag:s0] =	ssyncadd.tile.s32 @!p0 $0x1;
	_ =	shalt  }
.Lfunc_end2:
_tile_overlayer_lowered:
.L_overlay_start_2:
0x1b3: {  	(tag) =	ssettag $0x2  }
0x1b4: {  	s0 =	rddreg [dreg:$0x0];
	s2 =	stileid.u32  }
0x1b5: {  	s1 =	rddreg [dreg:$0x1];
	p0 =	sne.s32 s2, $0x0  }
0x1b6: {  	s3 =	rddreg [dreg:$0x2];
	[bflag:$0x3] =	sbarrier.arrive $0xFFFF;
	s2 =	simm.s32 @!p0 $0x1C05  }
0x1b7: {  	[timem:s3], [sflag:s2] =	dma.local @!p0 [hbm:s0], s1  }
0x1b8: {  	s0 =	simm.s32 @!p0 $0x5  }
0x1b9: {  	_ =	swait.ge @!p0 [sflag:s0], s1  }
0x1ba: {  	s1 =	ssub.s32 @!p0 $0x0, s1;
	[sflag:s0] =	ssyncset.done @!p0 $0x0  }
0x1bb: {  	[sflag:s0] =	ssyncadd.s32 @!p0 s1  }
0x1bc: {  	[bflag:$0x3] =	sbarrier.arrive $0xFFFF  }
0x1bd: {  	_ =	shalt  }

</sc_bundles>
